<compile_context>
chip_gen: v7x
topology: tpu7x:2x2x1
jax: 0.10.2.dev20260603
libtpu: 0.0.44.dev20260713+nightly
codegen_flags: <defaults>
</compile_context>

<pallas_src>
import functools

import jax
import jax.numpy as jnp
from jax import lax
from jax.experimental import pallas as pl
from jax.experimental.pallas import tpu as pltpu
from jax.experimental.pallas import tpu_sc as plsc

N = 10000
E = 320000
D = 128

NC = 2
NS = 16
NW = NC * NS
K = 128

NPAD = ((N + NW * 8 - 1) // (NW * 8)) * NW * 8
RPS = NPAD // NS
CHUNKS = ((-(-E // (NW * K)) + 7) // 8) * 8
EPT = CHUNKS * K
EPAD = NW * EPT
NCHUNKS = NW * CHUNKS

CMAX = CHUNKS
IDXROWS = NCHUNKS

_mesh = plsc.VectorSubcoreMesh(core_axis_name="c", subcore_axis_name="s")


def _wid():
    return lax.axis_index("c") * NS + lax.axis_index("s")


@functools.partial(
    pl.kernel,
    out_type=jax.ShapeDtypeStruct((NC * NPAD,), jnp.float32),
    mesh=_mesh,
    scratch_types=[
        pltpu.VMEM_SHARED((NPAD,), jnp.float32),
        pltpu.VMEM((CHUNKS, K), jnp.int32),
        pltpu.VMEM((K,), jnp.float32),
    ],
)
def _sc_degree(col2d, zeros1, deg_out, acc, call, ones):
    core = lax.axis_index("c")
    sid = lax.axis_index("s")
    w = _wid()
    pltpu.sync_copy(zeros1.at[pl.ds(sid * RPS, RPS)], acc.at[pl.ds(sid * RPS, RPS)])
    pltpu.sync_copy(col2d.at[pl.ds(w * CHUNKS, CHUNKS)], call)
    for j in range(K // 16):
        ones[pl.ds(j * 16, 16)] = jnp.ones((16,), jnp.float32)
    plsc.subcore_barrier()

    def step(i, c):
        pltpu.sync_copy(ones, acc.at[call.at[i]], add=True)
        return c

    lax.fori_loop(0, CHUNKS, step, 0)
    plsc.subcore_barrier()
    pltpu.sync_copy(
        acc.at[pl.ds(sid * RPS, RPS)],
        deg_out.at[pl.ds(core * NPAD + sid * RPS, RPS)],
    )


@functools.partial(
    pl.kernel,
    out_type=jax.ShapeDtypeStruct((NC * NPAD, D), jnp.float32),
    mesh=_mesh,
    scratch_types=[
        pltpu.VMEM_SHARED((NPAD, D), jnp.float32),
        pltpu.VMEM((CMAX // 2, K), jnp.int32),
        pltpu.VMEM((CMAX // 2, K), jnp.int32),
        pltpu.VMEM((K, D), jnp.float32),
        pltpu.VMEM((K, D), jnp.float32),
        pltpu.SemaphoreType.DMA,
        pltpu.SemaphoreType.DMA,
    ],
)
def _sc_scatter(hs, row2d, col2d, zeros2, acc_out, acc, rall, call, msg0, msg1, sem0, sem1):
    core = lax.axis_index("c")
    sid = lax.axis_index("s")
    base = _wid() * CHUNKS
    hc = CHUNKS // 2
    pltpu.sync_copy(zeros2.at[pl.ds(sid * RPS, RPS)], acc.at[pl.ds(sid * RPS, RPS)])
    plsc.subcore_barrier()

    for h in range(2):
        off = base + h * hc
        pltpu.sync_copy(row2d.at[pl.ds(off, CMAX // 2)], rall)
        pltpu.sync_copy(col2d.at[pl.ds(off, CMAX // 2)], call)

        pltpu.async_copy(hs.at[rall.at[0]], msg0, sem0)

        def step(g, c):
            i0 = 2 * g
            i1 = i0 + 1
            i2 = jnp.minimum(i1 + 1, hc - 1)
            pltpu.make_async_copy(hs.at[rall.at[i0]], msg0, sem0).wait()
            pltpu.async_copy(hs.at[rall.at[i1]], msg1, sem1)
            pltpu.sync_copy(msg0, acc.at[call.at[i0]], add=True)
            pltpu.make_async_copy(hs.at[rall.at[i1]], msg1, sem1).wait()
            pltpu.async_copy(hs.at[rall.at[i2]], msg0, sem0)
            pltpu.sync_copy(msg1, acc.at[call.at[i1]], add=True)
            return c

        lax.fori_loop(0, hc // 2, step, 0)
        pltpu.make_async_copy(hs.at[rall.at[0]], msg0, sem0).wait()

    plsc.subcore_barrier()
    pltpu.sync_copy(
        acc.at[pl.ds(sid * RPS, RPS)],
        acc_out.at[pl.ds(core * NPAD + sid * RPS, RPS)],
    )


@functools.partial(
    pl.kernel,
    out_type=jax.ShapeDtypeStruct((EPAD, D), jnp.float32),
    mesh=_mesh,
    scratch_types=[
        pltpu.VMEM((CMAX, K), jnp.int32),
        pltpu.VMEM((CMAX, K), jnp.int32),
        pltpu.VMEM((K, D), jnp.float32),
        pltpu.VMEM((K, D), jnp.float32),
        pltpu.VMEM((K, D), jnp.float32),
        pltpu.VMEM((K, D), jnp.float32),
        pltpu.VMEM((K, D), jnp.float32),
        pltpu.VMEM((K, D), jnp.float32),
        pltpu.SemaphoreType.DMA,
        pltpu.SemaphoreType.DMA,
        pltpu.SemaphoreType.DMA,
        pltpu.SemaphoreType.DMA,
    ],
)
def _sc_edge(z, row2d, col2d, out, rall, call, bs0, bd0, bs1, bd1, ob0, ob1, semA, semB, semO0, semO1):
    base = _wid() * CHUNKS
    nch = CHUNKS
    ebase = base * K
    pltpu.sync_copy(row2d.at[pl.ds(base, CMAX)], rall)
    pltpu.sync_copy(col2d.at[pl.ds(base, CMAX)], call)

    def issue(i, bs, bd, sem):
        pltpu.async_copy(z.at[rall.at[i]], bs, sem)
        pltpu.async_copy(z.at[call.at[i]], bd, sem)

    def drain(bs, bd, sem):
        pltpu.make_async_copy(z.at[rall.at[0]], bs, sem).wait()
        pltpu.make_async_copy(z.at[call.at[0]], bd, sem).wait()

    def compute(i, bs, bd, obx, semO, g):
        @pl.when(g > 0)
        def _():
            pltpu.make_async_copy(obx, out.at[pl.ds(ebase, K)], semO).wait()

        def edge(e, c2):
            for j in range(D // 16):
                obx[e, pl.ds(j * 16, 16)] = (
                    bs[e, pl.ds(j * 16, 16)] + bd[e, pl.ds(j * 16, 16)]
                ) * 0.5
            return c2

        lax.fori_loop(0, K, edge, 0)
        pltpu.async_copy(obx, out.at[pl.ds(ebase + i * K, K)], semO)

    issue(0, bs0, bd0, semA)

    def chunk(g, c):
        i0 = 2 * g
        i1 = i0 + 1
        i2 = jnp.minimum(i1 + 1, nch - 1)
        drain(bs0, bd0, semA)
        issue(i1, bs1, bd1, semB)
        compute(i0, bs0, bd0, ob0, semO0, g)
        drain(bs1, bd1, semB)
        issue(i2, bs0, bd0, semA)
        compute(i1, bs1, bd1, ob1, semO1, g)
        return c

    lax.fori_loop(0, nch // 2, chunk, 0)
    drain(bs0, bd0, semA)
    pltpu.make_async_copy(ob0, out.at[pl.ds(ebase, K)], semO0).wait()
    pltpu.make_async_copy(ob1, out.at[pl.ds(ebase, K)], semO1).wait()


BR = 2560


def _bf16_dot(a, b):
    return jnp.dot(
        a.astype(jnp.bfloat16),
        b.astype(jnp.bfloat16),
        preferred_element_type=jnp.float32,
    )


def _dot3x(a, b):
    ah = a.astype(jnp.bfloat16)
    bh = b.astype(jnp.bfloat16)
    al = (a - ah.astype(jnp.float32)).astype(jnp.bfloat16)
    bl = (b - bh.astype(jnp.float32)).astype(jnp.bfloat16)

    def d(p, q):
        return jnp.dot(p, q, preferred_element_type=jnp.float32)

    return d(ah, bh) + (d(ah, bl) + d(al, bh))


def _tc_a_body(x_ref, w_ref, degp_ref, hs_ref, dinv_ref):
    deg = degp_ref[0] + degp_ref[1] + 1.0
    dinv = lax.rsqrt(deg)
    dinv_ref[...] = dinv
    hs_ref[...] = _bf16_dot(x_ref[...], w_ref[...]) * dinv


_tc_a = pl.pallas_call(
    _tc_a_body,
    grid=(NPAD // BR,),
    in_specs=[
        pl.BlockSpec((BR, D), lambda i: (i, 0)),
        pl.BlockSpec((D, D), lambda i: (0, 0)),
        pl.BlockSpec((2, BR, 1), lambda i: (0, i, 0)),
    ],
    out_specs=[
        pl.BlockSpec((BR, D), lambda i: (i, 0)),
        pl.BlockSpec((BR, 1), lambda i: (i, 0)),
    ],
    out_shape=[
        jax.ShapeDtypeStruct((NPAD, D), jnp.float32),
        jax.ShapeDtypeStruct((NPAD, 1), jnp.float32),
    ],
)


def _tc_b_body(acc_ref, hs_ref, dinv_ref, b_ref, w_ref, out_ref):
    z = (acc_ref[0] + acc_ref[1] + hs_ref[...]) * dinv_ref[...] + b_ref[...]
    z = jnp.maximum(z, 0.0)
    out_ref[...] = _bf16_dot(z, w_ref[...]) * dinv_ref[...]


_tc_b = pl.pallas_call(
    _tc_b_body,
    grid=(NPAD // BR,),
    in_specs=[
        pl.BlockSpec((2, BR, D), lambda i: (0, i, 0)),
        pl.BlockSpec((BR, D), lambda i: (i, 0)),
        pl.BlockSpec((BR, 1), lambda i: (i, 0)),
        pl.BlockSpec((1, D), lambda i: (0, 0)),
        pl.BlockSpec((D, D), lambda i: (0, 0)),
    ],
    out_specs=pl.BlockSpec((BR, D), lambda i: (i, 0)),
    out_shape=jax.ShapeDtypeStruct((NPAD, D), jnp.float32),
)


def _tc_c_body(acc_ref, hs_ref, dinv_ref, b_ref, z_ref):
    z_ref[...] = (acc_ref[0] + acc_ref[1] + hs_ref[...]) * dinv_ref[...] + b_ref[...]


_tc_c = pl.pallas_call(
    _tc_c_body,
    grid=(NPAD // BR,),
    in_specs=[
        pl.BlockSpec((2, BR, D), lambda i: (0, i, 0)),
        pl.BlockSpec((BR, D), lambda i: (i, 0)),
        pl.BlockSpec((BR, 1), lambda i: (i, 0)),
        pl.BlockSpec((1, D), lambda i: (0, 0)),
    ],
    out_specs=pl.BlockSpec((BR, D), lambda i: (i, 0)),
    out_shape=jax.ShapeDtypeStruct((NPAD, D), jnp.float32),
)


def _tc_e_body(er_ref, w1_ref, b1_ref, w2_ref, b2_ref, out_ref):
    h = jnp.maximum(_bf16_dot(er_ref[...], w1_ref[...]) + b1_ref[...], 0.0)
    out_ref[...] = _bf16_dot(h, w2_ref[...]) + b2_ref[...]


BE = 8192

_tc_e = pl.pallas_call(
    _tc_e_body,
    grid=(EPAD // BE,),
    in_specs=[
        pl.BlockSpec((BE, D), lambda i: (i, 0)),
        pl.BlockSpec((D, D), lambda i: (0, 0)),
        pl.BlockSpec((1, D), lambda i: (0, 0)),
        pl.BlockSpec((D, 1), lambda i: (0, 0)),
        pl.BlockSpec((1, 1), lambda i: (0, 0)),
    ],
    out_specs=pl.BlockSpec((BE, 1), lambda i: (i, 0)),
    out_shape=jax.ShapeDtypeStruct((EPAD, 1), jnp.float32),
)


def kernel(x, edge_index, W1, b1, W2, b2, LW1, Lb1, LW2, Lb2):
    pad_e = IDXROWS * K - E
    rowp = jnp.concatenate([edge_index[0], jnp.zeros((pad_e,), jnp.int32)])
    colp = jnp.concatenate([edge_index[1], jnp.full((pad_e,), N, jnp.int32)])
    row2d = rowp.reshape(IDXROWS, K)
    col2d = colp.reshape(IDXROWS, K)
    xp = jnp.pad(x, ((0, NPAD - N), (0, 0)))
    zeros1 = jnp.zeros((NPAD,), jnp.float32)
    zeros2 = jnp.zeros((NPAD, D), jnp.float32)

    degp = _sc_degree(col2d, zeros1).reshape(2, NPAD, 1)
    hs1, dinv = _tc_a(xp, W1, degp)
    acc1 = _sc_scatter(hs1, row2d, col2d, zeros2).reshape(2, NPAD, D)
    hs2 = _tc_b(acc1, hs1, dinv, b1.reshape(1, D), W2)
    acc2 = _sc_scatter(hs2, row2d, col2d, zeros2).reshape(2, NPAD, D)
    z2 = _tc_c(acc2, hs2, dinv, b2.reshape(1, D))
    er = _sc_edge(z2, row2d, col2d)
    out = _tc_e(er, LW1, Lb1.reshape(1, D), LW2, Lb2.reshape(1, 1))
    return out.reshape(EPAD)[:E]

# --- scband reference (transcript-rebuilt; emitter-appended) ---
"""Pipeline reference for scband-gcnlink-predictor-v2-3212635537795 (READ-ONLY COPY).

The authoritative reference and input builder live on the scoring server;
editing this copy changes nothing except your own understanding.
"""

import jax, jax.numpy as jnp
import numpy as np

N = 10000
E = 320000
D = 128
H = 128


def _glorot(key, shape):
    fan_in, fan_out = shape[0], shape[1]
    limit = np.sqrt(6.0 / (fan_in + fan_out))
    return jax.random.uniform(key, shape, dtype=jnp.float32, minval=-limit, maxval=limit)


def setup_inputs(seed: int = 0) -> dict:
    key = jax.random.key(seed)
    ks = jax.random.split(key, 8)
    x = jax.random.normal(ks[0], (N, D), dtype=jnp.float32)
    edge_index = jax.random.randint(ks[1], (2, E), 0, N, dtype=jnp.int32)
    W1 = _glorot(ks[2], (D, H))
    b1 = jnp.zeros((H,), dtype=jnp.float32)
    W2 = _glorot(ks[3], (H, H))
    b2 = jnp.zeros((H,), dtype=jnp.float32)
    LW1 = _glorot(ks[4], (H, H))
    Lb1 = jnp.zeros((H,), dtype=jnp.float32)
    LW2 = _glorot(ks[5], (H, 1))
    Lb2 = jnp.zeros((1,), dtype=jnp.float32)
    return {"x": x, "edge_index": edge_index, "W1": W1, "b1": b1, "W2": W2, "b2": b2, "LW1": LW1, "Lb1": Lb1, "LW2": LW2, "Lb2": Lb2}


def gcn_conv(x, edge_index, W, b):
    # GCNConv: add self-loops, symmetric normalization D^-1/2 (A+I) D^-1/2 X W + b
    n = x.shape[0]
    loops = jnp.arange(n, dtype=edge_index.dtype)
    row = jnp.concatenate([edge_index[0], loops])
    col = jnp.concatenate([edge_index[1], loops])
    ones = jnp.ones(row.shape[0], dtype=x.dtype)
    deg = jax.ops.segment_sum(ones, col, num_segments=n)
    deg_inv_sqrt = jnp.where(deg > 0, 1.0 / jnp.sqrt(deg), 0.0)
    norm = deg_inv_sqrt[row] * deg_inv_sqrt[col]
    h = x @ W
    msg = h[row] * norm[:, None]
    out = jax.ops.segment_sum(msg, col, num_segments=n)
    return out + b


def reference(x, edge_index, W1, b1, W2, b2, LW1, Lb1, LW2, Lb2):
    # encode
    z = jax.nn.relu(gcn_conv(x, edge_index, W1, b1))
    z = gcn_conv(z, edge_index, W2, b2)
    # decode: link prediction on the same edge set
    edge_repr = (z[edge_index[0]] + z[edge_index[1]]) / 2.0
    h = jax.nn.relu(edge_repr @ LW1 + Lb1)
    out = (h @ LW2 + Lb2).reshape(-1)
    return out

if __name__ == "__main__":
    import jax
    _d = setup_inputs()
    print(jax.jit(kernel)(*tuple(_d.values())))

</pallas_src>

<mosaic_0001>
#map = affine_map<(d0, d1) -> (0, 0)>
#map1 = affine_map<(d0, d1) -> (0)>
module attributes {stable_mosaic.version = 14 : i64} {
  func.func @_sc_degree(%arg0: i32, %arg1: i32, %arg2: memref<2560x128xi32, #tpu.memory_space<hbm>>, %arg3: memref<10240xf32, #tpu.memory_space<hbm>>, %arg4: memref<20480xf32, #tpu.memory_space<hbm>>, %arg5: memref<10240xf32, #tpu.memory_space<vmem_shared>>, %arg6: memref<80x128xi32, #tpu.memory_space<vmem>>, %arg7: memref<128xf32, #tpu.memory_space<vmem>>) attributes {dimension_semantics = [#tpu.dimension_semantics<core_parallel>, #tpu.dimension_semantics<subcore_parallel>], iteration_bounds = array<i64: 2, 16>, scalar_prefetch = 0 : i64, scratch_operands = 3 : i64, tpu.core_type = #tpu.core_type<sc_vector_subcore>, window_params = [{transform_indices = #map}, {transform_indices = #map1}, {transform_indices = #map1}]} {
    %mul3A = arith.constant 16 : i32
    %mul3A_0 = arith.muli %arg0, %mul3A : i32
    %add3A = arith.addi %mul3A_0, %arg1 : i32
    %mul3A_1 = arith.constant 640 : i32
    %mul3A_2 = arith.muli %arg1, %mul3A_1 : i32
    %mul3A_3 = arith.constant 640 : i32
    %mul3A_4 = arith.muli %arg1, %mul3A_3 : i32
    "tpu.region"() ({
      %run_scoped3A = tpu.sem_alloc : memref<!tpu.dma_semaphore, #tpu.memory_space<semaphore_mem>>
      %dma_start3A = tpu.memref_slice %arg5[%mul3A_4] : memref<10240xf32, #tpu.memory_space<vmem_shared>> -> memref<640xf32, #tpu.memory_space<vmem_shared>>
      %dma_start3A_66 = tpu.memref_slice %arg3[%mul3A_2] : memref<10240xf32, #tpu.memory_space<hbm>> -> memref<640xf32, #tpu.memory_space<hbm>>
      tpu.enqueue_dma source(%dma_start3A_66 : memref<640xf32, #tpu.memory_space<hbm>>) target(%dma_start3A : memref<640xf32, #tpu.memory_space<vmem_shared>>) target_semaphore(%run_scoped3A : memref<!tpu.dma_semaphore, #tpu.memory_space<semaphore_mem>>)
      %dma_wait3A = tpu.memref_slice %arg5[%mul3A_4] : memref<10240xf32, #tpu.memory_space<vmem_shared>> -> memref<640xf32, #tpu.memory_space<vmem_shared>>
      %dma_wait3A_67 = tpu.memref_slice %arg3[%mul3A_2] : memref<10240xf32, #tpu.memory_space<hbm>> -> memref<640xf32, #tpu.memory_space<hbm>>
      tpu.wait_dma2 semaphore(%run_scoped3A : memref<!tpu.dma_semaphore, #tpu.memory_space<semaphore_mem>>) src(%dma_wait3A_67 : memref<640xf32, #tpu.memory_space<hbm>>) dst(%dma_wait3A : memref<640xf32, #tpu.memory_space<vmem_shared>>)
      tpu.yield
    }) : () -> ()
    %mul3A_5 = arith.constant 80 : i32
    %mul3A_6 = arith.muli %add3A, %mul3A_5 : i32
    "tpu.region"() ({
      %run_scoped3A = tpu.sem_alloc : memref<!tpu.dma_semaphore, #tpu.memory_space<semaphore_mem>>
      %dma_start3A = arith.constant 0 : i32
      %dma_start3A_66 = tpu.memref_slice %arg2[%mul3A_6, %dma_start3A] : memref<2560x128xi32, #tpu.memory_space<hbm>> -> memref<80x128xi32, #tpu.memory_space<hbm>>
      %dma_start3A_67 = arith.constant 0 : i32
      %dma_start3A_68 = tpu.memref_slice %arg2[%mul3A_6, %dma_start3A_67] : memref<2560x128xi32, #tpu.memory_space<hbm>> -> memref<80x128xi32, #tpu.memory_space<hbm>>
      tpu.enqueue_dma source(%dma_start3A_68 : memref<80x128xi32, #tpu.memory_space<hbm>>) target(%arg6 : memref<80x128xi32, #tpu.memory_space<vmem>>) target_semaphore(%run_scoped3A : memref<!tpu.dma_semaphore, #tpu.memory_space<semaphore_mem>>)
      %dma_wait3A = arith.constant 0 : i32
      %dma_wait3A_69 = tpu.memref_slice %arg2[%mul3A_6, %dma_wait3A] : memref<2560x128xi32, #tpu.memory_space<hbm>> -> memref<80x128xi32, #tpu.memory_space<hbm>>
      %dma_wait3A_70 = arith.constant 0 : i32
      %dma_wait3A_71 = tpu.memref_slice %arg2[%mul3A_6, %dma_wait3A_70] : memref<2560x128xi32, #tpu.memory_space<hbm>> -> memref<80x128xi32, #tpu.memory_space<hbm>>
      tpu.wait_dma2 semaphore(%run_scoped3A : memref<!tpu.dma_semaphore, #tpu.memory_space<semaphore_mem>>) src(%dma_wait3A_71 : memref<80x128xi32, #tpu.memory_space<hbm>>) dst(%arg6 : memref<80x128xi32, #tpu.memory_space<vmem>>)
      tpu.yield
    }) : () -> ()
    %broadcast_in_dim3A = arith.constant 1.000000e+00 : f32
    %broadcast_in_dim3A_7 = vector.broadcast %broadcast_in_dim3A : f32 to vector<16xf32>
    %swap3A = arith.constant 0 : index
    %swap3A_8 = tpu.vector_load %arg7[%swap3A] {strides = array<i32>} : memref<128xf32, #tpu.memory_space<vmem>>, vector<16xf32>,
    %swap3A_9 = vector.shape_cast %swap3A_8 : vector<16xf32> to vector<16xf32>
    %swap3A_10 = vector.shape_cast %broadcast_in_dim3A_7 : vector<16xf32> to vector<16xf32>
    tpu.vector_store %arg7[%swap3A], %swap3A_10 {strides = array<i32>} : memref<128xf32, #tpu.memory_space<vmem>>, vector<16xf32>,
    %broadcast_in_dim3A_11 = arith.constant 1.000000e+00 : f32
    %broadcast_in_dim3A_12 = vector.broadcast %broadcast_in_dim3A_11 : f32 to vector<16xf32>
    %swap3A_13 = arith.constant 16 : index
    %swap3A_14 = tpu.vector_load %arg7[%swap3A_13] {strides = array<i32>} : memref<128xf32, #tpu.memory_space<vmem>>, vector<16xf32>,
    %swap3A_15 = vector.shape_cast %swap3A_14 : vector<16xf32> to vector<16xf32>
    %swap3A_16 = vector.shape_cast %broadcast_in_dim3A_12 : vector<16xf32> to vector<16xf32>
    tpu.vector_store %arg7[%swap3A_13], %swap3A_16 {strides = array<i32>} : memref<128xf32, #tpu.memory_space<vmem>>, vector<16xf32>,
    %broadcast_in_dim3A_17 = arith.constant 1.000000e+00 : f32
    %broadcast_in_dim3A_18 = vector.broadcast %broadcast_in_dim3A_17 : f32 to vector<16xf32>
    %swap3A_19 = arith.constant 32 : index
    %swap3A_20 = tpu.vector_load %arg7[%swap3A_19] {strides = array<i32>} : memref<128xf32, #tpu.memory_space<vmem>>, vector<16xf32>,
    %swap3A_21 = vector.shape_cast %swap3A_20 : vector<16xf32> to vector<16xf32>
    %swap3A_22 = vector.shape_cast %broadcast_in_dim3A_18 : vector<16xf32> to vector<16xf32>
    tpu.vector_store %arg7[%swap3A_19], %swap3A_22 {strides = array<i32>} : memref<128xf32, #tpu.memory_space<vmem>>, vector<16xf32>,
    %broadcast_in_dim3A_23 = arith.constant 1.000000e+00 : f32
    %broadcast_in_dim3A_24 = vector.broadcast %broadcast_in_dim3A_23 : f32 to vector<16xf32>
    %swap3A_25 = arith.constant 48 : index
    %swap3A_26 = tpu.vector_load %arg7[%swap3A_25] {strides = array<i32>} : memref<128xf32, #tpu.memory_space<vmem>>, vector<16xf32>,
    %swap3A_27 = vector.shape_cast %swap3A_26 : vector<16xf32> to vector<16xf32>
    %swap3A_28 = vector.shape_cast %broadcast_in_dim3A_24 : vector<16xf32> to vector<16xf32>
    tpu.vector_store %arg7[%swap3A_25], %swap3A_28 {strides = array<i32>} : memref<128xf32, #tpu.memory_space<vmem>>, vector<16xf32>,
    %broadcast_in_dim3A_29 = arith.constant 1.000000e+00 : f32
    %broadcast_in_dim3A_30 = vector.broadcast %broadcast_in_dim3A_29 : f32 to vector<16xf32>
    %swap3A_31 = arith.constant 64 : index
    %swap3A_32 = tpu.vector_load %arg7[%swap3A_31] {strides = array<i32>} : memref<128xf32, #tpu.memory_space<vmem>>, vector<16xf32>,
    %swap3A_33 = vector.shape_cast %swap3A_32 : vector<16xf32> to vector<16xf32>
    %swap3A_34 = vector.shape_cast %broadcast_in_dim3A_30 : vector<16xf32> to vector<16xf32>
    tpu.vector_store %arg7[%swap3A_31], %swap3A_34 {strides = array<i32>} : memref<128xf32, #tpu.memory_space<vmem>>, vector<16xf32>,
    %broadcast_in_dim3A_35 = arith.constant 1.000000e+00 : f32
    %broadcast_in_dim3A_36 = vector.broadcast %broadcast_in_dim3A_35 : f32 to vector<16xf32>
    %swap3A_37 = arith.constant 80 : index
    %swap3A_38 = tpu.vector_load %arg7[%swap3A_37] {strides = array<i32>} : memref<128xf32, #tpu.memory_space<vmem>>, vector<16xf32>,
    %swap3A_39 = vector.shape_cast %swap3A_38 : vector<16xf32> to vector<16xf32>
    %swap3A_40 = vector.shape_cast %broadcast_in_dim3A_36 : vector<16xf32> to vector<16xf32>
    tpu.vector_store %arg7[%swap3A_37], %swap3A_40 {strides = array<i32>} : memref<128xf32, #tpu.memory_space<vmem>>, vector<16xf32>,
    %broadcast_in_dim3A_41 = arith.constant 1.000000e+00 : f32
    %broadcast_in_dim3A_42 = vector.broadcast %broadcast_in_dim3A_41 : f32 to vector<16xf32>
    %swap3A_43 = arith.constant 96 : index
    %swap3A_44 = tpu.vector_load %arg7[%swap3A_43] {strides = array<i32>} : memref<128xf32, #tpu.memory_space<vmem>>, vector<16xf32>,
    %swap3A_45 = vector.shape_cast %swap3A_44 : vector<16xf32> to vector<16xf32>
    %swap3A_46 = vector.shape_cast %broadcast_in_dim3A_42 : vector<16xf32> to vector<16xf32>
    tpu.vector_store %arg7[%swap3A_43], %swap3A_46 {strides = array<i32>} : memref<128xf32, #tpu.memory_space<vmem>>, vector<16xf32>,
    %broadcast_in_dim3A_47 = arith.constant 1.000000e+00 : f32
    %broadcast_in_dim3A_48 = vector.broadcast %broadcast_in_dim3A_47 : f32 to vector<16xf32>
    %swap3A_49 = arith.constant 112 : index
    %swap3A_50 = tpu.vector_load %arg7[%swap3A_49] {strides = array<i32>} : memref<128xf32, #tpu.memory_space<vmem>>, vector<16xf32>,
    %swap3A_51 = vector.shape_cast %swap3A_50 : vector<16xf32> to vector<16xf32>
    %swap3A_52 = vector.shape_cast %broadcast_in_dim3A_48 : vector<16xf32> to vector<16xf32>
    tpu.vector_store %arg7[%swap3A_49], %swap3A_52 {strides = array<i32>} : memref<128xf32, #tpu.memory_space<vmem>>, vector<16xf32>,
    %barrier3A = arith.constant 0 : index
    tpu.barrier barrier_id(%barrier3A)
    %scan3A = arith.constant 0 : i32
    %scan3A_53 = arith.constant 0 : i32
    %scan3A_54 = arith.constant 80 : i32
    %scan3A_55 = arith.addi %scan3A_53, %scan3A_54 : i32
    %scan3A_56 = arith.constant 1 : i32
    scf.for %scan3A_66 = %scan3A_53 to %scan3A_55 step %scan3A_56  : i32 {
      "tpu.region"() ({
        %run_scoped3A = tpu.sem_alloc : memref<!tpu.dma_semaphore, #tpu.memory_space<semaphore_mem>>
        %dma_start3A = arith.constant 0 : i32
        %dma_start3A_67 = tpu.memref_slice %arg6[%scan3A_66, %dma_start3A] : memref<80x128xi32, #tpu.memory_space<vmem>> -> memref<1x128xi32, #tpu.memory_space<vmem>>
        %dma_start3A_68 = tpu.memref_squeeze %dma_start3A_67 : memref<1x128xi32, #tpu.memory_space<vmem>> -> memref<128xi32, #tpu.memory_space<vmem>>
        %dma_start3A_69 = arith.constant 0 : i32
        %dma_start3A_70 = tpu.memref_slice %arg5[%dma_start3A_69] : memref<10240xf32, #tpu.memory_space<vmem_shared>> -> memref<10240xf32, #tpu.memory_space<vmem_shared>>
        tpu.enqueue_indirect_dma source(%arg7 : memref<128xf32, #tpu.memory_space<vmem>>) target(%dma_start3A_70 : memref<10240xf32, #tpu.memory_space<vmem_shared>>) offsets(%dma_start3A_68 : memref<128xi32, #tpu.memory_space<vmem>>) semaphore(%run_scoped3A : memref<!tpu.dma_semaphore, #tpu.memory_space<semaphore_mem>>) {add = true}
        %dma_wait3A = arith.constant 0 : i32
        %dma_wait3A_71 = tpu.memref_slice %arg6[%scan3A_66, %dma_wait3A] : memref<80x128xi32, #tpu.memory_space<vmem>> -> memref<1x128xi32, #tpu.memory_space<vmem>>
        %dma_wait3A_72 = tpu.memref_squeeze %dma_wait3A_71 : memref<1x128xi32, #tpu.memory_space<vmem>> -> memref<128xi32, #tpu.memory_space<vmem>>
        %dma_wait3A_73 = arith.constant 0 : i32
        %dma_wait3A_74 = tpu.memref_slice %arg5[%dma_wait3A_73] : memref<10240xf32, #tpu.memory_space<vmem_shared>> -> memref<10240xf32, #tpu.memory_space<vmem_shared>>
        tpu.wait_indirect_dma semaphore(%run_scoped3A : memref<!tpu.dma_semaphore, #tpu.memory_space<semaphore_mem>>) src(%arg7 : memref<128xf32, #tpu.memory_space<vmem>>) dst(%dma_wait3A_74 : memref<10240xf32, #tpu.memory_space<vmem_shared>>)
        tpu.yield
      }) : () -> ()
    }
    %scan3A_57 = arith.constant 80 : i32
    %barrier3A_58 = arith.constant 0 : index
    tpu.barrier barrier_id(%barrier3A_58)
    %mul3A_59 = arith.constant 640 : i32
    %mul3A_60 = arith.muli %arg1, %mul3A_59 : i32
    %mul3A_61 = arith.constant 10240 : i32
    %mul3A_62 = arith.muli %arg0, %mul3A_61 : i32
    %mul3A_63 = arith.constant 640 : i32
    %mul3A_64 = arith.muli %arg1, %mul3A_63 : i32
    %add3A_65 = arith.addi %mul3A_62, %mul3A_64 : i32
    "tpu.region"() ({
      %run_scoped3A = tpu.sem_alloc : memref<!tpu.dma_semaphore, #tpu.memory_space<semaphore_mem>>
      %dma_start3A = tpu.memref_slice %arg4[%add3A_65] : memref<20480xf32, #tpu.memory_space<hbm>> -> memref<640xf32, #tpu.memory_space<hbm>>
      %dma_start3A_66 = tpu.memref_slice %arg5[%mul3A_60] : memref<10240xf32, #tpu.memory_space<vmem_shared>> -> memref<640xf32, #tpu.memory_space<vmem_shared>>
      tpu.enqueue_dma source(%dma_start3A_66 : memref<640xf32, #tpu.memory_space<vmem_shared>>) target(%dma_start3A : memref<640xf32, #tpu.memory_space<hbm>>) target_semaphore(%run_scoped3A : memref<!tpu.dma_semaphore, #tpu.memory_space<semaphore_mem>>)
      %dma_wait3A = tpu.memref_slice %arg4[%add3A_65] : memref<20480xf32, #tpu.memory_space<hbm>> -> memref<640xf32, #tpu.memory_space<hbm>>
      %dma_wait3A_67 = tpu.memref_slice %arg5[%mul3A_60] : memref<10240xf32, #tpu.memory_space<vmem_shared>> -> memref<640xf32, #tpu.memory_space<vmem_shared>>
      tpu.wait_dma2 semaphore(%run_scoped3A : memref<!tpu.dma_semaphore, #tpu.memory_space<semaphore_mem>>) src(%dma_wait3A_67 : memref<640xf32, #tpu.memory_space<vmem_shared>>) dst(%dma_wait3A : memref<640xf32, #tpu.memory_space<hbm>>)
      tpu.yield
    }) : () -> ()
    return
  }
}

#map = affine_map<(d0, d1) -> (0, 0)>
module attributes {stable_mosaic.version = 14 : i64} {
  func.func @_sc_scatter(%arg0: i32, %arg1: i32, %arg2: memref<10240x128xf32, #tpu.memory_space<hbm>>, %arg3: memref<2560x128xi32, #tpu.memory_space<hbm>>, %arg4: memref<2560x128xi32, #tpu.memory_space<hbm>>, %arg5: memref<10240x128xf32, #tpu.memory_space<hbm>>, %arg6: memref<20480x128xf32, #tpu.memory_space<hbm>>, %arg7: memref<10240x128xf32, #tpu.memory_space<vmem_shared>>, %arg8: memref<40x128xi32, #tpu.memory_space<vmem>>, %arg9: memref<40x128xi32, #tpu.memory_space<vmem>>, %arg10: memref<128x128xf32, #tpu.memory_space<vmem>>, %arg11: memref<128x128xf32, #tpu.memory_space<vmem>>, %arg12: memref<!tpu.dma_semaphore, #tpu.memory_space<semaphore_mem>>, %arg13: memref<!tpu.dma_semaphore, #tpu.memory_space<semaphore_mem>>) attributes {dimension_semantics = [#tpu.dimension_semantics<core_parallel>, #tpu.dimension_semantics<subcore_parallel>], iteration_bounds = array<i64: 2, 16>, scalar_prefetch = 0 : i64, scratch_operands = 7 : i64, tpu.core_type = #tpu.core_type<sc_vector_subcore>, window_params = [{transform_indices = #map}, {transform_indices = #map}, {transform_indices = #map}, {transform_indices = #map}, {transform_indices = #map}]} {
    %mul3A = arith.constant 16 : i32
    %mul3A_0 = arith.muli %arg0, %mul3A : i32
    %add3A = arith.addi %mul3A_0, %arg1 : i32
    %mul3A_1 = arith.constant 80 : i32
    %mul3A_2 = arith.muli %add3A, %mul3A_1 : i32
    %mul3A_3 = arith.constant 640 : i32
    %mul3A_4 = arith.muli %arg1, %mul3A_3 : i32
    %mul3A_5 = arith.constant 640 : i32
    %mul3A_6 = arith.muli %arg1, %mul3A_5 : i32
    "tpu.region"() ({
      %run_scoped3A = tpu.sem_alloc : memref<!tpu.dma_semaphore, #tpu.memory_space<semaphore_mem>>
      %dma_start3A_56 = arith.constant 0 : i32
      %dma_start3A_57 = tpu.memref_slice %arg7[%mul3A_6, %dma_start3A_56] : memref<10240x128xf32, #tpu.memory_space<vmem_shared>> -> memref<640x128xf32, #tpu.memory_space<vmem_shared>>
      %dma_start3A_58 = arith.constant 0 : i32
      %dma_start3A_59 = tpu.memref_slice %arg5[%mul3A_4, %dma_start3A_58] : memref<10240x128xf32, #tpu.memory_space<hbm>> -> memref<640x128xf32, #tpu.memory_space<hbm>>
      tpu.enqueue_dma source(%dma_start3A_59 : memref<640x128xf32, #tpu.memory_space<hbm>>) target(%dma_start3A_57 : memref<640x128xf32, #tpu.memory_space<vmem_shared>>) target_semaphore(%run_scoped3A : memref<!tpu.dma_semaphore, #tpu.memory_space<semaphore_mem>>)
      %dma_wait3A_60 = arith.constant 0 : i32
      %dma_wait3A_61 = tpu.memref_slice %arg7[%mul3A_6, %dma_wait3A_60] : memref<10240x128xf32, #tpu.memory_space<vmem_shared>> -> memref<640x128xf32, #tpu.memory_space<vmem_shared>>
      %dma_wait3A_62 = arith.constant 0 : i32
      %dma_wait3A_63 = tpu.memref_slice %arg5[%mul3A_4, %dma_wait3A_62] : memref<10240x128xf32, #tpu.memory_space<hbm>> -> memref<640x128xf32, #tpu.memory_space<hbm>>
      tpu.wait_dma2 semaphore(%run_scoped3A : memref<!tpu.dma_semaphore, #tpu.memory_space<semaphore_mem>>) src(%dma_wait3A_63 : memref<640x128xf32, #tpu.memory_space<hbm>>) dst(%dma_wait3A_61 : memref<640x128xf32, #tpu.memory_space<vmem_shared>>)
      tpu.yield
    }) : () -> ()
    %barrier3A = arith.constant 0 : index
    tpu.barrier barrier_id(%barrier3A)
    %add3A_7 = arith.constant 0 : i32
    %add3A_8 = arith.addi %mul3A_2, %add3A_7 : i32
    "tpu.region"() ({
      %run_scoped3A = tpu.sem_alloc : memref<!tpu.dma_semaphore, #tpu.memory_space<semaphore_mem>>
      %dma_start3A_56 = arith.constant 0 : i32
      %dma_start3A_57 = tpu.memref_slice %arg3[%add3A_8, %dma_start3A_56] : memref<2560x128xi32, #tpu.memory_space<hbm>> -> memref<40x128xi32, #tpu.memory_space<hbm>>
      %dma_start3A_58 = arith.constant 0 : i32
      %dma_start3A_59 = tpu.memref_slice %arg3[%add3A_8, %dma_start3A_58] : memref<2560x128xi32, #tpu.memory_space<hbm>> -> memref<40x128xi32, #tpu.memory_space<hbm>>
      tpu.enqueue_dma source(%dma_start3A_59 : memref<40x128xi32, #tpu.memory_space<hbm>>) target(%arg8 : memref<40x128xi32, #tpu.memory_space<vmem>>) target_semaphore(%run_scoped3A : memref<!tpu.dma_semaphore, #tpu.memory_space<semaphore_mem>>)
      %dma_wait3A_60 = arith.constant 0 : i32
      %dma_wait3A_61 = tpu.memref_slice %arg3[%add3A_8, %dma_wait3A_60] : memref<2560x128xi32, #tpu.memory_space<hbm>> -> memref<40x128xi32, #tpu.memory_space<hbm>>
      %dma_wait3A_62 = arith.constant 0 : i32
      %dma_wait3A_63 = tpu.memref_slice %arg3[%add3A_8, %dma_wait3A_62] : memref<2560x128xi32, #tpu.memory_space<hbm>> -> memref<40x128xi32, #tpu.memory_space<hbm>>
      tpu.wait_dma2 semaphore(%run_scoped3A : memref<!tpu.dma_semaphore, #tpu.memory_space<semaphore_mem>>) src(%dma_wait3A_63 : memref<40x128xi32, #tpu.memory_space<hbm>>) dst(%arg8 : memref<40x128xi32, #tpu.memory_space<vmem>>)
      tpu.yield
    }) : () -> ()
    "tpu.region"() ({
      %run_scoped3A = tpu.sem_alloc : memref<!tpu.dma_semaphore, #tpu.memory_space<semaphore_mem>>
      %dma_start3A_56 = arith.constant 0 : i32
      %dma_start3A_57 = tpu.memref_slice %arg4[%add3A_8, %dma_start3A_56] : memref<2560x128xi32, #tpu.memory_space<hbm>> -> memref<40x128xi32, #tpu.memory_space<hbm>>
      %dma_start3A_58 = arith.constant 0 : i32
      %dma_start3A_59 = tpu.memref_slice %arg4[%add3A_8, %dma_start3A_58] : memref<2560x128xi32, #tpu.memory_space<hbm>> -> memref<40x128xi32, #tpu.memory_space<hbm>>
      tpu.enqueue_dma source(%dma_start3A_59 : memref<40x128xi32, #tpu.memory_space<hbm>>) target(%arg9 : memref<40x128xi32, #tpu.memory_space<vmem>>) target_semaphore(%run_scoped3A : memref<!tpu.dma_semaphore, #tpu.memory_space<semaphore_mem>>)
      %dma_wait3A_60 = arith.constant 0 : i32
      %dma_wait3A_61 = tpu.memref_slice %arg4[%add3A_8, %dma_wait3A_60] : memref<2560x128xi32, #tpu.memory_space<hbm>> -> memref<40x128xi32, #tpu.memory_space<hbm>>
      %dma_wait3A_62 = arith.constant 0 : i32
      %dma_wait3A_63 = tpu.memref_slice %arg4[%add3A_8, %dma_wait3A_62] : memref<2560x128xi32, #tpu.memory_space<hbm>> -> memref<40x128xi32, #tpu.memory_space<hbm>>
      tpu.wait_dma2 semaphore(%run_scoped3A : memref<!tpu.dma_semaphore, #tpu.memory_space<semaphore_mem>>) src(%dma_wait3A_63 : memref<40x128xi32, #tpu.memory_space<hbm>>) dst(%arg9 : memref<40x128xi32, #tpu.memory_space<vmem>>)
      tpu.yield
    }) : () -> ()
    %dma_start3A = arith.constant 0 : i32
    %dma_start3A_9 = arith.constant 0 : i32
    %dma_start3A_10 = tpu.memref_slice %arg8[%dma_start3A, %dma_start3A_9] : memref<40x128xi32, #tpu.memory_space<vmem>> -> memref<1x128xi32, #tpu.memory_space<vmem>>
    %dma_start3A_11 = tpu.memref_squeeze %dma_start3A_10 : memref<1x128xi32, #tpu.memory_space<vmem>> -> memref<128xi32, #tpu.memory_space<vmem>>
    %dma_start3A_12 = arith.constant 0 : i32
    %dma_start3A_13 = arith.constant 0 : i32
    %dma_start3A_14 = tpu.memref_slice %arg2[%dma_start3A_12, %dma_start3A_13] : memref<10240x128xf32, #tpu.memory_space<hbm>> -> memref<10240x128xf32, #tpu.memory_space<hbm>>
    tpu.enqueue_indirect_dma source(%dma_start3A_14 : memref<10240x128xf32, #tpu.memory_space<hbm>>) target(%arg10 : memref<128x128xf32, #tpu.memory_space<vmem>>) offsets(%dma_start3A_11 : memref<128xi32, #tpu.memory_space<vmem>>) semaphore(%arg12 : memref<!tpu.dma_semaphore, #tpu.memory_space<semaphore_mem>>)
    %scan3A = arith.constant 0 : i32
    %scan3A_15 = arith.constant 0 : i32
    %scan3A_16 = arith.constant 20 : i32
    %scan3A_17 = arith.addi %scan3A_15, %scan3A_16 : i32
    %scan3A_18 = arith.constant 1 : i32
    scf.for %scan3A_56 = %scan3A_15 to %scan3A_17 step %scan3A_18  : i32 {
      %mul3A_57 = arith.constant 2 : i32
      %mul3A_58 = arith.muli %mul3A_57, %scan3A_56 : i32
      %add3A_59 = arith.constant 1 : i32
      %add3A_60 = arith.addi %mul3A_58, %add3A_59 : i32
      %add3A_61 = arith.constant 1 : i32
      %add3A_62 = arith.addi %add3A_60, %add3A_61 : i32
      %min3A = arith.constant 39 : i32
      %min3A_63 = arith.minsi %add3A_62, %min3A : i32
      %dma_wait3A_64 = arith.constant 0 : i32
      %dma_wait3A_65 = tpu.memref_slice %arg8[%mul3A_58, %dma_wait3A_64] : memref<40x128xi32, #tpu.memory_space<vmem>> -> memref<1x128xi32, #tpu.memory_space<vmem>>
      %dma_wait3A_66 = tpu.memref_squeeze %dma_wait3A_65 : memref<1x128xi32, #tpu.memory_space<vmem>> -> memref<128xi32, #tpu.memory_space<vmem>>
      %dma_wait3A_67 = arith.constant 0 : i32
      %dma_wait3A_68 = arith.constant 0 : i32
      %dma_wait3A_69 = tpu.memref_slice %arg2[%dma_wait3A_67, %dma_wait3A_68] : memref<10240x128xf32, #tpu.memory_space<hbm>> -> memref<10240x128xf32, #tpu.memory_space<hbm>>
      tpu.wait_indirect_dma semaphore(%arg12 : memref<!tpu.dma_semaphore, #tpu.memory_space<semaphore_mem>>) src(%dma_wait3A_69 : memref<10240x128xf32, #tpu.memory_space<hbm>>) dst(%arg10 : memref<128x128xf32, #tpu.memory_space<vmem>>)
      %dma_start3A_70 = arith.constant 0 : i32
      %dma_start3A_71 = tpu.memref_slice %arg8[%add3A_60, %dma_start3A_70] : memref<40x128xi32, #tpu.memory_space<vmem>> -> memref<1x128xi32, #tpu.memory_space<vmem>>
      %dma_start3A_72 = tpu.memref_squeeze %dma_start3A_71 : memref<1x128xi32, #tpu.memory_space<vmem>> -> memref<128xi32, #tpu.memory_space<vmem>>
      %dma_start3A_73 = arith.constant 0 : i32
      %dma_start3A_74 = arith.constant 0 : i32
      %dma_start3A_75 = tpu.memref_slice %arg2[%dma_start3A_73, %dma_start3A_74] : memref<10240x128xf32, #tpu.memory_space<hbm>> -> memref<10240x128xf32, #tpu.memory_space<hbm>>
      tpu.enqueue_indirect_dma source(%dma_start3A_75 : memref<10240x128xf32, #tpu.memory_space<hbm>>) target(%arg11 : memref<128x128xf32, #tpu.memory_space<vmem>>) offsets(%dma_start3A_72 : memref<128xi32, #tpu.memory_space<vmem>>) semaphore(%arg13 : memref<!tpu.dma_semaphore, #tpu.memory_space<semaphore_mem>>)
      "tpu.region"() ({
        %run_scoped3A = tpu.sem_alloc : memref<!tpu.dma_semaphore, #tpu.memory_space<semaphore_mem>>
        %dma_start3A_88 = arith.constant 0 : i32
        %dma_start3A_89 = tpu.memref_slice %arg9[%mul3A_58, %dma_start3A_88] : memref<40x128xi32, #tpu.memory_space<vmem>> -> memref<1x128xi32, #tpu.memory_space<vmem>>
        %dma_start3A_90 = tpu.memref_squeeze %dma_start3A_89 : memref<1x128xi32, #tpu.memory_space<vmem>> -> memref<128xi32, #tpu.memory_space<vmem>>
        %dma_start3A_91 = arith.constant 0 : i32
        %dma_start3A_92 = arith.constant 0 : i32
        %dma_start3A_93 = tpu.memref_slice %arg7[%dma_start3A_91, %dma_start3A_92] : memref<10240x128xf32, #tpu.memory_space<vmem_shared>> -> memref<10240x128xf32, #tpu.memory_space<vmem_shared>>
        tpu.enqueue_indirect_dma source(%arg10 : memref<128x128xf32, #tpu.memory_space<vmem>>) target(%dma_start3A_93 : memref<10240x128xf32, #tpu.memory_space<vmem_shared>>) offsets(%dma_start3A_90 : memref<128xi32, #tpu.memory_space<vmem>>) semaphore(%run_scoped3A : memref<!tpu.dma_semaphore, #tpu.memory_space<semaphore_mem>>) {add = true}
        %dma_wait3A_94 = arith.constant 0 : i32
        %dma_wait3A_95 = tpu.memref_slice %arg9[%mul3A_58, %dma_wait3A_94] : memref<40x128xi32, #tpu.memory_space<vmem>> -> memref<1x128xi32, #tpu.memory_space<vmem>>
        %dma_wait3A_96 = tpu.memref_squeeze %dma_wait3A_95 : memref<1x128xi32, #tpu.memory_space<vmem>> -> memref<128xi32, #tpu.memory_space<vmem>>
        %dma_wait3A_97 = arith.constant 0 : i32
        %dma_wait3A_98 = arith.constant 0 : i32
        %dma_wait3A_99 = tpu.memref_slice %arg7[%dma_wait3A_97, %dma_wait3A_98] : memref<10240x128xf32, #tpu.memory_space<vmem_shared>> -> memref<10240x128xf32, #tpu.memory_space<vmem_shared>>
        tpu.wait_indirect_dma semaphore(%run_scoped3A : memref<!tpu.dma_semaphore, #tpu.memory_space<semaphore_mem>>) src(%arg10 : memref<128x128xf32, #tpu.memory_space<vmem>>) dst(%dma_wait3A_99 : memref<10240x128xf32, #tpu.memory_space<vmem_shared>>)
        tpu.yield
      }) : () -> ()
      %dma_wait3A_76 = arith.constant 0 : i32
      %dma_wait3A_77 = tpu.memref_slice %arg8[%add3A_60, %dma_wait3A_76] : memref<40x128xi32, #tpu.memory_space<vmem>> -> memref<1x128xi32, #tpu.memory_space<vmem>>
      %dma_wait3A_78 = tpu.memref_squeeze %dma_wait3A_77 : memref<1x128xi32, #tpu.memory_space<vmem>> -> memref<128xi32, #tpu.memory_space<vmem>>
      %dma_wait3A_79 = arith.constant 0 : i32
      %dma_wait3A_80 = arith.constant 0 : i32
      %dma_wait3A_81 = tpu.memref_slice %arg2[%dma_wait3A_79, %dma_wait3A_80] : memref<10240x128xf32, #tpu.memory_space<hbm>> -> memref<10240x128xf32, #tpu.memory_space<hbm>>
      tpu.wait_indirect_dma semaphore(%arg13 : memref<!tpu.dma_semaphore, #tpu.memory_space<semaphore_mem>>) src(%dma_wait3A_81 : memref<10240x128xf32, #tpu.memory_space<hbm>>) dst(%arg11 : memref<128x128xf32, #tpu.memory_space<vmem>>)
      %dma_start3A_82 = arith.constant 0 : i32
      %dma_start3A_83 = tpu.memref_slice %arg8[%min3A_63, %dma_start3A_82] : memref<40x128xi32, #tpu.memory_space<vmem>> -> memref<1x128xi32, #tpu.memory_space<vmem>>
      %dma_start3A_84 = tpu.memref_squeeze %dma_start3A_83 : memref<1x128xi32, #tpu.memory_space<vmem>> -> memref<128xi32, #tpu.memory_space<vmem>>
      %dma_start3A_85 = arith.constant 0 : i32
      %dma_start3A_86 = arith.constant 0 : i32
      %dma_start3A_87 = tpu.memref_slice %arg2[%dma_start3A_85, %dma_start3A_86] : memref<10240x128xf32, #tpu.memory_space<hbm>> -> memref<10240x128xf32, #tpu.memory_space<hbm>>
      tpu.enqueue_indirect_dma source(%dma_start3A_87 : memref<10240x128xf32, #tpu.memory_space<hbm>>) target(%arg10 : memref<128x128xf32, #tpu.memory_space<vmem>>) offsets(%dma_start3A_84 : memref<128xi32, #tpu.memory_space<vmem>>) semaphore(%arg12 : memref<!tpu.dma_semaphore, #tpu.memory_space<semaphore_mem>>)
      "tpu.region"() ({
        %run_scoped3A = tpu.sem_alloc : memref<!tpu.dma_semaphore, #tpu.memory_space<semaphore_mem>>
        %dma_start3A_88 = arith.constant 0 : i32
        %dma_start3A_89 = tpu.memref_slice %arg9[%add3A_60, %dma_start3A_88] : memref<40x128xi32, #tpu.memory_space<vmem>> -> memref<1x128xi32, #tpu.memory_space<vmem>>
        %dma_start3A_90 = tpu.memref_squeeze %dma_start3A_89 : memref<1x128xi32, #tpu.memory_space<vmem>> -> memref<128xi32, #tpu.memory_space<vmem>>
        %dma_start3A_91 = arith.constant 0 : i32
        %dma_start3A_92 = arith.constant 0 : i32
        %dma_start3A_93 = tpu.memref_slice %arg7[%dma_start3A_91, %dma_start3A_92] : memref<10240x128xf32, #tpu.memory_space<vmem_shared>> -> memref<10240x128xf32, #tpu.memory_space<vmem_shared>>
        tpu.enqueue_indirect_dma source(%arg11 : memref<128x128xf32, #tpu.memory_space<vmem>>) target(%dma_start3A_93 : memref<10240x128xf32, #tpu.memory_space<vmem_shared>>) offsets(%dma_start3A_90 : memref<128xi32, #tpu.memory_space<vmem>>) semaphore(%run_scoped3A : memref<!tpu.dma_semaphore, #tpu.memory_space<semaphore_mem>>) {add = true}
        %dma_wait3A_94 = arith.constant 0 : i32
        %dma_wait3A_95 = tpu.memref_slice %arg9[%add3A_60, %dma_wait3A_94] : memref<40x128xi32, #tpu.memory_space<vmem>> -> memref<1x128xi32, #tpu.memory_space<vmem>>
        %dma_wait3A_96 = tpu.memref_squeeze %dma_wait3A_95 : memref<1x128xi32, #tpu.memory_space<vmem>> -> memref<128xi32, #tpu.memory_space<vmem>>
        %dma_wait3A_97 = arith.constant 0 : i32
        %dma_wait3A_98 = arith.constant 0 : i32
        %dma_wait3A_99 = tpu.memref_slice %arg7[%dma_wait3A_97, %dma_wait3A_98] : memref<10240x128xf32, #tpu.memory_space<vmem_shared>> -> memref<10240x128xf32, #tpu.memory_space<vmem_shared>>
        tpu.wait_indirect_dma semaphore(%run_scoped3A : memref<!tpu.dma_semaphore, #tpu.memory_space<semaphore_mem>>) src(%arg11 : memref<128x128xf32, #tpu.memory_space<vmem>>) dst(%dma_wait3A_99 : memref<10240x128xf32, #tpu.memory_space<vmem_shared>>)
        tpu.yield
      }) : () -> ()
    }
    %scan3A_19 = arith.constant 20 : i32
    %dma_wait3A = arith.constant 0 : i32
    %dma_wait3A_20 = arith.constant 0 : i32
    %dma_wait3A_21 = tpu.memref_slice %arg8[%dma_wait3A, %dma_wait3A_20] : memref<40x128xi32, #tpu.memory_space<vmem>> -> memref<1x128xi32, #tpu.memory_space<vmem>>
    %dma_wait3A_22 = tpu.memref_squeeze %dma_wait3A_21 : memref<1x128xi32, #tpu.memory_space<vmem>> -> memref<128xi32, #tpu.memory_space<vmem>>
    %dma_wait3A_23 = arith.constant 0 : i32
    %dma_wait3A_24 = arith.constant 0 : i32
    %dma_wait3A_25 = tpu.memref_slice %arg2[%dma_wait3A_23, %dma_wait3A_24] : memref<10240x128xf32, #tpu.memory_space<hbm>> -> memref<10240x128xf32, #tpu.memory_space<hbm>>
    tpu.wait_indirect_dma semaphore(%arg12 : memref<!tpu.dma_semaphore, #tpu.memory_space<semaphore_mem>>) src(%dma_wait3A_25 : memref<10240x128xf32, #tpu.memory_space<hbm>>) dst(%arg10 : memref<128x128xf32, #tpu.memory_space<vmem>>)
    %add3A_26 = arith.constant 40 : i32
    %add3A_27 = arith.addi %mul3A_2, %add3A_26 : i32
    "tpu.region"() ({
      %run_scoped3A = tpu.sem_alloc : memref<!tpu.dma_semaphore, #tpu.memory_space<semaphore_mem>>
      %dma_start3A_56 = arith.constant 0 : i32
      %dma_start3A_57 = tpu.memref_slice %arg3[%add3A_27, %dma_start3A_56] : memref<2560x128xi32, #tpu.memory_space<hbm>> -> memref<40x128xi32, #tpu.memory_space<hbm>>
      %dma_start3A_58 = arith.constant 0 : i32
      %dma_start3A_59 = tpu.memref_slice %arg3[%add3A_27, %dma_start3A_58] : memref<2560x128xi32, #tpu.memory_space<hbm>> -> memref<40x128xi32, #tpu.memory_space<hbm>>
      tpu.enqueue_dma source(%dma_start3A_59 : memref<40x128xi32, #tpu.memory_space<hbm>>) target(%arg8 : memref<40x128xi32, #tpu.memory_space<vmem>>) target_semaphore(%run_scoped3A : memref<!tpu.dma_semaphore, #tpu.memory_space<semaphore_mem>>)
      %dma_wait3A_60 = arith.constant 0 : i32
      %dma_wait3A_61 = tpu.memref_slice %arg3[%add3A_27, %dma_wait3A_60] : memref<2560x128xi32, #tpu.memory_space<hbm>> -> memref<40x128xi32, #tpu.memory_space<hbm>>
      %dma_wait3A_62 = arith.constant 0 : i32
      %dma_wait3A_63 = tpu.memref_slice %arg3[%add3A_27, %dma_wait3A_62] : memref<2560x128xi32, #tpu.memory_space<hbm>> -> memref<40x128xi32, #tpu.memory_space<hbm>>
      tpu.wait_dma2 semaphore(%run_scoped3A : memref<!tpu.dma_semaphore, #tpu.memory_space<semaphore_mem>>) src(%dma_wait3A_63 : memref<40x128xi32, #tpu.memory_space<hbm>>) dst(%arg8 : memref<40x128xi32, #tpu.memory_space<vmem>>)
      tpu.yield
    }) : () -> ()
    "tpu.region"() ({
      %run_scoped3A = tpu.sem_alloc : memref<!tpu.dma_semaphore, #tpu.memory_space<semaphore_mem>>
      %dma_start3A_56 = arith.constant 0 : i32
      %dma_start3A_57 = tpu.memref_slice %arg4[%add3A_27, %dma_start3A_56] : memref<2560x128xi32, #tpu.memory_space<hbm>> -> memref<40x128xi32, #tpu.memory_space<hbm>>
      %dma_start3A_58 = arith.constant 0 : i32
      %dma_start3A_59 = tpu.memref_slice %arg4[%add3A_27, %dma_start3A_58] : memref<2560x128xi32, #tpu.memory_space<hbm>> -> memref<40x128xi32, #tpu.memory_space<hbm>>
      tpu.enqueue_dma source(%dma_start3A_59 : memref<40x128xi32, #tpu.memory_space<hbm>>) target(%arg9 : memref<40x128xi32, #tpu.memory_space<vmem>>) target_semaphore(%run_scoped3A : memref<!tpu.dma_semaphore, #tpu.memory_space<semaphore_mem>>)
      %dma_wait3A_60 = arith.constant 0 : i32
      %dma_wait3A_61 = tpu.memref_slice %arg4[%add3A_27, %dma_wait3A_60] : memref<2560x128xi32, #tpu.memory_space<hbm>> -> memref<40x128xi32, #tpu.memory_space<hbm>>
      %dma_wait3A_62 = arith.constant 0 : i32
      %dma_wait3A_63 = tpu.memref_slice %arg4[%add3A_27, %dma_wait3A_62] : memref<2560x128xi32, #tpu.memory_space<hbm>> -> memref<40x128xi32, #tpu.memory_space<hbm>>
      tpu.wait_dma2 semaphore(%run_scoped3A : memref<!tpu.dma_semaphore, #tpu.memory_space<semaphore_mem>>) src(%dma_wait3A_63 : memref<40x128xi32, #tpu.memory_space<hbm>>) dst(%arg9 : memref<40x128xi32, #tpu.memory_space<vmem>>)
      tpu.yield
    }) : () -> ()
    %dma_start3A_28 = arith.constant 0 : i32
    %dma_start3A_29 = arith.constant 0 : i32
    %dma_start3A_30 = tpu.memref_slice %arg8[%dma_start3A_28, %dma_start3A_29] : memref<40x128xi32, #tpu.memory_space<vmem>> -> memref<1x128xi32, #tpu.memory_space<vmem>>
    %dma_start3A_31 = tpu.memref_squeeze %dma_start3A_30 : memref<1x128xi32, #tpu.memory_space<vmem>> -> memref<128xi32, #tpu.memory_space<vmem>>
    %dma_start3A_32 = arith.constant 0 : i32
    %dma_start3A_33 = arith.constant 0 : i32
    %dma_start3A_34 = tpu.memref_slice %arg2[%dma_start3A_32, %dma_start3A_33] : memref<10240x128xf32, #tpu.memory_space<hbm>> -> memref<10240x128xf32, #tpu.memory_space<hbm>>
    tpu.enqueue_indirect_dma source(%dma_start3A_34 : memref<10240x128xf32, #tpu.memory_space<hbm>>) target(%arg10 : memref<128x128xf32, #tpu.memory_space<vmem>>) offsets(%dma_start3A_31 : memref<128xi32, #tpu.memory_space<vmem>>) semaphore(%arg12 : memref<!tpu.dma_semaphore, #tpu.memory_space<semaphore_mem>>)
    %scan3A_35 = arith.constant 0 : i32
    %scan3A_36 = arith.constant 0 : i32
    %scan3A_37 = arith.constant 20 : i32
    %scan3A_38 = arith.addi %scan3A_36, %scan3A_37 : i32
    %scan3A_39 = arith.constant 1 : i32
    scf.for %scan3A_56 = %scan3A_36 to %scan3A_38 step %scan3A_39  : i32 {
      %mul3A_57 = arith.constant 2 : i32
      %mul3A_58 = arith.muli %mul3A_57, %scan3A_56 : i32
      %add3A_59 = arith.constant 1 : i32
      %add3A_60 = arith.addi %mul3A_58, %add3A_59 : i32
      %add3A_61 = arith.constant 1 : i32
      %add3A_62 = arith.addi %add3A_60, %add3A_61 : i32
      %min3A = arith.constant 39 : i32
      %min3A_63 = arith.minsi %add3A_62, %min3A : i32
      %dma_wait3A_64 = arith.constant 0 : i32
      %dma_wait3A_65 = tpu.memref_slice %arg8[%mul3A_58, %dma_wait3A_64] : memref<40x128xi32, #tpu.memory_space<vmem>> -> memref<1x128xi32, #tpu.memory_space<vmem>>
      %dma_wait3A_66 = tpu.memref_squeeze %dma_wait3A_65 : memref<1x128xi32, #tpu.memory_space<vmem>> -> memref<128xi32, #tpu.memory_space<vmem>>
      %dma_wait3A_67 = arith.constant 0 : i32
      %dma_wait3A_68 = arith.constant 0 : i32
      %dma_wait3A_69 = tpu.memref_slice %arg2[%dma_wait3A_67, %dma_wait3A_68] : memref<10240x128xf32, #tpu.memory_space<hbm>> -> memref<10240x128xf32, #tpu.memory_space<hbm>>
      tpu.wait_indirect_dma semaphore(%arg12 : memref<!tpu.dma_semaphore, #tpu.memory_space<semaphore_mem>>) src(%dma_wait3A_69 : memref<10240x128xf32, #tpu.memory_space<hbm>>) dst(%arg10 : memref<128x128xf32, #tpu.memory_space<vmem>>)
      %dma_start3A_70 = arith.constant 0 : i32
      %dma_start3A_71 = tpu.memref_slice %arg8[%add3A_60, %dma_start3A_70] : memref<40x128xi32, #tpu.memory_space<vmem>> -> memref<1x128xi32, #tpu.memory_space<vmem>>
      %dma_start3A_72 = tpu.memref_squeeze %dma_start3A_71 : memref<1x128xi32, #tpu.memory_space<vmem>> -> memref<128xi32, #tpu.memory_space<vmem>>
      %dma_start3A_73 = arith.constant 0 : i32
      %dma_start3A_74 = arith.constant 0 : i32
      %dma_start3A_75 = tpu.memref_slice %arg2[%dma_start3A_73, %dma_start3A_74] : memref<10240x128xf32, #tpu.memory_space<hbm>> -> memref<10240x128xf32, #tpu.memory_space<hbm>>
      tpu.enqueue_indirect_dma source(%dma_start3A_75 : memref<10240x128xf32, #tpu.memory_space<hbm>>) target(%arg11 : memref<128x128xf32, #tpu.memory_space<vmem>>) offsets(%dma_start3A_72 : memref<128xi32, #tpu.memory_space<vmem>>) semaphore(%arg13 : memref<!tpu.dma_semaphore, #tpu.memory_space<semaphore_mem>>)
      "tpu.region"() ({
        %run_scoped3A = tpu.sem_alloc : memref<!tpu.dma_semaphore, #tpu.memory_space<semaphore_mem>>
        %dma_start3A_88 = arith.constant 0 : i32
        %dma_start3A_89 = tpu.memref_slice %arg9[%mul3A_58, %dma_start3A_88] : memref<40x128xi32, #tpu.memory_space<vmem>> -> memref<1x128xi32, #tpu.memory_space<vmem>>
        %dma_start3A_90 = tpu.memref_squeeze %dma_start3A_89 : memref<1x128xi32, #tpu.memory_space<vmem>> -> memref<128xi32, #tpu.memory_space<vmem>>
        %dma_start3A_91 = arith.constant 0 : i32
        %dma_start3A_92 = arith.constant 0 : i32
        %dma_start3A_93 = tpu.memref_slice %arg7[%dma_start3A_91, %dma_start3A_92] : memref<10240x128xf32, #tpu.memory_space<vmem_shared>> -> memref<10240x128xf32, #tpu.memory_space<vmem_shared>>
        tpu.enqueue_indirect_dma source(%arg10 : memref<128x128xf32, #tpu.memory_space<vmem>>) target(%dma_start3A_93 : memref<10240x128xf32, #tpu.memory_space<vmem_shared>>) offsets(%dma_start3A_90 : memref<128xi32, #tpu.memory_space<vmem>>) semaphore(%run_scoped3A : memref<!tpu.dma_semaphore, #tpu.memory_space<semaphore_mem>>) {add = true}
        %dma_wait3A_94 = arith.constant 0 : i32
        %dma_wait3A_95 = tpu.memref_slice %arg9[%mul3A_58, %dma_wait3A_94] : memref<40x128xi32, #tpu.memory_space<vmem>> -> memref<1x128xi32, #tpu.memory_space<vmem>>
        %dma_wait3A_96 = tpu.memref_squeeze %dma_wait3A_95 : memref<1x128xi32, #tpu.memory_space<vmem>> -> memref<128xi32, #tpu.memory_space<vmem>>
        %dma_wait3A_97 = arith.constant 0 : i32
        %dma_wait3A_98 = arith.constant 0 : i32
        %dma_wait3A_99 = tpu.memref_slice %arg7[%dma_wait3A_97, %dma_wait3A_98] : memref<10240x128xf32, #tpu.memory_space<vmem_shared>> -> memref<10240x128xf32, #tpu.memory_space<vmem_shared>>
        tpu.wait_indirect_dma semaphore(%run_scoped3A : memref<!tpu.dma_semaphore, #tpu.memory_space<semaphore_mem>>) src(%arg10 : memref<128x128xf32, #tpu.memory_space<vmem>>) dst(%dma_wait3A_99 : memref<10240x128xf32, #tpu.memory_space<vmem_shared>>)
        tpu.yield
      }) : () -> ()
      %dma_wait3A_76 = arith.constant 0 : i32
      %dma_wait3A_77 = tpu.memref_slice %arg8[%add3A_60, %dma_wait3A_76] : memref<40x128xi32, #tpu.memory_space<vmem>> -> memref<1x128xi32, #tpu.memory_space<vmem>>
      %dma_wait3A_78 = tpu.memref_squeeze %dma_wait3A_77 : memref<1x128xi32, #tpu.memory_space<vmem>> -> memref<128xi32, #tpu.memory_space<vmem>>
      %dma_wait3A_79 = arith.constant 0 : i32
      %dma_wait3A_80 = arith.constant 0 : i32
      %dma_wait3A_81 = tpu.memref_slice %arg2[%dma_wait3A_79, %dma_wait3A_80] : memref<10240x128xf32, #tpu.memory_space<hbm>> -> memref<10240x128xf32, #tpu.memory_space<hbm>>
      tpu.wait_indirect_dma semaphore(%arg13 : memref<!tpu.dma_semaphore, #tpu.memory_space<semaphore_mem>>) src(%dma_wait3A_81 : memref<10240x128xf32, #tpu.memory_space<hbm>>) dst(%arg11 : memref<128x128xf32, #tpu.memory_space<vmem>>)
      %dma_start3A_82 = arith.constant 0 : i32
      %dma_start3A_83 = tpu.memref_slice %arg8[%min3A_63, %dma_start3A_82] : memref<40x128xi32, #tpu.memory_space<vmem>> -> memref<1x128xi32, #tpu.memory_space<vmem>>
      %dma_start3A_84 = tpu.memref_squeeze %dma_start3A_83 : memref<1x128xi32, #tpu.memory_space<vmem>> -> memref<128xi32, #tpu.memory_space<vmem>>
      %dma_start3A_85 = arith.constant 0 : i32
      %dma_start3A_86 = arith.constant 0 : i32
      %dma_start3A_87 = tpu.memref_slice %arg2[%dma_start3A_85, %dma_start3A_86] : memref<10240x128xf32, #tpu.memory_space<hbm>> -> memref<10240x128xf32, #tpu.memory_space<hbm>>
      tpu.enqueue_indirect_dma source(%dma_start3A_87 : memref<10240x128xf32, #tpu.memory_space<hbm>>) target(%arg10 : memref<128x128xf32, #tpu.memory_space<vmem>>) offsets(%dma_start3A_84 : memref<128xi32, #tpu.memory_space<vmem>>) semaphore(%arg12 : memref<!tpu.dma_semaphore, #tpu.memory_space<semaphore_mem>>)
      "tpu.region"() ({
        %run_scoped3A = tpu.sem_alloc : memref<!tpu.dma_semaphore, #tpu.memory_space<semaphore_mem>>
        %dma_start3A_88 = arith.constant 0 : i32
        %dma_start3A_89 = tpu.memref_slice %arg9[%add3A_60, %dma_start3A_88] : memref<40x128xi32, #tpu.memory_space<vmem>> -> memref<1x128xi32, #tpu.memory_space<vmem>>
        %dma_start3A_90 = tpu.memref_squeeze %dma_start3A_89 : memref<1x128xi32, #tpu.memory_space<vmem>> -> memref<128xi32, #tpu.memory_space<vmem>>
        %dma_start3A_91 = arith.constant 0 : i32
        %dma_start3A_92 = arith.constant 0 : i32
        %dma_start3A_93 = tpu.memref_slice %arg7[%dma_start3A_91, %dma_start3A_92] : memref<10240x128xf32, #tpu.memory_space<vmem_shared>> -> memref<10240x128xf32, #tpu.memory_space<vmem_shared>>
        tpu.enqueue_indirect_dma source(%arg11 : memref<128x128xf32, #tpu.memory_space<vmem>>) target(%dma_start3A_93 : memref<10240x128xf32, #tpu.memory_space<vmem_shared>>) offsets(%dma_start3A_90 : memref<128xi32, #tpu.memory_space<vmem>>) semaphore(%run_scoped3A : memref<!tpu.dma_semaphore, #tpu.memory_space<semaphore_mem>>) {add = true}
        %dma_wait3A_94 = arith.constant 0 : i32
        %dma_wait3A_95 = tpu.memref_slice %arg9[%add3A_60, %dma_wait3A_94] : memref<40x128xi32, #tpu.memory_space<vmem>> -> memref<1x128xi32, #tpu.memory_space<vmem>>
        %dma_wait3A_96 = tpu.memref_squeeze %dma_wait3A_95 : memref<1x128xi32, #tpu.memory_space<vmem>> -> memref<128xi32, #tpu.memory_space<vmem>>
        %dma_wait3A_97 = arith.constant 0 : i32
        %dma_wait3A_98 = arith.constant 0 : i32
        %dma_wait3A_99 = tpu.memref_slice %arg7[%dma_wait3A_97, %dma_wait3A_98] : memref<10240x128xf32, #tpu.memory_space<vmem_shared>> -> memref<10240x128xf32, #tpu.memory_space<vmem_shared>>
        tpu.wait_indirect_dma semaphore(%run_scoped3A : memref<!tpu.dma_semaphore, #tpu.memory_space<semaphore_mem>>) src(%arg11 : memref<128x128xf32, #tpu.memory_space<vmem>>) dst(%dma_wait3A_99 : memref<10240x128xf32, #tpu.memory_space<vmem_shared>>)
        tpu.yield
      }) : () -> ()
    }
    %scan3A_40 = arith.constant 20 : i32
    %dma_wait3A_41 = arith.constant 0 : i32
    %dma_wait3A_42 = arith.constant 0 : i32
    %dma_wait3A_43 = tpu.memref_slice %arg8[%dma_wait3A_41, %dma_wait3A_42] : memref<40x128xi32, #tpu.memory_space<vmem>> -> memref<1x128xi32, #tpu.memory_space<vmem>>
    %dma_wait3A_44 = tpu.memref_squeeze %dma_wait3A_43 : memref<1x128xi32, #tpu.memory_space<vmem>> -> memref<128xi32, #tpu.memory_space<vmem>>
    %dma_wait3A_45 = arith.constant 0 : i32
    %dma_wait3A_46 = arith.constant 0 : i32
    %dma_wait3A_47 = tpu.memref_slice %arg2[%dma_wait3A_45, %dma_wait3A_46] : memref<10240x128xf32, #tpu.memory_space<hbm>> -> memref<10240x128xf32, #tpu.memory_space<hbm>>
    tpu.wait_indirect_dma semaphore(%arg12 : memref<!tpu.dma_semaphore, #tpu.memory_space<semaphore_mem>>) src(%dma_wait3A_47 : memref<10240x128xf32, #tpu.memory_space<hbm>>) dst(%arg10 : memref<128x128xf32, #tpu.memory_space<vmem>>)
    %barrier3A_48 = arith.constant 0 : index
    tpu.barrier barrier_id(%barrier3A_48)
    %mul3A_49 = arith.constant 640 : i32
    %mul3A_50 = arith.muli %arg1, %mul3A_49 : i32
    %mul3A_51 = arith.constant 10240 : i32
    %mul3A_52 = arith.muli %arg0, %mul3A_51 : i32
    %mul3A_53 = arith.constant 640 : i32
    %mul3A_54 = arith.muli %arg1, %mul3A_53 : i32
    %add3A_55 = arith.addi %mul3A_52, %mul3A_54 : i32
    "tpu.region"() ({
      %run_scoped3A = tpu.sem_alloc : memref<!tpu.dma_semaphore, #tpu.memory_space<semaphore_mem>>
      %dma_start3A_56 = arith.constant 0 : i32
      %dma_start3A_57 = tpu.memref_slice %arg6[%add3A_55, %dma_start3A_56] : memref<20480x128xf32, #tpu.memory_space<hbm>> -> memref<640x128xf32, #tpu.memory_space<hbm>>
      %dma_start3A_58 = arith.constant 0 : i32
      %dma_start3A_59 = tpu.memref_slice %arg7[%mul3A_50, %dma_start3A_58] : memref<10240x128xf32, #tpu.memory_space<vmem_shared>> -> memref<640x128xf32, #tpu.memory_space<vmem_shared>>
      tpu.enqueue_dma source(%dma_start3A_59 : memref<640x128xf32, #tpu.memory_space<vmem_shared>>) target(%dma_start3A_57 : memref<640x128xf32, #tpu.memory_space<hbm>>) target_semaphore(%run_scoped3A : memref<!tpu.dma_semaphore, #tpu.memory_space<semaphore_mem>>)
      %dma_wait3A_60 = arith.constant 0 : i32
      %dma_wait3A_61 = tpu.memref_slice %arg6[%add3A_55, %dma_wait3A_60] : memref<20480x128xf32, #tpu.memory_space<hbm>> -> memref<640x128xf32, #tpu.memory_space<hbm>>
      %dma_wait3A_62 = arith.constant 0 : i32
      %dma_wait3A_63 = tpu.memref_slice %arg7[%mul3A_50, %dma_wait3A_62] : memref<10240x128xf32, #tpu.memory_space<vmem_shared>> -> memref<640x128xf32, #tpu.memory_space<vmem_shared>>
      tpu.wait_dma2 semaphore(%run_scoped3A : memref<!tpu.dma_semaphore, #tpu.memory_space<semaphore_mem>>) src(%dma_wait3A_63 : memref<640x128xf32, #tpu.memory_space<vmem_shared>>) dst(%dma_wait3A_61 : memref<640x128xf32, #tpu.memory_space<hbm>>)
      tpu.yield
    }) : () -> ()
    return
  }
}

#map = affine_map<(d0, d1) -> (0, 0)>
module attributes {stable_mosaic.version = 14 : i64} {
  func.func @_sc_edge(%arg0: i32, %arg1: i32, %arg2: memref<10240x128xf32, #tpu.memory_space<hbm>>, %arg3: memref<2560x128xi32, #tpu.memory_space<hbm>>, %arg4: memref<2560x128xi32, #tpu.memory_space<hbm>>, %arg5: memref<327680x128xf32, #tpu.memory_space<hbm>>, %arg6: memref<80x128xi32, #tpu.memory_space<vmem>>, %arg7: memref<80x128xi32, #tpu.memory_space<vmem>>, %arg8: memref<128x128xf32, #tpu.memory_space<vmem>>, %arg9: memref<128x128xf32, #tpu.memory_space<vmem>>, %arg10: memref<128x128xf32, #tpu.memory_space<vmem>>, %arg11: memref<128x128xf32, #tpu.memory_space<vmem>>, %arg12: memref<128x128xf32, #tpu.memory_space<vmem>>, %arg13: memref<128x128xf32, #tpu.memory_space<vmem>>, %arg14: memref<!tpu.dma_semaphore, #tpu.memory_space<semaphore_mem>>, %arg15: memref<!tpu.dma_semaphore, #tpu.memory_space<semaphore_mem>>, %arg16: memref<!tpu.dma_semaphore, #tpu.memory_space<semaphore_mem>>, %arg17: memref<!tpu.dma_semaphore, #tpu.memory_space<semaphore_mem>>) attributes {dimension_semantics = [#tpu.dimension_semantics<core_parallel>, #tpu.dimension_semantics<subcore_parallel>], iteration_bounds = array<i64: 2, 16>, scalar_prefetch = 0 : i64, scratch_operands = 12 : i64, tpu.core_type = #tpu.core_type<sc_vector_subcore>, window_params = [{transform_indices = #map}, {transform_indices = #map}, {transform_indices = #map}, {transform_indices = #map}]} {
    %mul3A = arith.constant 16 : i32
    %mul3A_0 = arith.muli %arg0, %mul3A : i32
    %add3A = arith.addi %mul3A_0, %arg1 : i32
    %mul3A_1 = arith.constant 80 : i32
    %mul3A_2 = arith.muli %add3A, %mul3A_1 : i32
    %mul3A_3 = arith.constant 128 : i32
    %mul3A_4 = arith.muli %mul3A_2, %mul3A_3 : i32
    "tpu.region"() ({
      %run_scoped3A = tpu.sem_alloc : memref<!tpu.dma_semaphore, #tpu.memory_space<semaphore_mem>>
      %dma_start3A_44 = arith.constant 0 : i32
      %dma_start3A_45 = tpu.memref_slice %arg3[%mul3A_2, %dma_start3A_44] : memref<2560x128xi32, #tpu.memory_space<hbm>> -> memref<80x128xi32, #tpu.memory_space<hbm>>
      %dma_start3A_46 = arith.constant 0 : i32
      %dma_start3A_47 = tpu.memref_slice %arg3[%mul3A_2, %dma_start3A_46] : memref<2560x128xi32, #tpu.memory_space<hbm>> -> memref<80x128xi32, #tpu.memory_space<hbm>>
      tpu.enqueue_dma source(%dma_start3A_47 : memref<80x128xi32, #tpu.memory_space<hbm>>) target(%arg6 : memref<80x128xi32, #tpu.memory_space<vmem>>) target_semaphore(%run_scoped3A : memref<!tpu.dma_semaphore, #tpu.memory_space<semaphore_mem>>)
      %dma_wait3A_48 = arith.constant 0 : i32
      %dma_wait3A_49 = tpu.memref_slice %arg3[%mul3A_2, %dma_wait3A_48] : memref<2560x128xi32, #tpu.memory_space<hbm>> -> memref<80x128xi32, #tpu.memory_space<hbm>>
      %dma_wait3A_50 = arith.constant 0 : i32
      %dma_wait3A_51 = tpu.memref_slice %arg3[%mul3A_2, %dma_wait3A_50] : memref<2560x128xi32, #tpu.memory_space<hbm>> -> memref<80x128xi32, #tpu.memory_space<hbm>>
      tpu.wait_dma2 semaphore(%run_scoped3A : memref<!tpu.dma_semaphore, #tpu.memory_space<semaphore_mem>>) src(%dma_wait3A_51 : memref<80x128xi32, #tpu.memory_space<hbm>>) dst(%arg6 : memref<80x128xi32, #tpu.memory_space<vmem>>)
      tpu.yield
    }) : () -> ()
    "tpu.region"() ({
      %run_scoped3A = tpu.sem_alloc : memref<!tpu.dma_semaphore, #tpu.memory_space<semaphore_mem>>
      %dma_start3A_44 = arith.constant 0 : i32
      %dma_start3A_45 = tpu.memref_slice %arg4[%mul3A_2, %dma_start3A_44] : memref<2560x128xi32, #tpu.memory_space<hbm>> -> memref<80x128xi32, #tpu.memory_space<hbm>>
      %dma_start3A_46 = arith.constant 0 : i32
      %dma_start3A_47 = tpu.memref_slice %arg4[%mul3A_2, %dma_start3A_46] : memref<2560x128xi32, #tpu.memory_space<hbm>> -> memref<80x128xi32, #tpu.memory_space<hbm>>
      tpu.enqueue_dma source(%dma_start3A_47 : memref<80x128xi32, #tpu.memory_space<hbm>>) target(%arg7 : memref<80x128xi32, #tpu.memory_space<vmem>>) target_semaphore(%run_scoped3A : memref<!tpu.dma_semaphore, #tpu.memory_space<semaphore_mem>>)
      %dma_wait3A_48 = arith.constant 0 : i32
      %dma_wait3A_49 = tpu.memref_slice %arg4[%mul3A_2, %dma_wait3A_48] : memref<2560x128xi32, #tpu.memory_space<hbm>> -> memref<80x128xi32, #tpu.memory_space<hbm>>
      %dma_wait3A_50 = arith.constant 0 : i32
      %dma_wait3A_51 = tpu.memref_slice %arg4[%mul3A_2, %dma_wait3A_50] : memref<2560x128xi32, #tpu.memory_space<hbm>> -> memref<80x128xi32, #tpu.memory_space<hbm>>
      tpu.wait_dma2 semaphore(%run_scoped3A : memref<!tpu.dma_semaphore, #tpu.memory_space<semaphore_mem>>) src(%dma_wait3A_51 : memref<80x128xi32, #tpu.memory_space<hbm>>) dst(%arg7 : memref<80x128xi32, #tpu.memory_space<vmem>>)
      tpu.yield
    }) : () -> ()
    %dma_start3A = arith.constant 0 : i32
    %dma_start3A_5 = arith.constant 0 : i32
    %dma_start3A_6 = tpu.memref_slice %arg6[%dma_start3A, %dma_start3A_5] : memref<80x128xi32, #tpu.memory_space<vmem>> -> memref<1x128xi32, #tpu.memory_space<vmem>>
    %dma_start3A_7 = tpu.memref_squeeze %dma_start3A_6 : memref<1x128xi32, #tpu.memory_space<vmem>> -> memref<128xi32, #tpu.memory_space<vmem>>
    %dma_start3A_8 = arith.constant 0 : i32
    %dma_start3A_9 = arith.constant 0 : i32
    %dma_start3A_10 = tpu.memref_slice %arg2[%dma_start3A_8, %dma_start3A_9] : memref<10240x128xf32, #tpu.memory_space<hbm>> -> memref<10240x128xf32, #tpu.memory_space<hbm>>
    tpu.enqueue_indirect_dma source(%dma_start3A_10 : memref<10240x128xf32, #tpu.memory_space<hbm>>) target(%arg8 : memref<128x128xf32, #tpu.memory_space<vmem>>) offsets(%dma_start3A_7 : memref<128xi32, #tpu.memory_space<vmem>>) semaphore(%arg14 : memref<!tpu.dma_semaphore, #tpu.memory_space<semaphore_mem>>)
    %dma_start3A_11 = arith.constant 0 : i32
    %dma_start3A_12 = arith.constant 0 : i32
    %dma_start3A_13 = tpu.memref_slice %arg7[%dma_start3A_11, %dma_start3A_12] : memref<80x128xi32, #tpu.memory_space<vmem>> -> memref<1x128xi32, #tpu.memory_space<vmem>>
    %dma_start3A_14 = tpu.memref_squeeze %dma_start3A_13 : memref<1x128xi32, #tpu.memory_space<vmem>> -> memref<128xi32, #tpu.memory_space<vmem>>
    %dma_start3A_15 = arith.constant 0 : i32
    %dma_start3A_16 = arith.constant 0 : i32
    %dma_start3A_17 = tpu.memref_slice %arg2[%dma_start3A_15, %dma_start3A_16] : memref<10240x128xf32, #tpu.memory_space<hbm>> -> memref<10240x128xf32, #tpu.memory_space<hbm>>
    tpu.enqueue_indirect_dma source(%dma_start3A_17 : memref<10240x128xf32, #tpu.memory_space<hbm>>) target(%arg9 : memref<128x128xf32, #tpu.memory_space<vmem>>) offsets(%dma_start3A_14 : memref<128xi32, #tpu.memory_space<vmem>>) semaphore(%arg14 : memref<!tpu.dma_semaphore, #tpu.memory_space<semaphore_mem>>)
    %scan3A = arith.constant 0 : i32
    %scan3A_18 = arith.constant 0 : i32
    %scan3A_19 = arith.constant 40 : i32
    %scan3A_20 = arith.addi %scan3A_18, %scan3A_19 : i32
    %scan3A_21 = arith.constant 1 : i32
    scf.for %scan3A_44 = %scan3A_18 to %scan3A_20 step %scan3A_21  : i32 {
      %mul3A_45 = arith.constant 2 : i32
      %mul3A_46 = arith.muli %mul3A_45, %scan3A_44 : i32
      %add3A_47 = arith.constant 1 : i32
      %add3A_48 = arith.addi %mul3A_46, %add3A_47 : i32
      %add3A_49 = arith.constant 1 : i32
      %add3A_50 = arith.addi %add3A_48, %add3A_49 : i32
      %min3A = arith.constant 79 : i32
      %min3A_51 = arith.minsi %add3A_50, %min3A : i32
      %dma_wait3A_52 = arith.constant 0 : i32
      %dma_wait3A_53 = arith.constant 0 : i32
      %dma_wait3A_54 = tpu.memref_slice %arg6[%dma_wait3A_52, %dma_wait3A_53] : memref<80x128xi32, #tpu.memory_space<vmem>> -> memref<1x128xi32, #tpu.memory_space<vmem>>
      %dma_wait3A_55 = tpu.memref_squeeze %dma_wait3A_54 : memref<1x128xi32, #tpu.memory_space<vmem>> -> memref<128xi32, #tpu.memory_space<vmem>>
      %dma_wait3A_56 = arith.constant 0 : i32
      %dma_wait3A_57 = arith.constant 0 : i32
      %dma_wait3A_58 = tpu.memref_slice %arg2[%dma_wait3A_56, %dma_wait3A_57] : memref<10240x128xf32, #tpu.memory_space<hbm>> -> memref<10240x128xf32, #tpu.memory_space<hbm>>
      tpu.wait_indirect_dma semaphore(%arg14 : memref<!tpu.dma_semaphore, #tpu.memory_space<semaphore_mem>>) src(%dma_wait3A_58 : memref<10240x128xf32, #tpu.memory_space<hbm>>) dst(%arg8 : memref<128x128xf32, #tpu.memory_space<vmem>>)
      %dma_wait3A_59 = arith.constant 0 : i32
      %dma_wait3A_60 = arith.constant 0 : i32
      %dma_wait3A_61 = tpu.memref_slice %arg7[%dma_wait3A_59, %dma_wait3A_60] : memref<80x128xi32, #tpu.memory_space<vmem>> -> memref<1x128xi32, #tpu.memory_space<vmem>>
      %dma_wait3A_62 = tpu.memref_squeeze %dma_wait3A_61 : memref<1x128xi32, #tpu.memory_space<vmem>> -> memref<128xi32, #tpu.memory_space<vmem>>
      %dma_wait3A_63 = arith.constant 0 : i32
      %dma_wait3A_64 = arith.constant 0 : i32
      %dma_wait3A_65 = tpu.memref_slice %arg2[%dma_wait3A_63, %dma_wait3A_64] : memref<10240x128xf32, #tpu.memory_space<hbm>> -> memref<10240x128xf32, #tpu.memory_space<hbm>>
      tpu.wait_indirect_dma semaphore(%arg14 : memref<!tpu.dma_semaphore, #tpu.memory_space<semaphore_mem>>) src(%dma_wait3A_65 : memref<10240x128xf32, #tpu.memory_space<hbm>>) dst(%arg9 : memref<128x128xf32, #tpu.memory_space<vmem>>)
      %dma_start3A_66 = arith.constant 0 : i32
      %dma_start3A_67 = tpu.memref_slice %arg6[%add3A_48, %dma_start3A_66] : memref<80x128xi32, #tpu.memory_space<vmem>> -> memref<1x128xi32, #tpu.memory_space<vmem>>
      %dma_start3A_68 = tpu.memref_squeeze %dma_start3A_67 : memref<1x128xi32, #tpu.memory_space<vmem>> -> memref<128xi32, #tpu.memory_space<vmem>>
      %dma_start3A_69 = arith.constant 0 : i32
      %dma_start3A_70 = arith.constant 0 : i32
      %dma_start3A_71 = tpu.memref_slice %arg2[%dma_start3A_69, %dma_start3A_70] : memref<10240x128xf32, #tpu.memory_space<hbm>> -> memref<10240x128xf32, #tpu.memory_space<hbm>>
      tpu.enqueue_indirect_dma source(%dma_start3A_71 : memref<10240x128xf32, #tpu.memory_space<hbm>>) target(%arg10 : memref<128x128xf32, #tpu.memory_space<vmem>>) offsets(%dma_start3A_68 : memref<128xi32, #tpu.memory_space<vmem>>) semaphore(%arg15 : memref<!tpu.dma_semaphore, #tpu.memory_space<semaphore_mem>>)
      %dma_start3A_72 = arith.constant 0 : i32
      %dma_start3A_73 = tpu.memref_slice %arg7[%add3A_48, %dma_start3A_72] : memref<80x128xi32, #tpu.memory_space<vmem>> -> memref<1x128xi32, #tpu.memory_space<vmem>>
      %dma_start3A_74 = tpu.memref_squeeze %dma_start3A_73 : memref<1x128xi32, #tpu.memory_space<vmem>> -> memref<128xi32, #tpu.memory_space<vmem>>
      %dma_start3A_75 = arith.constant 0 : i32
      %dma_start3A_76 = arith.constant 0 : i32
      %dma_start3A_77 = tpu.memref_slice %arg2[%dma_start3A_75, %dma_start3A_76] : memref<10240x128xf32, #tpu.memory_space<hbm>> -> memref<10240x128xf32, #tpu.memory_space<hbm>>
      tpu.enqueue_indirect_dma source(%dma_start3A_77 : memref<10240x128xf32, #tpu.memory_space<hbm>>) target(%arg11 : memref<128x128xf32, #tpu.memory_space<vmem>>) offsets(%dma_start3A_74 : memref<128xi32, #tpu.memory_space<vmem>>) semaphore(%arg15 : memref<!tpu.dma_semaphore, #tpu.memory_space<semaphore_mem>>)
      %gt3A = arith.constant 0 : i32
      %gt3A_78 = arith.cmpi sgt, %scan3A_44, %gt3A : i32
      %convert_element_type3A = arith.extui %gt3A_78 : i1 to i32
      %cond3A = arith.constant 0 : i32
      %cond3A_79 = arith.cmpi ne, %convert_element_type3A, %cond3A : i32
      scf.if %cond3A_79 {
        %dma_wait3A_137 = arith.constant 0 : i32
        %dma_wait3A_138 = tpu.memref_slice %arg5[%mul3A_4, %dma_wait3A_137] : memref<327680x128xf32, #tpu.memory_space<hbm>> -> memref<128x128xf32, #tpu.memory_space<hbm>>
        %dma_wait3A_139 = arith.constant 0 : i32
        %dma_wait3A_140 = tpu.memref_slice %arg5[%mul3A_4, %dma_wait3A_139] : memref<327680x128xf32, #tpu.memory_space<hbm>> -> memref<128x128xf32, #tpu.memory_space<hbm>>
        tpu.wait_dma2 semaphore(%arg16 : memref<!tpu.dma_semaphore, #tpu.memory_space<semaphore_mem>>) src(%arg12 : memref<128x128xf32, #tpu.memory_space<vmem>>) dst(%dma_wait3A_140 : memref<128x128xf32, #tpu.memory_space<hbm>>)
      } else {
      }
      %scan3A_80 = arith.constant 0 : i32
      %scan3A_81 = arith.constant 0 : i32
      %scan3A_82 = arith.constant 128 : i32
      %scan3A_83 = arith.addi %scan3A_81, %scan3A_82 : i32
      %scan3A_84 = arith.constant 1 : i32
      scf.for %scan3A_137 = %scan3A_81 to %scan3A_83 step %scan3A_84  : i32 {
        %get3A = arith.index_cast %scan3A_137 : i32 to index
        %get3A_138 = arith.constant 0 : index
        %get3A_139 = tpu.vector_load %arg8[%get3A, %get3A_138] {strides = array<i32>} : memref<128x128xf32, #tpu.memory_space<vmem>>, vector<1x16xf32>,
        %get3A_140 = vector.shape_cast %get3A_139 : vector<1x16xf32> to vector<16xf32>
        %get3A_141 = arith.index_cast %scan3A_137 : i32 to index
        %get3A_142 = arith.constant 0 : index
        %get3A_143 = tpu.vector_load %arg9[%get3A_141, %get3A_142] {strides = array<i32>} : memref<128x128xf32, #tpu.memory_space<vmem>>, vector<1x16xf32>,
        %get3A_144 = vector.shape_cast %get3A_143 : vector<1x16xf32> to vector<16xf32>
        %add3A_145 = arith.addf %get3A_140, %get3A_144 : vector<16xf32>
        %mul3A_146 = arith.constant 5.000000e-01 : f32
        %mul3A_147 = vector.broadcast %mul3A_146 : f32 to vector<16xf32>
        %mul3A_148 = arith.mulf %add3A_145, %mul3A_147 : vector<16xf32>
        %swap3A = arith.index_cast %scan3A_137 : i32 to index
        %swap3A_149 = arith.constant 0 : index
        %swap3A_150 = tpu.vector_load %arg12[%swap3A, %swap3A_149] {strides = array<i32>} : memref<128x128xf32, #tpu.memory_space<vmem>>, vector<1x16xf32>,
        %swap3A_151 = vector.shape_cast %swap3A_150 : vector<1x16xf32> to vector<16xf32>
        %swap3A_152 = vector.shape_cast %mul3A_148 : vector<16xf32> to vector<1x16xf32>
        tpu.vector_store %arg12[%swap3A, %swap3A_149], %swap3A_152 {strides = array<i32>} : memref<128x128xf32, #tpu.memory_space<vmem>>, vector<1x16xf32>,
        %get3A_153 = arith.index_cast %scan3A_137 : i32 to index
        %get3A_154 = arith.constant 16 : index
        %get3A_155 = tpu.vector_load %arg8[%get3A_153, %get3A_154] {strides = array<i32>} : memref<128x128xf32, #tpu.memory_space<vmem>>, vector<1x16xf32>,
        %get3A_156 = vector.shape_cast %get3A_155 : vector<1x16xf32> to vector<16xf32>
        %get3A_157 = arith.index_cast %scan3A_137 : i32 to index
        %get3A_158 = arith.constant 16 : index
        %get3A_159 = tpu.vector_load %arg9[%get3A_157, %get3A_158] {strides = array<i32>} : memref<128x128xf32, #tpu.memory_space<vmem>>, vector<1x16xf32>,
        %get3A_160 = vector.shape_cast %get3A_159 : vector<1x16xf32> to vector<16xf32>
        %add3A_161 = arith.addf %get3A_156, %get3A_160 : vector<16xf32>
        %mul3A_162 = arith.constant 5.000000e-01 : f32
        %mul3A_163 = vector.broadcast %mul3A_162 : f32 to vector<16xf32>
        %mul3A_164 = arith.mulf %add3A_161, %mul3A_163 : vector<16xf32>
        %swap3A_165 = arith.index_cast %scan3A_137 : i32 to index
        %swap3A_166 = arith.constant 16 : index
        %swap3A_167 = tpu.vector_load %arg12[%swap3A_165, %swap3A_166] {strides = array<i32>} : memref<128x128xf32, #tpu.memory_space<vmem>>, vector<1x16xf32>,
        %swap3A_168 = vector.shape_cast %swap3A_167 : vector<1x16xf32> to vector<16xf32>
        %swap3A_169 = vector.shape_cast %mul3A_164 : vector<16xf32> to vector<1x16xf32>
        tpu.vector_store %arg12[%swap3A_165, %swap3A_166], %swap3A_169 {strides = array<i32>} : memref<128x128xf32, #tpu.memory_space<vmem>>, vector<1x16xf32>,
        %get3A_170 = arith.index_cast %scan3A_137 : i32 to index
        %get3A_171 = arith.constant 32 : index
        %get3A_172 = tpu.vector_load %arg8[%get3A_170, %get3A_171] {strides = array<i32>} : memref<128x128xf32, #tpu.memory_space<vmem>>, vector<1x16xf32>,
        %get3A_173 = vector.shape_cast %get3A_172 : vector<1x16xf32> to vector<16xf32>
        %get3A_174 = arith.index_cast %scan3A_137 : i32 to index
        %get3A_175 = arith.constant 32 : index
        %get3A_176 = tpu.vector_load %arg9[%get3A_174, %get3A_175] {strides = array<i32>} : memref<128x128xf32, #tpu.memory_space<vmem>>, vector<1x16xf32>,
        %get3A_177 = vector.shape_cast %get3A_176 : vector<1x16xf32> to vector<16xf32>
        %add3A_178 = arith.addf %get3A_173, %get3A_177 : vector<16xf32>
        %mul3A_179 = arith.constant 5.000000e-01 : f32
        %mul3A_180 = vector.broadcast %mul3A_179 : f32 to vector<16xf32>
        %mul3A_181 = arith.mulf %add3A_178, %mul3A_180 : vector<16xf32>
        %swap3A_182 = arith.index_cast %scan3A_137 : i32 to index
        %swap3A_183 = arith.constant 32 : index
        %swap3A_184 = tpu.vector_load %arg12[%swap3A_182, %swap3A_183] {strides = array<i32>} : memref<128x128xf32, #tpu.memory_space<vmem>>, vector<1x16xf32>,
        %swap3A_185 = vector.shape_cast %swap3A_184 : vector<1x16xf32> to vector<16xf32>
        %swap3A_186 = vector.shape_cast %mul3A_181 : vector<16xf32> to vector<1x16xf32>
        tpu.vector_store %arg12[%swap3A_182, %swap3A_183], %swap3A_186 {strides = array<i32>} : memref<128x128xf32, #tpu.memory_space<vmem>>, vector<1x16xf32>,
        %get3A_187 = arith.index_cast %scan3A_137 : i32 to index
        %get3A_188 = arith.constant 48 : index
        %get3A_189 = tpu.vector_load %arg8[%get3A_187, %get3A_188] {strides = array<i32>} : memref<128x128xf32, #tpu.memory_space<vmem>>, vector<1x16xf32>,
        %get3A_190 = vector.shape_cast %get3A_189 : vector<1x16xf32> to vector<16xf32>
        %get3A_191 = arith.index_cast %scan3A_137 : i32 to index
        %get3A_192 = arith.constant 48 : index
        %get3A_193 = tpu.vector_load %arg9[%get3A_191, %get3A_192] {strides = array<i32>} : memref<128x128xf32, #tpu.memory_space<vmem>>, vector<1x16xf32>,
        %get3A_194 = vector.shape_cast %get3A_193 : vector<1x16xf32> to vector<16xf32>
        %add3A_195 = arith.addf %get3A_190, %get3A_194 : vector<16xf32>
        %mul3A_196 = arith.constant 5.000000e-01 : f32
        %mul3A_197 = vector.broadcast %mul3A_196 : f32 to vector<16xf32>
        %mul3A_198 = arith.mulf %add3A_195, %mul3A_197 : vector<16xf32>
        %swap3A_199 = arith.index_cast %scan3A_137 : i32 to index
        %swap3A_200 = arith.constant 48 : index
        %swap3A_201 = tpu.vector_load %arg12[%swap3A_199, %swap3A_200] {strides = array<i32>} : memref<128x128xf32, #tpu.memory_space<vmem>>, vector<1x16xf32>,
        %swap3A_202 = vector.shape_cast %swap3A_201 : vector<1x16xf32> to vector<16xf32>
        %swap3A_203 = vector.shape_cast %mul3A_198 : vector<16xf32> to vector<1x16xf32>
        tpu.vector_store %arg12[%swap3A_199, %swap3A_200], %swap3A_203 {strides = array<i32>} : memref<128x128xf32, #tpu.memory_space<vmem>>, vector<1x16xf32>,
        %get3A_204 = arith.index_cast %scan3A_137 : i32 to index
        %get3A_205 = arith.constant 64 : index
        %get3A_206 = tpu.vector_load %arg8[%get3A_204, %get3A_205] {strides = array<i32>} : memref<128x128xf32, #tpu.memory_space<vmem>>, vector<1x16xf32>,
        %get3A_207 = vector.shape_cast %get3A_206 : vector<1x16xf32> to vector<16xf32>
        %get3A_208 = arith.index_cast %scan3A_137 : i32 to index
        %get3A_209 = arith.constant 64 : index
        %get3A_210 = tpu.vector_load %arg9[%get3A_208, %get3A_209] {strides = array<i32>} : memref<128x128xf32, #tpu.memory_space<vmem>>, vector<1x16xf32>,
        %get3A_211 = vector.shape_cast %get3A_210 : vector<1x16xf32> to vector<16xf32>
        %add3A_212 = arith.addf %get3A_207, %get3A_211 : vector<16xf32>
        %mul3A_213 = arith.constant 5.000000e-01 : f32
        %mul3A_214 = vector.broadcast %mul3A_213 : f32 to vector<16xf32>
        %mul3A_215 = arith.mulf %add3A_212, %mul3A_214 : vector<16xf32>
        %swap3A_216 = arith.index_cast %scan3A_137 : i32 to index
        %swap3A_217 = arith.constant 64 : index
        %swap3A_218 = tpu.vector_load %arg12[%swap3A_216, %swap3A_217] {strides = array<i32>} : memref<128x128xf32, #tpu.memory_space<vmem>>, vector<1x16xf32>,
        %swap3A_219 = vector.shape_cast %swap3A_218 : vector<1x16xf32> to vector<16xf32>
        %swap3A_220 = vector.shape_cast %mul3A_215 : vector<16xf32> to vector<1x16xf32>
        tpu.vector_store %arg12[%swap3A_216, %swap3A_217], %swap3A_220 {strides = array<i32>} : memref<128x128xf32, #tpu.memory_space<vmem>>, vector<1x16xf32>,
        %get3A_221 = arith.index_cast %scan3A_137 : i32 to index
        %get3A_222 = arith.constant 80 : index
        %get3A_223 = tpu.vector_load %arg8[%get3A_221, %get3A_222] {strides = array<i32>} : memref<128x128xf32, #tpu.memory_space<vmem>>, vector<1x16xf32>,
        %get3A_224 = vector.shape_cast %get3A_223 : vector<1x16xf32> to vector<16xf32>
        %get3A_225 = arith.index_cast %scan3A_137 : i32 to index
        %get3A_226 = arith.constant 80 : index
        %get3A_227 = tpu.vector_load %arg9[%get3A_225, %get3A_226] {strides = array<i32>} : memref<128x128xf32, #tpu.memory_space<vmem>>, vector<1x16xf32>,
        %get3A_228 = vector.shape_cast %get3A_227 : vector<1x16xf32> to vector<16xf32>
        %add3A_229 = arith.addf %get3A_224, %get3A_228 : vector<16xf32>
        %mul3A_230 = arith.constant 5.000000e-01 : f32
        %mul3A_231 = vector.broadcast %mul3A_230 : f32 to vector<16xf32>
        %mul3A_232 = arith.mulf %add3A_229, %mul3A_231 : vector<16xf32>
        %swap3A_233 = arith.index_cast %scan3A_137 : i32 to index
        %swap3A_234 = arith.constant 80 : index
        %swap3A_235 = tpu.vector_load %arg12[%swap3A_233, %swap3A_234] {strides = array<i32>} : memref<128x128xf32, #tpu.memory_space<vmem>>, vector<1x16xf32>,
        %swap3A_236 = vector.shape_cast %swap3A_235 : vector<1x16xf32> to vector<16xf32>
        %swap3A_237 = vector.shape_cast %mul3A_232 : vector<16xf32> to vector<1x16xf32>
        tpu.vector_store %arg12[%swap3A_233, %swap3A_234], %swap3A_237 {strides = array<i32>} : memref<128x128xf32, #tpu.memory_space<vmem>>, vector<1x16xf32>,
        %get3A_238 = arith.index_cast %scan3A_137 : i32 to index
        %get3A_239 = arith.constant 96 : index
        %get3A_240 = tpu.vector_load %arg8[%get3A_238, %get3A_239] {strides = array<i32>} : memref<128x128xf32, #tpu.memory_space<vmem>>, vector<1x16xf32>,
        %get3A_241 = vector.shape_cast %get3A_240 : vector<1x16xf32> to vector<16xf32>
        %get3A_242 = arith.index_cast %scan3A_137 : i32 to index
        %get3A_243 = arith.constant 96 : index
        %get3A_244 = tpu.vector_load %arg9[%get3A_242, %get3A_243] {strides = array<i32>} : memref<128x128xf32, #tpu.memory_space<vmem>>, vector<1x16xf32>,
        %get3A_245 = vector.shape_cast %get3A_244 : vector<1x16xf32> to vector<16xf32>
        %add3A_246 = arith.addf %get3A_241, %get3A_245 : vector<16xf32>
        %mul3A_247 = arith.constant 5.000000e-01 : f32
        %mul3A_248 = vector.broadcast %mul3A_247 : f32 to vector<16xf32>
        %mul3A_249 = arith.mulf %add3A_246, %mul3A_248 : vector<16xf32>
        %swap3A_250 = arith.index_cast %scan3A_137 : i32 to index
        %swap3A_251 = arith.constant 96 : index
        %swap3A_252 = tpu.vector_load %arg12[%swap3A_250, %swap3A_251] {strides = array<i32>} : memref<128x128xf32, #tpu.memory_space<vmem>>, vector<1x16xf32>,
        %swap3A_253 = vector.shape_cast %swap3A_252 : vector<1x16xf32> to vector<16xf32>
        %swap3A_254 = vector.shape_cast %mul3A_249 : vector<16xf32> to vector<1x16xf32>
        tpu.vector_store %arg12[%swap3A_250, %swap3A_251], %swap3A_254 {strides = array<i32>} : memref<128x128xf32, #tpu.memory_space<vmem>>, vector<1x16xf32>,
        %get3A_255 = arith.index_cast %scan3A_137 : i32 to index
        %get3A_256 = arith.constant 112 : index
        %get3A_257 = tpu.vector_load %arg8[%get3A_255, %get3A_256] {strides = array<i32>} : memref<128x128xf32, #tpu.memory_space<vmem>>, vector<1x16xf32>,
        %get3A_258 = vector.shape_cast %get3A_257 : vector<1x16xf32> to vector<16xf32>
        %get3A_259 = arith.index_cast %scan3A_137 : i32 to index
        %get3A_260 = arith.constant 112 : index
        %get3A_261 = tpu.vector_load %arg9[%get3A_259, %get3A_260] {strides = array<i32>} : memref<128x128xf32, #tpu.memory_space<vmem>>, vector<1x16xf32>,
        %get3A_262 = vector.shape_cast %get3A_261 : vector<1x16xf32> to vector<16xf32>
        %add3A_263 = arith.addf %get3A_258, %get3A_262 : vector<16xf32>
        %mul3A_264 = arith.constant 5.000000e-01 : f32
        %mul3A_265 = vector.broadcast %mul3A_264 : f32 to vector<16xf32>
        %mul3A_266 = arith.mulf %add3A_263, %mul3A_265 : vector<16xf32>
        %swap3A_267 = arith.index_cast %scan3A_137 : i32 to index
        %swap3A_268 = arith.constant 112 : index
        %swap3A_269 = tpu.vector_load %arg12[%swap3A_267, %swap3A_268] {strides = array<i32>} : memref<128x128xf32, #tpu.memory_space<vmem>>, vector<1x16xf32>,
        %swap3A_270 = vector.shape_cast %swap3A_269 : vector<1x16xf32> to vector<16xf32>
        %swap3A_271 = vector.shape_cast %mul3A_266 : vector<16xf32> to vector<1x16xf32>
        tpu.vector_store %arg12[%swap3A_267, %swap3A_268], %swap3A_271 {strides = array<i32>} : memref<128x128xf32, #tpu.memory_space<vmem>>, vector<1x16xf32>,
      }
      %scan3A_85 = arith.constant 128 : i32
      %mul3A_86 = arith.constant 128 : i32
      %mul3A_87 = arith.muli %mul3A_46, %mul3A_86 : i32
      %add3A_88 = arith.addi %mul3A_4, %mul3A_87 : i32
      %dma_start3A_89 = arith.constant 0 : i32
      %dma_start3A_90 = tpu.memref_slice %arg5[%add3A_88, %dma_start3A_89] : memref<327680x128xf32, #tpu.memory_space<hbm>> -> memref<128x128xf32, #tpu.memory_space<hbm>>
      %dma_start3A_91 = arith.constant 0 : i32
      %dma_start3A_92 = tpu.memref_slice %arg5[%add3A_88, %dma_start3A_91] : memref<327680x128xf32, #tpu.memory_space<hbm>> -> memref<128x128xf32, #tpu.memory_space<hbm>>
      tpu.enqueue_dma source(%arg12 : memref<128x128xf32, #tpu.memory_space<vmem>>) target(%dma_start3A_92 : memref<128x128xf32, #tpu.memory_space<hbm>>) target_semaphore(%arg16 : memref<!tpu.dma_semaphore, #tpu.memory_space<semaphore_mem>>)
      %dma_wait3A_93 = arith.constant 0 : i32
      %dma_wait3A_94 = arith.constant 0 : i32
      %dma_wait3A_95 = tpu.memref_slice %arg6[%dma_wait3A_93, %dma_wait3A_94] : memref<80x128xi32, #tpu.memory_space<vmem>> -> memref<1x128xi32, #tpu.memory_space<vmem>>
      %dma_wait3A_96 = tpu.memref_squeeze %dma_wait3A_95 : memref<1x128xi32, #tpu.memory_space<vmem>> -> memref<128xi32, #tpu.memory_space<vmem>>
      %dma_wait3A_97 = arith.constant 0 : i32
      %dma_wait3A_98 = arith.constant 0 : i32
      %dma_wait3A_99 = tpu.memref_slice %arg2[%dma_wait3A_97, %dma_wait3A_98] : memref<10240x128xf32, #tpu.memory_space<hbm>> -> memref<10240x128xf32, #tpu.memory_space<hbm>>
      tpu.wait_indirect_dma semaphore(%arg15 : memref<!tpu.dma_semaphore, #tpu.memory_space<semaphore_mem>>) src(%dma_wait3A_99 : memref<10240x128xf32, #tpu.memory_space<hbm>>) dst(%arg10 : memref<128x128xf32, #tpu.memory_space<vmem>>)
      %dma_wait3A_100 = arith.constant 0 : i32
      %dma_wait3A_101 = arith.constant 0 : i32
      %dma_wait3A_102 = tpu.memref_slice %arg7[%dma_wait3A_100, %dma_wait3A_101] : memref<80x128xi32, #tpu.memory_space<vmem>> -> memref<1x128xi32, #tpu.memory_space<vmem>>
      %dma_wait3A_103 = tpu.memref_squeeze %dma_wait3A_102 : memref<1x128xi32, #tpu.memory_space<vmem>> -> memref<128xi32, #tpu.memory_space<vmem>>
      %dma_wait3A_104 = arith.constant 0 : i32
      %dma_wait3A_105 = arith.constant 0 : i32
      %dma_wait3A_106 = tpu.memref_slice %arg2[%dma_wait3A_104, %dma_wait3A_105] : memref<10240x128xf32, #tpu.memory_space<hbm>> -> memref<10240x128xf32, #tpu.memory_space<hbm>>
      tpu.wait_indirect_dma semaphore(%arg15 : memref<!tpu.dma_semaphore, #tpu.memory_space<semaphore_mem>>) src(%dma_wait3A_106 : memref<10240x128xf32, #tpu.memory_space<hbm>>) dst(%arg11 : memref<128x128xf32, #tpu.memory_space<vmem>>)
      %dma_start3A_107 = arith.constant 0 : i32
      %dma_start3A_108 = tpu.memref_slice %arg6[%min3A_51, %dma_start3A_107] : memref<80x128xi32, #tpu.memory_space<vmem>> -> memref<1x128xi32, #tpu.memory_space<vmem>>
      %dma_start3A_109 = tpu.memref_squeeze %dma_start3A_108 : memref<1x128xi32, #tpu.memory_space<vmem>> -> memref<128xi32, #tpu.memory_space<vmem>>
      %dma_start3A_110 = arith.constant 0 : i32
      %dma_start3A_111 = arith.constant 0 : i32
      %dma_start3A_112 = tpu.memref_slice %arg2[%dma_start3A_110, %dma_start3A_111] : memref<10240x128xf32, #tpu.memory_space<hbm>> -> memref<10240x128xf32, #tpu.memory_space<hbm>>
      tpu.enqueue_indirect_dma source(%dma_start3A_112 : memref<10240x128xf32, #tpu.memory_space<hbm>>) target(%arg8 : memref<128x128xf32, #tpu.memory_space<vmem>>) offsets(%dma_start3A_109 : memref<128xi32, #tpu.memory_space<vmem>>) semaphore(%arg14 : memref<!tpu.dma_semaphore, #tpu.memory_space<semaphore_mem>>)
      %dma_start3A_113 = arith.constant 0 : i32
      %dma_start3A_114 = tpu.memref_slice %arg7[%min3A_51, %dma_start3A_113] : memref<80x128xi32, #tpu.memory_space<vmem>> -> memref<1x128xi32, #tpu.memory_space<vmem>>
      %dma_start3A_115 = tpu.memref_squeeze %dma_start3A_114 : memref<1x128xi32, #tpu.memory_space<vmem>> -> memref<128xi32, #tpu.memory_space<vmem>>
      %dma_start3A_116 = arith.constant 0 : i32
      %dma_start3A_117 = arith.constant 0 : i32
      %dma_start3A_118 = tpu.memref_slice %arg2[%dma_start3A_116, %dma_start3A_117] : memref<10240x128xf32, #tpu.memory_space<hbm>> -> memref<10240x128xf32, #tpu.memory_space<hbm>>
      tpu.enqueue_indirect_dma source(%dma_start3A_118 : memref<10240x128xf32, #tpu.memory_space<hbm>>) target(%arg9 : memref<128x128xf32, #tpu.memory_space<vmem>>) offsets(%dma_start3A_115 : memref<128xi32, #tpu.memory_space<vmem>>) semaphore(%arg14 : memref<!tpu.dma_semaphore, #tpu.memory_space<semaphore_mem>>)
      %gt3A_119 = arith.constant 0 : i32
      %gt3A_120 = arith.cmpi sgt, %scan3A_44, %gt3A_119 : i32
      %convert_element_type3A_121 = arith.extui %gt3A_120 : i1 to i32
      %cond3A_122 = arith.constant 0 : i32
      %cond3A_123 = arith.cmpi ne, %convert_element_type3A_121, %cond3A_122 : i32
      scf.if %cond3A_123 {
        %dma_wait3A_137 = arith.constant 0 : i32
        %dma_wait3A_138 = tpu.memref_slice %arg5[%mul3A_4, %dma_wait3A_137] : memref<327680x128xf32, #tpu.memory_space<hbm>> -> memref<128x128xf32, #tpu.memory_space<hbm>>
        %dma_wait3A_139 = arith.constant 0 : i32
        %dma_wait3A_140 = tpu.memref_slice %arg5[%mul3A_4, %dma_wait3A_139] : memref<327680x128xf32, #tpu.memory_space<hbm>> -> memref<128x128xf32, #tpu.memory_space<hbm>>
        tpu.wait_dma2 semaphore(%arg17 : memref<!tpu.dma_semaphore, #tpu.memory_space<semaphore_mem>>) src(%arg13 : memref<128x128xf32, #tpu.memory_space<vmem>>) dst(%dma_wait3A_140 : memref<128x128xf32, #tpu.memory_space<hbm>>)
      } else {
      }
      %scan3A_124 = arith.constant 0 : i32
      %scan3A_125 = arith.constant 0 : i32
      %scan3A_126 = arith.constant 128 : i32
      %scan3A_127 = arith.addi %scan3A_125, %scan3A_126 : i32
      %scan3A_128 = arith.constant 1 : i32
      scf.for %scan3A_137 = %scan3A_125 to %scan3A_127 step %scan3A_128  : i32 {
        %get3A = arith.index_cast %scan3A_137 : i32 to index
        %get3A_138 = arith.constant 0 : index
        %get3A_139 = tpu.vector_load %arg10[%get3A, %get3A_138] {strides = array<i32>} : memref<128x128xf32, #tpu.memory_space<vmem>>, vector<1x16xf32>,
        %get3A_140 = vector.shape_cast %get3A_139 : vector<1x16xf32> to vector<16xf32>
        %get3A_141 = arith.index_cast %scan3A_137 : i32 to index
        %get3A_142 = arith.constant 0 : index
        %get3A_143 = tpu.vector_load %arg11[%get3A_141, %get3A_142] {strides = array<i32>} : memref<128x128xf32, #tpu.memory_space<vmem>>, vector<1x16xf32>,
        %get3A_144 = vector.shape_cast %get3A_143 : vector<1x16xf32> to vector<16xf32>
        %add3A_145 = arith.addf %get3A_140, %get3A_144 : vector<16xf32>
        %mul3A_146 = arith.constant 5.000000e-01 : f32
        %mul3A_147 = vector.broadcast %mul3A_146 : f32 to vector<16xf32>
        %mul3A_148 = arith.mulf %add3A_145, %mul3A_147 : vector<16xf32>
        %swap3A = arith.index_cast %scan3A_137 : i32 to index
        %swap3A_149 = arith.constant 0 : index
        %swap3A_150 = tpu.vector_load %arg13[%swap3A, %swap3A_149] {strides = array<i32>} : memref<128x128xf32, #tpu.memory_space<vmem>>, vector<1x16xf32>,
        %swap3A_151 = vector.shape_cast %swap3A_150 : vector<1x16xf32> to vector<16xf32>
        %swap3A_152 = vector.shape_cast %mul3A_148 : vector<16xf32> to vector<1x16xf32>
        tpu.vector_store %arg13[%swap3A, %swap3A_149], %swap3A_152 {strides = array<i32>} : memref<128x128xf32, #tpu.memory_space<vmem>>, vector<1x16xf32>,
        %get3A_153 = arith.index_cast %scan3A_137 : i32 to index
        %get3A_154 = arith.constant 16 : index
        %get3A_155 = tpu.vector_load %arg10[%get3A_153, %get3A_154] {strides = array<i32>} : memref<128x128xf32, #tpu.memory_space<vmem>>, vector<1x16xf32>,
        %get3A_156 = vector.shape_cast %get3A_155 : vector<1x16xf32> to vector<16xf32>
        %get3A_157 = arith.index_cast %scan3A_137 : i32 to index
        %get3A_158 = arith.constant 16 : index
        %get3A_159 = tpu.vector_load %arg11[%get3A_157, %get3A_158] {strides = array<i32>} : memref<128x128xf32, #tpu.memory_space<vmem>>, vector<1x16xf32>,
        %get3A_160 = vector.shape_cast %get3A_159 : vector<1x16xf32> to vector<16xf32>
        %add3A_161 = arith.addf %get3A_156, %get3A_160 : vector<16xf32>
        %mul3A_162 = arith.constant 5.000000e-01 : f32
        %mul3A_163 = vector.broadcast %mul3A_162 : f32 to vector<16xf32>
        %mul3A_164 = arith.mulf %add3A_161, %mul3A_163 : vector<16xf32>
        %swap3A_165 = arith.index_cast %scan3A_137 : i32 to index
        %swap3A_166 = arith.constant 16 : index
        %swap3A_167 = tpu.vector_load %arg13[%swap3A_165, %swap3A_166] {strides = array<i32>} : memref<128x128xf32, #tpu.memory_space<vmem>>, vector<1x16xf32>,
        %swap3A_168 = vector.shape_cast %swap3A_167 : vector<1x16xf32> to vector<16xf32>
        %swap3A_169 = vector.shape_cast %mul3A_164 : vector<16xf32> to vector<1x16xf32>
        tpu.vector_store %arg13[%swap3A_165, %swap3A_166], %swap3A_169 {strides = array<i32>} : memref<128x128xf32, #tpu.memory_space<vmem>>, vector<1x16xf32>,
        %get3A_170 = arith.index_cast %scan3A_137 : i32 to index
        %get3A_171 = arith.constant 32 : index
        %get3A_172 = tpu.vector_load %arg10[%get3A_170, %get3A_171] {strides = array<i32>} : memref<128x128xf32, #tpu.memory_space<vmem>>, vector<1x16xf32>,
        %get3A_173 = vector.shape_cast %get3A_172 : vector<1x16xf32> to vector<16xf32>
        %get3A_174 = arith.index_cast %scan3A_137 : i32 to index
        %get3A_175 = arith.constant 32 : index
        %get3A_176 = tpu.vector_load %arg11[%get3A_174, %get3A_175] {strides = array<i32>} : memref<128x128xf32, #tpu.memory_space<vmem>>, vector<1x16xf32>,
        %get3A_177 = vector.shape_cast %get3A_176 : vector<1x16xf32> to vector<16xf32>
        %add3A_178 = arith.addf %get3A_173, %get3A_177 : vector<16xf32>
        %mul3A_179 = arith.constant 5.000000e-01 : f32
        %mul3A_180 = vector.broadcast %mul3A_179 : f32 to vector<16xf32>
        %mul3A_181 = arith.mulf %add3A_178, %mul3A_180 : vector<16xf32>
        %swap3A_182 = arith.index_cast %scan3A_137 : i32 to index
        %swap3A_183 = arith.constant 32 : index
        %swap3A_184 = tpu.vector_load %arg13[%swap3A_182, %swap3A_183] {strides = array<i32>} : memref<128x128xf32, #tpu.memory_space<vmem>>, vector<1x16xf32>,
        %swap3A_185 = vector.shape_cast %swap3A_184 : vector<1x16xf32> to vector<16xf32>
        %swap3A_186 = vector.shape_cast %mul3A_181 : vector<16xf32> to vector<1x16xf32>
        tpu.vector_store %arg13[%swap3A_182, %swap3A_183], %swap3A_186 {strides = array<i32>} : memref<128x128xf32, #tpu.memory_space<vmem>>, vector<1x16xf32>,
        %get3A_187 = arith.index_cast %scan3A_137 : i32 to index
        %get3A_188 = arith.constant 48 : index
        %get3A_189 = tpu.vector_load %arg10[%get3A_187, %get3A_188] {strides = array<i32>} : memref<128x128xf32, #tpu.memory_space<vmem>>, vector<1x16xf32>,
        %get3A_190 = vector.shape_cast %get3A_189 : vector<1x16xf32> to vector<16xf32>
        %get3A_191 = arith.index_cast %scan3A_137 : i32 to index
        %get3A_192 = arith.constant 48 : index
        %get3A_193 = tpu.vector_load %arg11[%get3A_191, %get3A_192] {strides = array<i32>} : memref<128x128xf32, #tpu.memory_space<vmem>>, vector<1x16xf32>,
        %get3A_194 = vector.shape_cast %get3A_193 : vector<1x16xf32> to vector<16xf32>
        %add3A_195 = arith.addf %get3A_190, %get3A_194 : vector<16xf32>
        %mul3A_196 = arith.constant 5.000000e-01 : f32
        %mul3A_197 = vector.broadcast %mul3A_196 : f32 to vector<16xf32>
        %mul3A_198 = arith.mulf %add3A_195, %mul3A_197 : vector<16xf32>
        %swap3A_199 = arith.index_cast %scan3A_137 : i32 to index
        %swap3A_200 = arith.constant 48 : index
        %swap3A_201 = tpu.vector_load %arg13[%swap3A_199, %swap3A_200] {strides = array<i32>} : memref<128x128xf32, #tpu.memory_space<vmem>>, vector<1x16xf32>,
        %swap3A_202 = vector.shape_cast %swap3A_201 : vector<1x16xf32> to vector<16xf32>
        %swap3A_203 = vector.shape_cast %mul3A_198 : vector<16xf32> to vector<1x16xf32>
        tpu.vector_store %arg13[%swap3A_199, %swap3A_200], %swap3A_203 {strides = array<i32>} : memref<128x128xf32, #tpu.memory_space<vmem>>, vector<1x16xf32>,
        %get3A_204 = arith.index_cast %scan3A_137 : i32 to index
        %get3A_205 = arith.constant 64 : index
        %get3A_206 = tpu.vector_load %arg10[%get3A_204, %get3A_205] {strides = array<i32>} : memref<128x128xf32, #tpu.memory_space<vmem>>, vector<1x16xf32>,
        %get3A_207 = vector.shape_cast %get3A_206 : vector<1x16xf32> to vector<16xf32>
        %get3A_208 = arith.index_cast %scan3A_137 : i32 to index
        %get3A_209 = arith.constant 64 : index
        %get3A_210 = tpu.vector_load %arg11[%get3A_208, %get3A_209] {strides = array<i32>} : memref<128x128xf32, #tpu.memory_space<vmem>>, vector<1x16xf32>,
        %get3A_211 = vector.shape_cast %get3A_210 : vector<1x16xf32> to vector<16xf32>
        %add3A_212 = arith.addf %get3A_207, %get3A_211 : vector<16xf32>
        %mul3A_213 = arith.constant 5.000000e-01 : f32
        %mul3A_214 = vector.broadcast %mul3A_213 : f32 to vector<16xf32>
        %mul3A_215 = arith.mulf %add3A_212, %mul3A_214 : vector<16xf32>
        %swap3A_216 = arith.index_cast %scan3A_137 : i32 to index
        %swap3A_217 = arith.constant 64 : index
        %swap3A_218 = tpu.vector_load %arg13[%swap3A_216, %swap3A_217] {strides = array<i32>} : memref<128x128xf32, #tpu.memory_space<vmem>>, vector<1x16xf32>,
        %swap3A_219 = vector.shape_cast %swap3A_218 : vector<1x16xf32> to vector<16xf32>
        %swap3A_220 = vector.shape_cast %mul3A_215 : vector<16xf32> to vector<1x16xf32>
        tpu.vector_store %arg13[%swap3A_216, %swap3A_217], %swap3A_220 {strides = array<i32>} : memref<128x128xf32, #tpu.memory_space<vmem>>, vector<1x16xf32>,
        %get3A_221 = arith.index_cast %scan3A_137 : i32 to index
        %get3A_222 = arith.constant 80 : index
        %get3A_223 = tpu.vector_load %arg10[%get3A_221, %get3A_222] {strides = array<i32>} : memref<128x128xf32, #tpu.memory_space<vmem>>, vector<1x16xf32>,
        %get3A_224 = vector.shape_cast %get3A_223 : vector<1x16xf32> to vector<16xf32>
        %get3A_225 = arith.index_cast %scan3A_137 : i32 to index
        %get3A_226 = arith.constant 80 : index
        %get3A_227 = tpu.vector_load %arg11[%get3A_225, %get3A_226] {strides = array<i32>} : memref<128x128xf32, #tpu.memory_space<vmem>>, vector<1x16xf32>,
        %get3A_228 = vector.shape_cast %get3A_227 : vector<1x16xf32> to vector<16xf32>
        %add3A_229 = arith.addf %get3A_224, %get3A_228 : vector<16xf32>
        %mul3A_230 = arith.constant 5.000000e-01 : f32
        %mul3A_231 = vector.broadcast %mul3A_230 : f32 to vector<16xf32>
        %mul3A_232 = arith.mulf %add3A_229, %mul3A_231 : vector<16xf32>
        %swap3A_233 = arith.index_cast %scan3A_137 : i32 to index
        %swap3A_234 = arith.constant 80 : index
        %swap3A_235 = tpu.vector_load %arg13[%swap3A_233, %swap3A_234] {strides = array<i32>} : memref<128x128xf32, #tpu.memory_space<vmem>>, vector<1x16xf32>,
        %swap3A_236 = vector.shape_cast %swap3A_235 : vector<1x16xf32> to vector<16xf32>
        %swap3A_237 = vector.shape_cast %mul3A_232 : vector<16xf32> to vector<1x16xf32>
        tpu.vector_store %arg13[%swap3A_233, %swap3A_234], %swap3A_237 {strides = array<i32>} : memref<128x128xf32, #tpu.memory_space<vmem>>, vector<1x16xf32>,
        %get3A_238 = arith.index_cast %scan3A_137 : i32 to index
        %get3A_239 = arith.constant 96 : index
        %get3A_240 = tpu.vector_load %arg10[%get3A_238, %get3A_239] {strides = array<i32>} : memref<128x128xf32, #tpu.memory_space<vmem>>, vector<1x16xf32>,
        %get3A_241 = vector.shape_cast %get3A_240 : vector<1x16xf32> to vector<16xf32>
        %get3A_242 = arith.index_cast %scan3A_137 : i32 to index
        %get3A_243 = arith.constant 96 : index
        %get3A_244 = tpu.vector_load %arg11[%get3A_242, %get3A_243] {strides = array<i32>} : memref<128x128xf32, #tpu.memory_space<vmem>>, vector<1x16xf32>,
        %get3A_245 = vector.shape_cast %get3A_244 : vector<1x16xf32> to vector<16xf32>
        %add3A_246 = arith.addf %get3A_241, %get3A_245 : vector<16xf32>
        %mul3A_247 = arith.constant 5.000000e-01 : f32
        %mul3A_248 = vector.broadcast %mul3A_247 : f32 to vector<16xf32>
        %mul3A_249 = arith.mulf %add3A_246, %mul3A_248 : vector<16xf32>
        %swap3A_250 = arith.index_cast %scan3A_137 : i32 to index
        %swap3A_251 = arith.constant 96 : index
        %swap3A_252 = tpu.vector_load %arg13[%swap3A_250, %swap3A_251] {strides = array<i32>} : memref<128x128xf32, #tpu.memory_space<vmem>>, vector<1x16xf32>,
        %swap3A_253 = vector.shape_cast %swap3A_252 : vector<1x16xf32> to vector<16xf32>
        %swap3A_254 = vector.shape_cast %mul3A_249 : vector<16xf32> to vector<1x16xf32>
        tpu.vector_store %arg13[%swap3A_250, %swap3A_251], %swap3A_254 {strides = array<i32>} : memref<128x128xf32, #tpu.memory_space<vmem>>, vector<1x16xf32>,
        %get3A_255 = arith.index_cast %scan3A_137 : i32 to index
        %get3A_256 = arith.constant 112 : index
        %get3A_257 = tpu.vector_load %arg10[%get3A_255, %get3A_256] {strides = array<i32>} : memref<128x128xf32, #tpu.memory_space<vmem>>, vector<1x16xf32>,
        %get3A_258 = vector.shape_cast %get3A_257 : vector<1x16xf32> to vector<16xf32>
        %get3A_259 = arith.index_cast %scan3A_137 : i32 to index
        %get3A_260 = arith.constant 112 : index
        %get3A_261 = tpu.vector_load %arg11[%get3A_259, %get3A_260] {strides = array<i32>} : memref<128x128xf32, #tpu.memory_space<vmem>>, vector<1x16xf32>,
        %get3A_262 = vector.shape_cast %get3A_261 : vector<1x16xf32> to vector<16xf32>
        %add3A_263 = arith.addf %get3A_258, %get3A_262 : vector<16xf32>
        %mul3A_264 = arith.constant 5.000000e-01 : f32
        %mul3A_265 = vector.broadcast %mul3A_264 : f32 to vector<16xf32>
        %mul3A_266 = arith.mulf %add3A_263, %mul3A_265 : vector<16xf32>
        %swap3A_267 = arith.index_cast %scan3A_137 : i32 to index
        %swap3A_268 = arith.constant 112 : index
        %swap3A_269 = tpu.vector_load %arg13[%swap3A_267, %swap3A_268] {strides = array<i32>} : memref<128x128xf32, #tpu.memory_space<vmem>>, vector<1x16xf32>,
        %swap3A_270 = vector.shape_cast %swap3A_269 : vector<1x16xf32> to vector<16xf32>
        %swap3A_271 = vector.shape_cast %mul3A_266 : vector<16xf32> to vector<1x16xf32>
        tpu.vector_store %arg13[%swap3A_267, %swap3A_268], %swap3A_271 {strides = array<i32>} : memref<128x128xf32, #tpu.memory_space<vmem>>, vector<1x16xf32>,
      }
      %scan3A_129 = arith.constant 128 : i32
      %mul3A_130 = arith.constant 128 : i32
      %mul3A_131 = arith.muli %add3A_48, %mul3A_130 : i32
      %add3A_132 = arith.addi %mul3A_4, %mul3A_131 : i32
      %dma_start3A_133 = arith.constant 0 : i32
      %dma_start3A_134 = tpu.memref_slice %arg5[%add3A_132, %dma_start3A_133] : memref<327680x128xf32, #tpu.memory_space<hbm>> -> memref<128x128xf32, #tpu.memory_space<hbm>>
      %dma_start3A_135 = arith.constant 0 : i32
      %dma_start3A_136 = tpu.memref_slice %arg5[%add3A_132, %dma_start3A_135] : memref<327680x128xf32, #tpu.memory_space<hbm>> -> memref<128x128xf32, #tpu.memory_space<hbm>>
      tpu.enqueue_dma source(%arg13 : memref<128x128xf32, #tpu.memory_space<vmem>>) target(%dma_start3A_136 : memref<128x128xf32, #tpu.memory_space<hbm>>) target_semaphore(%arg17 : memref<!tpu.dma_semaphore, #tpu.memory_space<semaphore_mem>>)
    }
    %scan3A_22 = arith.constant 40 : i32
    %dma_wait3A = arith.constant 0 : i32
    %dma_wait3A_23 = arith.constant 0 : i32
    %dma_wait3A_24 = tpu.memref_slice %arg6[%dma_wait3A, %dma_wait3A_23] : memref<80x128xi32, #tpu.memory_space<vmem>> -> memref<1x128xi32, #tpu.memory_space<vmem>>
    %dma_wait3A_25 = tpu.memref_squeeze %dma_wait3A_24 : memref<1x128xi32, #tpu.memory_space<vmem>> -> memref<128xi32, #tpu.memory_space<vmem>>
    %dma_wait3A_26 = arith.constant 0 : i32
    %dma_wait3A_27 = arith.constant 0 : i32
    %dma_wait3A_28 = tpu.memref_slice %arg2[%dma_wait3A_26, %dma_wait3A_27] : memref<10240x128xf32, #tpu.memory_space<hbm>> -> memref<10240x128xf32, #tpu.memory_space<hbm>>
    tpu.wait_indirect_dma semaphore(%arg14 : memref<!tpu.dma_semaphore, #tpu.memory_space<semaphore_mem>>) src(%dma_wait3A_28 : memref<10240x128xf32, #tpu.memory_space<hbm>>) dst(%arg8 : memref<128x128xf32, #tpu.memory_space<vmem>>)
    %dma_wait3A_29 = arith.constant 0 : i32
    %dma_wait3A_30 = arith.constant 0 : i32
    %dma_wait3A_31 = tpu.memref_slice %arg7[%dma_wait3A_29, %dma_wait3A_30] : memref<80x128xi32, #tpu.memory_space<vmem>> -> memref<1x128xi32, #tpu.memory_space<vmem>>
    %dma_wait3A_32 = tpu.memref_squeeze %dma_wait3A_31 : memref<1x128xi32, #tpu.memory_space<vmem>> -> memref<128xi32, #tpu.memory_space<vmem>>
    %dma_wait3A_33 = arith.constant 0 : i32
    %dma_wait3A_34 = arith.constant 0 : i32
    %dma_wait3A_35 = tpu.memref_slice %arg2[%dma_wait3A_33, %dma_wait3A_34] : memref<10240x128xf32, #tpu.memory_space<hbm>> -> memref<10240x128xf32, #tpu.memory_space<hbm>>
    tpu.wait_indirect_dma semaphore(%arg14 : memref<!tpu.dma_semaphore, #tpu.memory_space<semaphore_mem>>) src(%dma_wait3A_35 : memref<10240x128xf32, #tpu.memory_space<hbm>>) dst(%arg9 : memref<128x128xf32, #tpu.memory_space<vmem>>)
    %dma_wait3A_36 = arith.constant 0 : i32
    %dma_wait3A_37 = tpu.memref_slice %arg5[%mul3A_4, %dma_wait3A_36] : memref<327680x128xf32, #tpu.memory_space<hbm>> -> memref<128x128xf32, #tpu.memory_space<hbm>>
    %dma_wait3A_38 = arith.constant 0 : i32
    %dma_wait3A_39 = tpu.memref_slice %arg5[%mul3A_4, %dma_wait3A_38] : memref<327680x128xf32, #tpu.memory_space<hbm>> -> memref<128x128xf32, #tpu.memory_space<hbm>>
    tpu.wait_dma2 semaphore(%arg16 : memref<!tpu.dma_semaphore, #tpu.memory_space<semaphore_mem>>) src(%arg12 : memref<128x128xf32, #tpu.memory_space<vmem>>) dst(%dma_wait3A_39 : memref<128x128xf32, #tpu.memory_space<hbm>>)
    %dma_wait3A_40 = arith.constant 0 : i32
    %dma_wait3A_41 = tpu.memref_slice %arg5[%mul3A_4, %dma_wait3A_40] : memref<327680x128xf32, #tpu.memory_space<hbm>> -> memref<128x128xf32, #tpu.memory_space<hbm>>
    %dma_wait3A_42 = arith.constant 0 : i32
    %dma_wait3A_43 = tpu.memref_slice %arg5[%mul3A_4, %dma_wait3A_42] : memref<327680x128xf32, #tpu.memory_space<hbm>> -> memref<128x128xf32, #tpu.memory_space<hbm>>
    tpu.wait_dma2 semaphore(%arg17 : memref<!tpu.dma_semaphore, #tpu.memory_space<semaphore_mem>>) src(%arg13 : memref<128x128xf32, #tpu.memory_space<vmem>>) dst(%dma_wait3A_43 : memref<128x128xf32, #tpu.memory_space<hbm>>)
    return
  }
}

#map = affine_map<(d0, d1) -> (0, 0)>
module attributes {stable_mosaic.version = 14 : i64} {
  func.func @_sc_scatter(%arg0: i32, %arg1: i32, %arg2: memref<10240x128xf32, #tpu.memory_space<hbm>>, %arg3: memref<2560x128xi32, #tpu.memory_space<hbm>>, %arg4: memref<2560x128xi32, #tpu.memory_space<hbm>>, %arg5: memref<10240x128xf32, #tpu.memory_space<hbm>>, %arg6: memref<20480x128xf32, #tpu.memory_space<hbm>>, %arg7: memref<10240x128xf32, #tpu.memory_space<vmem_shared>>, %arg8: memref<40x128xi32, #tpu.memory_space<vmem>>, %arg9: memref<40x128xi32, #tpu.memory_space<vmem>>, %arg10: memref<128x128xf32, #tpu.memory_space<vmem>>, %arg11: memref<128x128xf32, #tpu.memory_space<vmem>>, %arg12: memref<!tpu.dma_semaphore, #tpu.memory_space<semaphore_mem>>, %arg13: memref<!tpu.dma_semaphore, #tpu.memory_space<semaphore_mem>>) attributes {dimension_semantics = [#tpu.dimension_semantics<core_parallel>, #tpu.dimension_semantics<subcore_parallel>], iteration_bounds = array<i64: 2, 16>, scalar_prefetch = 0 : i64, scratch_operands = 7 : i64, tpu.core_type = #tpu.core_type<sc_vector_subcore>, window_params = [{transform_indices = #map}, {transform_indices = #map}, {transform_indices = #map}, {transform_indices = #map}, {transform_indices = #map}]} {
    %mul3A = arith.constant 16 : i32
    %mul3A_0 = arith.muli %arg0, %mul3A : i32
    %add3A = arith.addi %mul3A_0, %arg1 : i32
    %mul3A_1 = arith.constant 80 : i32
    %mul3A_2 = arith.muli %add3A, %mul3A_1 : i32
    %mul3A_3 = arith.constant 640 : i32
    %mul3A_4 = arith.muli %arg1, %mul3A_3 : i32
    %mul3A_5 = arith.constant 640 : i32
    %mul3A_6 = arith.muli %arg1, %mul3A_5 : i32
    "tpu.region"() ({
      %run_scoped3A = tpu.sem_alloc : memref<!tpu.dma_semaphore, #tpu.memory_space<semaphore_mem>>
      %dma_start3A_56 = arith.constant 0 : i32
      %dma_start3A_57 = tpu.memref_slice %arg7[%mul3A_6, %dma_start3A_56] : memref<10240x128xf32, #tpu.memory_space<vmem_shared>> -> memref<640x128xf32, #tpu.memory_space<vmem_shared>>
      %dma_start3A_58 = arith.constant 0 : i32
      %dma_start3A_59 = tpu.memref_slice %arg5[%mul3A_4, %dma_start3A_58] : memref<10240x128xf32, #tpu.memory_space<hbm>> -> memref<640x128xf32, #tpu.memory_space<hbm>>
      tpu.enqueue_dma source(%dma_start3A_59 : memref<640x128xf32, #tpu.memory_space<hbm>>) target(%dma_start3A_57 : memref<640x128xf32, #tpu.memory_space<vmem_shared>>) target_semaphore(%run_scoped3A : memref<!tpu.dma_semaphore, #tpu.memory_space<semaphore_mem>>)
      %dma_wait3A_60 = arith.constant 0 : i32
      %dma_wait3A_61 = tpu.memref_slice %arg7[%mul3A_6, %dma_wait3A_60] : memref<10240x128xf32, #tpu.memory_space<vmem_shared>> -> memref<640x128xf32, #tpu.memory_space<vmem_shared>>
      %dma_wait3A_62 = arith.constant 0 : i32
      %dma_wait3A_63 = tpu.memref_slice %arg5[%mul3A_4, %dma_wait3A_62] : memref<10240x128xf32, #tpu.memory_space<hbm>> -> memref<640x128xf32, #tpu.memory_space<hbm>>
      tpu.wait_dma2 semaphore(%run_scoped3A : memref<!tpu.dma_semaphore, #tpu.memory_space<semaphore_mem>>) src(%dma_wait3A_63 : memref<640x128xf32, #tpu.memory_space<hbm>>) dst(%dma_wait3A_61 : memref<640x128xf32, #tpu.memory_space<vmem_shared>>)
      tpu.yield
    }) : () -> ()
    %barrier3A = arith.constant 0 : index
    tpu.barrier barrier_id(%barrier3A)
    %add3A_7 = arith.constant 0 : i32
    %add3A_8 = arith.addi %mul3A_2, %add3A_7 : i32
    "tpu.region"() ({
      %run_scoped3A = tpu.sem_alloc : memref<!tpu.dma_semaphore, #tpu.memory_space<semaphore_mem>>
      %dma_start3A_56 = arith.constant 0 : i32
      %dma_start3A_57 = tpu.memref_slice %arg3[%add3A_8, %dma_start3A_56] : memref<2560x128xi32, #tpu.memory_space<hbm>> -> memref<40x128xi32, #tpu.memory_space<hbm>>
      %dma_start3A_58 = arith.constant 0 : i32
      %dma_start3A_59 = tpu.memref_slice %arg3[%add3A_8, %dma_start3A_58] : memref<2560x128xi32, #tpu.memory_space<hbm>> -> memref<40x128xi32, #tpu.memory_space<hbm>>
      tpu.enqueue_dma source(%dma_start3A_59 : memref<40x128xi32, #tpu.memory_space<hbm>>) target(%arg8 : memref<40x128xi32, #tpu.memory_space<vmem>>) target_semaphore(%run_scoped3A : memref<!tpu.dma_semaphore, #tpu.memory_space<semaphore_mem>>)
      %dma_wait3A_60 = arith.constant 0 : i32
      %dma_wait3A_61 = tpu.memref_slice %arg3[%add3A_8, %dma_wait3A_60] : memref<2560x128xi32, #tpu.memory_space<hbm>> -> memref<40x128xi32, #tpu.memory_space<hbm>>
      %dma_wait3A_62 = arith.constant 0 : i32
      %dma_wait3A_63 = tpu.memref_slice %arg3[%add3A_8, %dma_wait3A_62] : memref<2560x128xi32, #tpu.memory_space<hbm>> -> memref<40x128xi32, #tpu.memory_space<hbm>>
      tpu.wait_dma2 semaphore(%run_scoped3A : memref<!tpu.dma_semaphore, #tpu.memory_space<semaphore_mem>>) src(%dma_wait3A_63 : memref<40x128xi32, #tpu.memory_space<hbm>>) dst(%arg8 : memref<40x128xi32, #tpu.memory_space<vmem>>)
      tpu.yield
    }) : () -> ()
    "tpu.region"() ({
      %run_scoped3A = tpu.sem_alloc : memref<!tpu.dma_semaphore, #tpu.memory_space<semaphore_mem>>
      %dma_start3A_56 = arith.constant 0 : i32
      %dma_start3A_57 = tpu.memref_slice %arg4[%add3A_8, %dma_start3A_56] : memref<2560x128xi32, #tpu.memory_space<hbm>> -> memref<40x128xi32, #tpu.memory_space<hbm>>
      %dma_start3A_58 = arith.constant 0 : i32
      %dma_start3A_59 = tpu.memref_slice %arg4[%add3A_8, %dma_start3A_58] : memref<2560x128xi32, #tpu.memory_space<hbm>> -> memref<40x128xi32, #tpu.memory_space<hbm>>
      tpu.enqueue_dma source(%dma_start3A_59 : memref<40x128xi32, #tpu.memory_space<hbm>>) target(%arg9 : memref<40x128xi32, #tpu.memory_space<vmem>>) target_semaphore(%run_scoped3A : memref<!tpu.dma_semaphore, #tpu.memory_space<semaphore_mem>>)
      %dma_wait3A_60 = arith.constant 0 : i32
      %dma_wait3A_61 = tpu.memref_slice %arg4[%add3A_8, %dma_wait3A_60] : memref<2560x128xi32, #tpu.memory_space<hbm>> -> memref<40x128xi32, #tpu.memory_space<hbm>>
      %dma_wait3A_62 = arith.constant 0 : i32
      %dma_wait3A_63 = tpu.memref_slice %arg4[%add3A_8, %dma_wait3A_62] : memref<2560x128xi32, #tpu.memory_space<hbm>> -> memref<40x128xi32, #tpu.memory_space<hbm>>
      tpu.wait_dma2 semaphore(%run_scoped3A : memref<!tpu.dma_semaphore, #tpu.memory_space<semaphore_mem>>) src(%dma_wait3A_63 : memref<40x128xi32, #tpu.memory_space<hbm>>) dst(%arg9 : memref<40x128xi32, #tpu.memory_space<vmem>>)
      tpu.yield
    }) : () -> ()
    %dma_start3A = arith.constant 0 : i32
    %dma_start3A_9 = arith.constant 0 : i32
    %dma_start3A_10 = tpu.memref_slice %arg8[%dma_start3A, %dma_start3A_9] : memref<40x128xi32, #tpu.memory_space<vmem>> -> memref<1x128xi32, #tpu.memory_space<vmem>>
    %dma_start3A_11 = tpu.memref_squeeze %dma_start3A_10 : memref<1x128xi32, #tpu.memory_space<vmem>> -> memref<128xi32, #tpu.memory_space<vmem>>
    %dma_start3A_12 = arith.constant 0 : i32
    %dma_start3A_13 = arith.constant 0 : i32
    %dma_start3A_14 = tpu.memref_slice %arg2[%dma_start3A_12, %dma_start3A_13] : memref<10240x128xf32, #tpu.memory_space<hbm>> -> memref<10240x128xf32, #tpu.memory_space<hbm>>
    tpu.enqueue_indirect_dma source(%dma_start3A_14 : memref<10240x128xf32, #tpu.memory_space<hbm>>) target(%arg10 : memref<128x128xf32, #tpu.memory_space<vmem>>) offsets(%dma_start3A_11 : memref<128xi32, #tpu.memory_space<vmem>>) semaphore(%arg12 : memref<!tpu.dma_semaphore, #tpu.memory_space<semaphore_mem>>)
    %scan3A = arith.constant 0 : i32
    %scan3A_15 = arith.constant 0 : i32
    %scan3A_16 = arith.constant 20 : i32
    %scan3A_17 = arith.addi %scan3A_15, %scan3A_16 : i32
    %scan3A_18 = arith.constant 1 : i32
    scf.for %scan3A_56 = %scan3A_15 to %scan3A_17 step %scan3A_18  : i32 {
      %mul3A_57 = arith.constant 2 : i32
      %mul3A_58 = arith.muli %mul3A_57, %scan3A_56 : i32
      %add3A_59 = arith.constant 1 : i32
      %add3A_60 = arith.addi %mul3A_58, %add3A_59 : i32
      %add3A_61 = arith.constant 1 : i32
      %add3A_62 = arith.addi %add3A_60, %add3A_61 : i32
      %min3A = arith.constant 39 : i32
      %min3A_63 = arith.minsi %add3A_62, %min3A : i32
      %dma_wait3A_64 = arith.constant 0 : i32
      %dma_wait3A_65 = tpu.memref_slice %arg8[%mul3A_58, %dma_wait3A_64] : memref<40x128xi32, #tpu.memory_space<vmem>> -> memref<1x128xi32, #tpu.memory_space<vmem>>
      %dma_wait3A_66 = tpu.memref_squeeze %dma_wait3A_65 : memref<1x128xi32, #tpu.memory_space<vmem>> -> memref<128xi32, #tpu.memory_space<vmem>>
      %dma_wait3A_67 = arith.constant 0 : i32
      %dma_wait3A_68 = arith.constant 0 : i32
      %dma_wait3A_69 = tpu.memref_slice %arg2[%dma_wait3A_67, %dma_wait3A_68] : memref<10240x128xf32, #tpu.memory_space<hbm>> -> memref<10240x128xf32, #tpu.memory_space<hbm>>
      tpu.wait_indirect_dma semaphore(%arg12 : memref<!tpu.dma_semaphore, #tpu.memory_space<semaphore_mem>>) src(%dma_wait3A_69 : memref<10240x128xf32, #tpu.memory_space<hbm>>) dst(%arg10 : memref<128x128xf32, #tpu.memory_space<vmem>>)
      %dma_start3A_70 = arith.constant 0 : i32
      %dma_start3A_71 = tpu.memref_slice %arg8[%add3A_60, %dma_start3A_70] : memref<40x128xi32, #tpu.memory_space<vmem>> -> memref<1x128xi32, #tpu.memory_space<vmem>>
      %dma_start3A_72 = tpu.memref_squeeze %dma_start3A_71 : memref<1x128xi32, #tpu.memory_space<vmem>> -> memref<128xi32, #tpu.memory_space<vmem>>
      %dma_start3A_73 = arith.constant 0 : i32
      %dma_start3A_74 = arith.constant 0 : i32
      %dma_start3A_75 = tpu.memref_slice %arg2[%dma_start3A_73, %dma_start3A_74] : memref<10240x128xf32, #tpu.memory_space<hbm>> -> memref<10240x128xf32, #tpu.memory_space<hbm>>
      tpu.enqueue_indirect_dma source(%dma_start3A_75 : memref<10240x128xf32, #tpu.memory_space<hbm>>) target(%arg11 : memref<128x128xf32, #tpu.memory_space<vmem>>) offsets(%dma_start3A_72 : memref<128xi32, #tpu.memory_space<vmem>>) semaphore(%arg13 : memref<!tpu.dma_semaphore, #tpu.memory_space<semaphore_mem>>)
      "tpu.region"() ({
        %run_scoped3A = tpu.sem_alloc : memref<!tpu.dma_semaphore, #tpu.memory_space<semaphore_mem>>
        %dma_start3A_88 = arith.constant 0 : i32
        %dma_start3A_89 = tpu.memref_slice %arg9[%mul3A_58, %dma_start3A_88] : memref<40x128xi32, #tpu.memory_space<vmem>> -> memref<1x128xi32, #tpu.memory_space<vmem>>
        %dma_start3A_90 = tpu.memref_squeeze %dma_start3A_89 : memref<1x128xi32, #tpu.memory_space<vmem>> -> memref<128xi32, #tpu.memory_space<vmem>>
        %dma_start3A_91 = arith.constant 0 : i32
        %dma_start3A_92 = arith.constant 0 : i32
        %dma_start3A_93 = tpu.memref_slice %arg7[%dma_start3A_91, %dma_start3A_92] : memref<10240x128xf32, #tpu.memory_space<vmem_shared>> -> memref<10240x128xf32, #tpu.memory_space<vmem_shared>>
        tpu.enqueue_indirect_dma source(%arg10 : memref<128x128xf32, #tpu.memory_space<vmem>>) target(%dma_start3A_93 : memref<10240x128xf32, #tpu.memory_space<vmem_shared>>) offsets(%dma_start3A_90 : memref<128xi32, #tpu.memory_space<vmem>>) semaphore(%run_scoped3A : memref<!tpu.dma_semaphore, #tpu.memory_space<semaphore_mem>>) {add = true}
        %dma_wait3A_94 = arith.constant 0 : i32
        %dma_wait3A_95 = tpu.memref_slice %arg9[%mul3A_58, %dma_wait3A_94] : memref<40x128xi32, #tpu.memory_space<vmem>> -> memref<1x128xi32, #tpu.memory_space<vmem>>
        %dma_wait3A_96 = tpu.memref_squeeze %dma_wait3A_95 : memref<1x128xi32, #tpu.memory_space<vmem>> -> memref<128xi32, #tpu.memory_space<vmem>>
        %dma_wait3A_97 = arith.constant 0 : i32
        %dma_wait3A_98 = arith.constant 0 : i32
        %dma_wait3A_99 = tpu.memref_slice %arg7[%dma_wait3A_97, %dma_wait3A_98] : memref<10240x128xf32, #tpu.memory_space<vmem_shared>> -> memref<10240x128xf32, #tpu.memory_space<vmem_shared>>
        tpu.wait_indirect_dma semaphore(%run_scoped3A : memref<!tpu.dma_semaphore, #tpu.memory_space<semaphore_mem>>) src(%arg10 : memref<128x128xf32, #tpu.memory_space<vmem>>) dst(%dma_wait3A_99 : memref<10240x128xf32, #tpu.memory_space<vmem_shared>>)
        tpu.yield
      }) : () -> ()
      %dma_wait3A_76 = arith.constant 0 : i32
      %dma_wait3A_77 = tpu.memref_slice %arg8[%add3A_60, %dma_wait3A_76] : memref<40x128xi32, #tpu.memory_space<vmem>> -> memref<1x128xi32, #tpu.memory_space<vmem>>
      %dma_wait3A_78 = tpu.memref_squeeze %dma_wait3A_77 : memref<1x128xi32, #tpu.memory_space<vmem>> -> memref<128xi32, #tpu.memory_space<vmem>>
      %dma_wait3A_79 = arith.constant 0 : i32
      %dma_wait3A_80 = arith.constant 0 : i32
      %dma_wait3A_81 = tpu.memref_slice %arg2[%dma_wait3A_79, %dma_wait3A_80] : memref<10240x128xf32, #tpu.memory_space<hbm>> -> memref<10240x128xf32, #tpu.memory_space<hbm>>
      tpu.wait_indirect_dma semaphore(%arg13 : memref<!tpu.dma_semaphore, #tpu.memory_space<semaphore_mem>>) src(%dma_wait3A_81 : memref<10240x128xf32, #tpu.memory_space<hbm>>) dst(%arg11 : memref<128x128xf32, #tpu.memory_space<vmem>>)
      %dma_start3A_82 = arith.constant 0 : i32
      %dma_start3A_83 = tpu.memref_slice %arg8[%min3A_63, %dma_start3A_82] : memref<40x128xi32, #tpu.memory_space<vmem>> -> memref<1x128xi32, #tpu.memory_space<vmem>>
      %dma_start3A_84 = tpu.memref_squeeze %dma_start3A_83 : memref<1x128xi32, #tpu.memory_space<vmem>> -> memref<128xi32, #tpu.memory_space<vmem>>
      %dma_start3A_85 = arith.constant 0 : i32
      %dma_start3A_86 = arith.constant 0 : i32
      %dma_start3A_87 = tpu.memref_slice %arg2[%dma_start3A_85, %dma_start3A_86] : memref<10240x128xf32, #tpu.memory_space<hbm>> -> memref<10240x128xf32, #tpu.memory_space<hbm>>
      tpu.enqueue_indirect_dma source(%dma_start3A_87 : memref<10240x128xf32, #tpu.memory_space<hbm>>) target(%arg10 : memref<128x128xf32, #tpu.memory_space<vmem>>) offsets(%dma_start3A_84 : memref<128xi32, #tpu.memory_space<vmem>>) semaphore(%arg12 : memref<!tpu.dma_semaphore, #tpu.memory_space<semaphore_mem>>)
      "tpu.region"() ({
        %run_scoped3A = tpu.sem_alloc : memref<!tpu.dma_semaphore, #tpu.memory_space<semaphore_mem>>
        %dma_start3A_88 = arith.constant 0 : i32
        %dma_start3A_89 = tpu.memref_slice %arg9[%add3A_60, %dma_start3A_88] : memref<40x128xi32, #tpu.memory_space<vmem>> -> memref<1x128xi32, #tpu.memory_space<vmem>>
        %dma_start3A_90 = tpu.memref_squeeze %dma_start3A_89 : memref<1x128xi32, #tpu.memory_space<vmem>> -> memref<128xi32, #tpu.memory_space<vmem>>
        %dma_start3A_91 = arith.constant 0 : i32
        %dma_start3A_92 = arith.constant 0 : i32
        %dma_start3A_93 = tpu.memref_slice %arg7[%dma_start3A_91, %dma_start3A_92] : memref<10240x128xf32, #tpu.memory_space<vmem_shared>> -> memref<10240x128xf32, #tpu.memory_space<vmem_shared>>
        tpu.enqueue_indirect_dma source(%arg11 : memref<128x128xf32, #tpu.memory_space<vmem>>) target(%dma_start3A_93 : memref<10240x128xf32, #tpu.memory_space<vmem_shared>>) offsets(%dma_start3A_90 : memref<128xi32, #tpu.memory_space<vmem>>) semaphore(%run_scoped3A : memref<!tpu.dma_semaphore, #tpu.memory_space<semaphore_mem>>) {add = true}
        %dma_wait3A_94 = arith.constant 0 : i32
        %dma_wait3A_95 = tpu.memref_slice %arg9[%add3A_60, %dma_wait3A_94] : memref<40x128xi32, #tpu.memory_space<vmem>> -> memref<1x128xi32, #tpu.memory_space<vmem>>
        %dma_wait3A_96 = tpu.memref_squeeze %dma_wait3A_95 : memref<1x128xi32, #tpu.memory_space<vmem>> -> memref<128xi32, #tpu.memory_space<vmem>>
        %dma_wait3A_97 = arith.constant 0 : i32
        %dma_wait3A_98 = arith.constant 0 : i32
        %dma_wait3A_99 = tpu.memref_slice %arg7[%dma_wait3A_97, %dma_wait3A_98] : memref<10240x128xf32, #tpu.memory_space<vmem_shared>> -> memref<10240x128xf32, #tpu.memory_space<vmem_shared>>
        tpu.wait_indirect_dma semaphore(%run_scoped3A : memref<!tpu.dma_semaphore, #tpu.memory_space<semaphore_mem>>) src(%arg11 : memref<128x128xf32, #tpu.memory_space<vmem>>) dst(%dma_wait3A_99 : memref<10240x128xf32, #tpu.memory_space<vmem_shared>>)
        tpu.yield
      }) : () -> ()
    }
    %scan3A_19 = arith.constant 20 : i32
    %dma_wait3A = arith.constant 0 : i32
    %dma_wait3A_20 = arith.constant 0 : i32
    %dma_wait3A_21 = tpu.memref_slice %arg8[%dma_wait3A, %dma_wait3A_20] : memref<40x128xi32, #tpu.memory_space<vmem>> -> memref<1x128xi32, #tpu.memory_space<vmem>>
    %dma_wait3A_22 = tpu.memref_squeeze %dma_wait3A_21 : memref<1x128xi32, #tpu.memory_space<vmem>> -> memref<128xi32, #tpu.memory_space<vmem>>
    %dma_wait3A_23 = arith.constant 0 : i32
    %dma_wait3A_24 = arith.constant 0 : i32
    %dma_wait3A_25 = tpu.memref_slice %arg2[%dma_wait3A_23, %dma_wait3A_24] : memref<10240x128xf32, #tpu.memory_space<hbm>> -> memref<10240x128xf32, #tpu.memory_space<hbm>>
    tpu.wait_indirect_dma semaphore(%arg12 : memref<!tpu.dma_semaphore, #tpu.memory_space<semaphore_mem>>) src(%dma_wait3A_25 : memref<10240x128xf32, #tpu.memory_space<hbm>>) dst(%arg10 : memref<128x128xf32, #tpu.memory_space<vmem>>)
    %add3A_26 = arith.constant 40 : i32
    %add3A_27 = arith.addi %mul3A_2, %add3A_26 : i32
    "tpu.region"() ({
      %run_scoped3A = tpu.sem_alloc : memref<!tpu.dma_semaphore, #tpu.memory_space<semaphore_mem>>
      %dma_start3A_56 = arith.constant 0 : i32
      %dma_start3A_57 = tpu.memref_slice %arg3[%add3A_27, %dma_start3A_56] : memref<2560x128xi32, #tpu.memory_space<hbm>> -> memref<40x128xi32, #tpu.memory_space<hbm>>
      %dma_start3A_58 = arith.constant 0 : i32
      %dma_start3A_59 = tpu.memref_slice %arg3[%add3A_27, %dma_start3A_58] : memref<2560x128xi32, #tpu.memory_space<hbm>> -> memref<40x128xi32, #tpu.memory_space<hbm>>
      tpu.enqueue_dma source(%dma_start3A_59 : memref<40x128xi32, #tpu.memory_space<hbm>>) target(%arg8 : memref<40x128xi32, #tpu.memory_space<vmem>>) target_semaphore(%run_scoped3A : memref<!tpu.dma_semaphore, #tpu.memory_space<semaphore_mem>>)
      %dma_wait3A_60 = arith.constant 0 : i32
      %dma_wait3A_61 = tpu.memref_slice %arg3[%add3A_27, %dma_wait3A_60] : memref<2560x128xi32, #tpu.memory_space<hbm>> -> memref<40x128xi32, #tpu.memory_space<hbm>>
      %dma_wait3A_62 = arith.constant 0 : i32
      %dma_wait3A_63 = tpu.memref_slice %arg3[%add3A_27, %dma_wait3A_62] : memref<2560x128xi32, #tpu.memory_space<hbm>> -> memref<40x128xi32, #tpu.memory_space<hbm>>
      tpu.wait_dma2 semaphore(%run_scoped3A : memref<!tpu.dma_semaphore, #tpu.memory_space<semaphore_mem>>) src(%dma_wait3A_63 : memref<40x128xi32, #tpu.memory_space<hbm>>) dst(%arg8 : memref<40x128xi32, #tpu.memory_space<vmem>>)
      tpu.yield
    }) : () -> ()
    "tpu.region"() ({
      %run_scoped3A = tpu.sem_alloc : memref<!tpu.dma_semaphore, #tpu.memory_space<semaphore_mem>>
      %dma_start3A_56 = arith.constant 0 : i32
      %dma_start3A_57 = tpu.memref_slice %arg4[%add3A_27, %dma_start3A_56] : memref<2560x128xi32, #tpu.memory_space<hbm>> -> memref<40x128xi32, #tpu.memory_space<hbm>>
      %dma_start3A_58 = arith.constant 0 : i32
      %dma_start3A_59 = tpu.memref_slice %arg4[%add3A_27, %dma_start3A_58] : memref<2560x128xi32, #tpu.memory_space<hbm>> -> memref<40x128xi32, #tpu.memory_space<hbm>>
      tpu.enqueue_dma source(%dma_start3A_59 : memref<40x128xi32, #tpu.memory_space<hbm>>) target(%arg9 : memref<40x128xi32, #tpu.memory_space<vmem>>) target_semaphore(%run_scoped3A : memref<!tpu.dma_semaphore, #tpu.memory_space<semaphore_mem>>)
      %dma_wait3A_60 = arith.constant 0 : i32
      %dma_wait3A_61 = tpu.memref_slice %arg4[%add3A_27, %dma_wait3A_60] : memref<2560x128xi32, #tpu.memory_space<hbm>> -> memref<40x128xi32, #tpu.memory_space<hbm>>
      %dma_wait3A_62 = arith.constant 0 : i32
      %dma_wait3A_63 = tpu.memref_slice %arg4[%add3A_27, %dma_wait3A_62] : memref<2560x128xi32, #tpu.memory_space<hbm>> -> memref<40x128xi32, #tpu.memory_space<hbm>>
      tpu.wait_dma2 semaphore(%run_scoped3A : memref<!tpu.dma_semaphore, #tpu.memory_space<semaphore_mem>>) src(%dma_wait3A_63 : memref<40x128xi32, #tpu.memory_space<hbm>>) dst(%arg9 : memref<40x128xi32, #tpu.memory_space<vmem>>)
      tpu.yield
    }) : () -> ()
    %dma_start3A_28 = arith.constant 0 : i32
    %dma_start3A_29 = arith.constant 0 : i32
    %dma_start3A_30 = tpu.memref_slice %arg8[%dma_start3A_28, %dma_start3A_29] : memref<40x128xi32, #tpu.memory_space<vmem>> -> memref<1x128xi32, #tpu.memory_space<vmem>>
    %dma_start3A_31 = tpu.memref_squeeze %dma_start3A_30 : memref<1x128xi32, #tpu.memory_space<vmem>> -> memref<128xi32, #tpu.memory_space<vmem>>
    %dma_start3A_32 = arith.constant 0 : i32
    %dma_start3A_33 = arith.constant 0 : i32
    %dma_start3A_34 = tpu.memref_slice %arg2[%dma_start3A_32, %dma_start3A_33] : memref<10240x128xf32, #tpu.memory_space<hbm>> -> memref<10240x128xf32, #tpu.memory_space<hbm>>
    tpu.enqueue_indirect_dma source(%dma_start3A_34 : memref<10240x128xf32, #tpu.memory_space<hbm>>) target(%arg10 : memref<128x128xf32, #tpu.memory_space<vmem>>) offsets(%dma_start3A_31 : memref<128xi32, #tpu.memory_space<vmem>>) semaphore(%arg12 : memref<!tpu.dma_semaphore, #tpu.memory_space<semaphore_mem>>)
    %scan3A_35 = arith.constant 0 : i32
    %scan3A_36 = arith.constant 0 : i32
    %scan3A_37 = arith.constant 20 : i32
    %scan3A_38 = arith.addi %scan3A_36, %scan3A_37 : i32
    %scan3A_39 = arith.constant 1 : i32
    scf.for %scan3A_56 = %scan3A_36 to %scan3A_38 step %scan3A_39  : i32 {
      %mul3A_57 = arith.constant 2 : i32
      %mul3A_58 = arith.muli %mul3A_57, %scan3A_56 : i32
      %add3A_59 = arith.constant 1 : i32
      %add3A_60 = arith.addi %mul3A_58, %add3A_59 : i32
      %add3A_61 = arith.constant 1 : i32
      %add3A_62 = arith.addi %add3A_60, %add3A_61 : i32
      %min3A = arith.constant 39 : i32
      %min3A_63 = arith.minsi %add3A_62, %min3A : i32
      %dma_wait3A_64 = arith.constant 0 : i32
      %dma_wait3A_65 = tpu.memref_slice %arg8[%mul3A_58, %dma_wait3A_64] : memref<40x128xi32, #tpu.memory_space<vmem>> -> memref<1x128xi32, #tpu.memory_space<vmem>>
      %dma_wait3A_66 = tpu.memref_squeeze %dma_wait3A_65 : memref<1x128xi32, #tpu.memory_space<vmem>> -> memref<128xi32, #tpu.memory_space<vmem>>
      %dma_wait3A_67 = arith.constant 0 : i32
      %dma_wait3A_68 = arith.constant 0 : i32
      %dma_wait3A_69 = tpu.memref_slice %arg2[%dma_wait3A_67, %dma_wait3A_68] : memref<10240x128xf32, #tpu.memory_space<hbm>> -> memref<10240x128xf32, #tpu.memory_space<hbm>>
      tpu.wait_indirect_dma semaphore(%arg12 : memref<!tpu.dma_semaphore, #tpu.memory_space<semaphore_mem>>) src(%dma_wait3A_69 : memref<10240x128xf32, #tpu.memory_space<hbm>>) dst(%arg10 : memref<128x128xf32, #tpu.memory_space<vmem>>)
      %dma_start3A_70 = arith.constant 0 : i32
      %dma_start3A_71 = tpu.memref_slice %arg8[%add3A_60, %dma_start3A_70] : memref<40x128xi32, #tpu.memory_space<vmem>> -> memref<1x128xi32, #tpu.memory_space<vmem>>
      %dma_start3A_72 = tpu.memref_squeeze %dma_start3A_71 : memref<1x128xi32, #tpu.memory_space<vmem>> -> memref<128xi32, #tpu.memory_space<vmem>>
      %dma_start3A_73 = arith.constant 0 : i32
      %dma_start3A_74 = arith.constant 0 : i32
      %dma_start3A_75 = tpu.memref_slice %arg2[%dma_start3A_73, %dma_start3A_74] : memref<10240x128xf32, #tpu.memory_space<hbm>> -> memref<10240x128xf32, #tpu.memory_space<hbm>>
      tpu.enqueue_indirect_dma source(%dma_start3A_75 : memref<10240x128xf32, #tpu.memory_space<hbm>>) target(%arg11 : memref<128x128xf32, #tpu.memory_space<vmem>>) offsets(%dma_start3A_72 : memref<128xi32, #tpu.memory_space<vmem>>) semaphore(%arg13 : memref<!tpu.dma_semaphore, #tpu.memory_space<semaphore_mem>>)
      "tpu.region"() ({
        %run_scoped3A = tpu.sem_alloc : memref<!tpu.dma_semaphore, #tpu.memory_space<semaphore_mem>>
        %dma_start3A_88 = arith.constant 0 : i32
        %dma_start3A_89 = tpu.memref_slice %arg9[%mul3A_58, %dma_start3A_88] : memref<40x128xi32, #tpu.memory_space<vmem>> -> memref<1x128xi32, #tpu.memory_space<vmem>>
        %dma_start3A_90 = tpu.memref_squeeze %dma_start3A_89 : memref<1x128xi32, #tpu.memory_space<vmem>> -> memref<128xi32, #tpu.memory_space<vmem>>
        %dma_start3A_91 = arith.constant 0 : i32
        %dma_start3A_92 = arith.constant 0 : i32
        %dma_start3A_93 = tpu.memref_slice %arg7[%dma_start3A_91, %dma_start3A_92] : memref<10240x128xf32, #tpu.memory_space<vmem_shared>> -> memref<10240x128xf32, #tpu.memory_space<vmem_shared>>
        tpu.enqueue_indirect_dma source(%arg10 : memref<128x128xf32, #tpu.memory_space<vmem>>) target(%dma_start3A_93 : memref<10240x128xf32, #tpu.memory_space<vmem_shared>>) offsets(%dma_start3A_90 : memref<128xi32, #tpu.memory_space<vmem>>) semaphore(%run_scoped3A : memref<!tpu.dma_semaphore, #tpu.memory_space<semaphore_mem>>) {add = true}
        %dma_wait3A_94 = arith.constant 0 : i32
        %dma_wait3A_95 = tpu.memref_slice %arg9[%mul3A_58, %dma_wait3A_94] : memref<40x128xi32, #tpu.memory_space<vmem>> -> memref<1x128xi32, #tpu.memory_space<vmem>>
        %dma_wait3A_96 = tpu.memref_squeeze %dma_wait3A_95 : memref<1x128xi32, #tpu.memory_space<vmem>> -> memref<128xi32, #tpu.memory_space<vmem>>
        %dma_wait3A_97 = arith.constant 0 : i32
        %dma_wait3A_98 = arith.constant 0 : i32
        %dma_wait3A_99 = tpu.memref_slice %arg7[%dma_wait3A_97, %dma_wait3A_98] : memref<10240x128xf32, #tpu.memory_space<vmem_shared>> -> memref<10240x128xf32, #tpu.memory_space<vmem_shared>>
        tpu.wait_indirect_dma semaphore(%run_scoped3A : memref<!tpu.dma_semaphore, #tpu.memory_space<semaphore_mem>>) src(%arg10 : memref<128x128xf32, #tpu.memory_space<vmem>>) dst(%dma_wait3A_99 : memref<10240x128xf32, #tpu.memory_space<vmem_shared>>)
        tpu.yield
      }) : () -> ()
      %dma_wait3A_76 = arith.constant 0 : i32
      %dma_wait3A_77 = tpu.memref_slice %arg8[%add3A_60, %dma_wait3A_76] : memref<40x128xi32, #tpu.memory_space<vmem>> -> memref<1x128xi32, #tpu.memory_space<vmem>>
      %dma_wait3A_78 = tpu.memref_squeeze %dma_wait3A_77 : memref<1x128xi32, #tpu.memory_space<vmem>> -> memref<128xi32, #tpu.memory_space<vmem>>
      %dma_wait3A_79 = arith.constant 0 : i32
      %dma_wait3A_80 = arith.constant 0 : i32
      %dma_wait3A_81 = tpu.memref_slice %arg2[%dma_wait3A_79, %dma_wait3A_80] : memref<10240x128xf32, #tpu.memory_space<hbm>> -> memref<10240x128xf32, #tpu.memory_space<hbm>>
      tpu.wait_indirect_dma semaphore(%arg13 : memref<!tpu.dma_semaphore, #tpu.memory_space<semaphore_mem>>) src(%dma_wait3A_81 : memref<10240x128xf32, #tpu.memory_space<hbm>>) dst(%arg11 : memref<128x128xf32, #tpu.memory_space<vmem>>)
      %dma_start3A_82 = arith.constant 0 : i32
      %dma_start3A_83 = tpu.memref_slice %arg8[%min3A_63, %dma_start3A_82] : memref<40x128xi32, #tpu.memory_space<vmem>> -> memref<1x128xi32, #tpu.memory_space<vmem>>
      %dma_start3A_84 = tpu.memref_squeeze %dma_start3A_83 : memref<1x128xi32, #tpu.memory_space<vmem>> -> memref<128xi32, #tpu.memory_space<vmem>>
      %dma_start3A_85 = arith.constant 0 : i32
      %dma_start3A_86 = arith.constant 0 : i32
      %dma_start3A_87 = tpu.memref_slice %arg2[%dma_start3A_85, %dma_start3A_86] : memref<10240x128xf32, #tpu.memory_space<hbm>> -> memref<10240x128xf32, #tpu.memory_space<hbm>>
      tpu.enqueue_indirect_dma source(%dma_start3A_87 : memref<10240x128xf32, #tpu.memory_space<hbm>>) target(%arg10 : memref<128x128xf32, #tpu.memory_space<vmem>>) offsets(%dma_start3A_84 : memref<128xi32, #tpu.memory_space<vmem>>) semaphore(%arg12 : memref<!tpu.dma_semaphore, #tpu.memory_space<semaphore_mem>>)
      "tpu.region"() ({
        %run_scoped3A = tpu.sem_alloc : memref<!tpu.dma_semaphore, #tpu.memory_space<semaphore_mem>>
        %dma_start3A_88 = arith.constant 0 : i32
        %dma_start3A_89 = tpu.memref_slice %arg9[%add3A_60, %dma_start3A_88] : memref<40x128xi32, #tpu.memory_space<vmem>> -> memref<1x128xi32, #tpu.memory_space<vmem>>
        %dma_start3A_90 = tpu.memref_squeeze %dma_start3A_89 : memref<1x128xi32, #tpu.memory_space<vmem>> -> memref<128xi32, #tpu.memory_space<vmem>>
        %dma_start3A_91 = arith.constant 0 : i32
        %dma_start3A_92 = arith.constant 0 : i32
        %dma_start3A_93 = tpu.memref_slice %arg7[%dma_start3A_91, %dma_start3A_92] : memref<10240x128xf32, #tpu.memory_space<vmem_shared>> -> memref<10240x128xf32, #tpu.memory_space<vmem_shared>>
        tpu.enqueue_indirect_dma source(%arg11 : memref<128x128xf32, #tpu.memory_space<vmem>>) target(%dma_start3A_93 : memref<10240x128xf32, #tpu.memory_space<vmem_shared>>) offsets(%dma_start3A_90 : memref<128xi32, #tpu.memory_space<vmem>>) semaphore(%run_scoped3A : memref<!tpu.dma_semaphore, #tpu.memory_space<semaphore_mem>>) {add = true}
        %dma_wait3A_94 = arith.constant 0 : i32
        %dma_wait3A_95 = tpu.memref_slice %arg9[%add3A_60, %dma_wait3A_94] : memref<40x128xi32, #tpu.memory_space<vmem>> -> memref<1x128xi32, #tpu.memory_space<vmem>>
        %dma_wait3A_96 = tpu.memref_squeeze %dma_wait3A_95 : memref<1x128xi32, #tpu.memory_space<vmem>> -> memref<128xi32, #tpu.memory_space<vmem>>
        %dma_wait3A_97 = arith.constant 0 : i32
        %dma_wait3A_98 = arith.constant 0 : i32
        %dma_wait3A_99 = tpu.memref_slice %arg7[%dma_wait3A_97, %dma_wait3A_98] : memref<10240x128xf32, #tpu.memory_space<vmem_shared>> -> memref<10240x128xf32, #tpu.memory_space<vmem_shared>>
        tpu.wait_indirect_dma semaphore(%run_scoped3A : memref<!tpu.dma_semaphore, #tpu.memory_space<semaphore_mem>>) src(%arg11 : memref<128x128xf32, #tpu.memory_space<vmem>>) dst(%dma_wait3A_99 : memref<10240x128xf32, #tpu.memory_space<vmem_shared>>)
        tpu.yield
      }) : () -> ()
    }
    %scan3A_40 = arith.constant 20 : i32
    %dma_wait3A_41 = arith.constant 0 : i32
    %dma_wait3A_42 = arith.constant 0 : i32
    %dma_wait3A_43 = tpu.memref_slice %arg8[%dma_wait3A_41, %dma_wait3A_42] : memref<40x128xi32, #tpu.memory_space<vmem>> -> memref<1x128xi32, #tpu.memory_space<vmem>>
    %dma_wait3A_44 = tpu.memref_squeeze %dma_wait3A_43 : memref<1x128xi32, #tpu.memory_space<vmem>> -> memref<128xi32, #tpu.memory_space<vmem>>
    %dma_wait3A_45 = arith.constant 0 : i32
    %dma_wait3A_46 = arith.constant 0 : i32
    %dma_wait3A_47 = tpu.memref_slice %arg2[%dma_wait3A_45, %dma_wait3A_46] : memref<10240x128xf32, #tpu.memory_space<hbm>> -> memref<10240x128xf32, #tpu.memory_space<hbm>>
    tpu.wait_indirect_dma semaphore(%arg12 : memref<!tpu.dma_semaphore, #tpu.memory_space<semaphore_mem>>) src(%dma_wait3A_47 : memref<10240x128xf32, #tpu.memory_space<hbm>>) dst(%arg10 : memref<128x128xf32, #tpu.memory_space<vmem>>)
    %barrier3A_48 = arith.constant 0 : index
    tpu.barrier barrier_id(%barrier3A_48)
    %mul3A_49 = arith.constant 640 : i32
    %mul3A_50 = arith.muli %arg1, %mul3A_49 : i32
    %mul3A_51 = arith.constant 10240 : i32
    %mul3A_52 = arith.muli %arg0, %mul3A_51 : i32
    %mul3A_53 = arith.constant 640 : i32
    %mul3A_54 = arith.muli %arg1, %mul3A_53 : i32
    %add3A_55 = arith.addi %mul3A_52, %mul3A_54 : i32
    "tpu.region"() ({
      %run_scoped3A = tpu.sem_alloc : memref<!tpu.dma_semaphore, #tpu.memory_space<semaphore_mem>>
      %dma_start3A_56 = arith.constant 0 : i32
      %dma_start3A_57 = tpu.memref_slice %arg6[%add3A_55, %dma_start3A_56] : memref<20480x128xf32, #tpu.memory_space<hbm>> -> memref<640x128xf32, #tpu.memory_space<hbm>>
      %dma_start3A_58 = arith.constant 0 : i32
      %dma_start3A_59 = tpu.memref_slice %arg7[%mul3A_50, %dma_start3A_58] : memref<10240x128xf32, #tpu.memory_space<vmem_shared>> -> memref<640x128xf32, #tpu.memory_space<vmem_shared>>
      tpu.enqueue_dma source(%dma_start3A_59 : memref<640x128xf32, #tpu.memory_space<vmem_shared>>) target(%dma_start3A_57 : memref<640x128xf32, #tpu.memory_space<hbm>>) target_semaphore(%run_scoped3A : memref<!tpu.dma_semaphore, #tpu.memory_space<semaphore_mem>>)
      %dma_wait3A_60 = arith.constant 0 : i32
      %dma_wait3A_61 = tpu.memref_slice %arg6[%add3A_55, %dma_wait3A_60] : memref<20480x128xf32, #tpu.memory_space<hbm>> -> memref<640x128xf32, #tpu.memory_space<hbm>>
      %dma_wait3A_62 = arith.constant 0 : i32
      %dma_wait3A_63 = tpu.memref_slice %arg7[%mul3A_50, %dma_wait3A_62] : memref<10240x128xf32, #tpu.memory_space<vmem_shared>> -> memref<640x128xf32, #tpu.memory_space<vmem_shared>>
      tpu.wait_dma2 semaphore(%run_scoped3A : memref<!tpu.dma_semaphore, #tpu.memory_space<semaphore_mem>>) src(%dma_wait3A_63 : memref<640x128xf32, #tpu.memory_space<vmem_shared>>) dst(%dma_wait3A_61 : memref<640x128xf32, #tpu.memory_space<hbm>>)
      tpu.yield
    }) : () -> ()
    return
  }
}

module attributes {stable_mosaic.version = 14 : i64} {
  func.func @_tc_a_body(%arg0: i32, %arg1: memref<2560x128xf32, #tpu.memory_space<vmem>>, %arg2: memref<128x128xf32, #tpu.memory_space<vmem>>, %arg3: memref<2x2560x1xf32, #tpu.memory_space<vmem>>, %arg4: memref<2560x128xf32, #tpu.memory_space<vmem>>, %arg5: memref<2560x1xf32, #tpu.memory_space<vmem>>) attributes {dimension_semantics = [#tpu.dimension_semantics<arbitrary>], iteration_bounds = array<i64: 4>, scalar_prefetch = 0 : i64, scratch_operands = 0 : i64, tpu.core_type = #tpu.core_type<tc>, window_params = [{transform_indices = @transform_0, window_bounds = array<i64: 2560, 128>}, {pipeline_mode = #tpu.pipeline_mode<synchronous>, transform_indices = @transform_1, window_bounds = array<i64: 128, 128>}, {transform_indices = @transform_2, window_bounds = array<i64: 2, 2560, 1>}, {transform_indices = @transform_3, window_bounds = array<i64: 2560, 128>}, {transform_indices = @transform_4, window_bounds = array<i64: 2560, 1>}]} {
    %get3A = arith.constant 0 : index
    %get3A_0 = arith.constant 0 : index
    %get3A_1 = arith.constant 0 : index
    %get3A_2 = vector.load %arg3[%get3A, %get3A_0, %get3A_1] : memref<2x2560x1xf32, #tpu.memory_space<vmem>>, vector<1x2560x1xf32>
    %get3A_3 = vector.shape_cast %get3A_2 : vector<1x2560x1xf32> to vector<2560x1xf32>
    %get3A_4 = arith.constant 1 : index
    %get3A_5 = arith.constant 0 : index
    %get3A_6 = arith.constant 0 : index
    %get3A_7 = vector.load %arg3[%get3A_4, %get3A_5, %get3A_6] : memref<2x2560x1xf32, #tpu.memory_space<vmem>>, vector<1x2560x1xf32>
    %get3A_8 = vector.shape_cast %get3A_7 : vector<1x2560x1xf32> to vector<2560x1xf32>
    %add3A = arith.addf %get3A_3, %get3A_8 : vector<2560x1xf32>
    %add3A_9 = arith.constant 1.000000e+00 : f32
    %add3A_10 = vector.broadcast %add3A_9 : f32 to vector<2560x1xf32>
    %add3A_11 = arith.addf %add3A, %add3A_10 : vector<2560x1xf32>
    %rsqrt3A = math.rsqrt %add3A_11 : vector<2560x1xf32>
    %swap3A = arith.constant 0 : index
    %swap3A_12 = arith.constant 0 : index
    %swap3A_13 = vector.load %arg5[%swap3A, %swap3A_12] : memref<2560x1xf32, #tpu.memory_space<vmem>>, vector<2560x1xf32>
    tpu.vector_store %arg5[%swap3A, %swap3A_12], %rsqrt3A {strides = array<i32>} : memref<2560x1xf32, #tpu.memory_space<vmem>>, vector<2560x1xf32>,
    %get3A_14 = arith.constant 0 : index
    %get3A_15 = arith.constant 0 : index
    %get3A_16 = vector.load %arg1[%get3A_14, %get3A_15] : memref<2560x128xf32, #tpu.memory_space<vmem>>, vector<2560x128xf32>
    %get3A_17 = arith.constant 0 : index
    %get3A_18 = arith.constant 0 : index
    %get3A_19 = vector.load %arg2[%get3A_17, %get3A_18] : memref<128x128xf32, #tpu.memory_space<vmem>>, vector<128x128xf32>
    %convert_element_type3A = arith.truncf %get3A_16 : vector<2560x128xf32> to vector<2560x128xbf16>
    %convert_element_type3A_20 = arith.truncf %get3A_19 : vector<128x128xf32> to vector<128x128xbf16>
    %dot_general3A = arith.constant dense<0.000000e+00> : vector<2560x128xf32>
    %dot_general3A_21 = tpu.matmul %convert_element_type3A, %convert_element_type3A_20, %dot_general3A {dimension_numbers = #tpu.dot_dimension_numbers<[1], [0], [0], [1], [0, 0, 1, 1], [], []>, transpose_lhs_hint = false} : vector<2560x128xbf16>, vector<128x128xbf16>, vector<2560x128xf32> -> vector<2560x128xf32>
    %mul3A = vector.broadcast %rsqrt3A : vector<2560x1xf32> to vector<2560x128xf32>
    %mul3A_22 = arith.mulf %dot_general3A_21, %mul3A : vector<2560x128xf32>
    %swap3A_23 = arith.constant 0 : index
    %swap3A_24 = arith.constant 0 : index
    %swap3A_25 = vector.load %arg4[%swap3A_23, %swap3A_24] : memref<2560x128xf32, #tpu.memory_space<vmem>>, vector<2560x128xf32>
    tpu.vector_store %arg4[%swap3A_23, %swap3A_24], %mul3A_22 {strides = array<i32>} : memref<2560x128xf32, #tpu.memory_space<vmem>>, vector<2560x128xf32>,
    return
  }
  func.func @transform_0(%arg0: i32) -> (i32, i32) {
    %c0_i32 = arith.constant 0 : i32
    %c0_i32_0 = arith.constant 0 : i32
    return %arg0, %c0_i32 : i32, i32
  }
  func.func @transform_1(%arg0: i32) -> (i32, i32) {
    %c0_i32 = arith.constant 0 : i32
    %c0_i32_0 = arith.constant 0 : i32
    %c0_i32_1 = arith.constant 0 : i32
    return %c0_i32, %c0_i32_0 : i32, i32
  }
  func.func @transform_2(%arg0: i32) -> (i32, i32, i32) {
    %c0_i32 = arith.constant 0 : i32
    %c0_i32_0 = arith.constant 0 : i32
    %c0_i32_1 = arith.constant 0 : i32
    return %c0_i32, %arg0, %c0_i32_0 : i32, i32, i32
  }
  func.func @transform_3(%arg0: i32) -> (i32, i32) {
    %c0_i32 = arith.constant 0 : i32
    %c0_i32_0 = arith.constant 0 : i32
    return %arg0, %c0_i32 : i32, i32
  }
  func.func @transform_4(%arg0: i32) -> (i32, i32) {
    %c0_i32 = arith.constant 0 : i32
    %c0_i32_0 = arith.constant 0 : i32
    return %arg0, %c0_i32 : i32, i32
  }
}

module attributes {stable_mosaic.version = 14 : i64} {
  func.func @_tc_b_body(%arg0: i32, %arg1: memref<2x2560x128xf32, #tpu.memory_space<vmem>>, %arg2: memref<2560x128xf32, #tpu.memory_space<vmem>>, %arg3: memref<2560x1xf32, #tpu.memory_space<vmem>>, %arg4: memref<1x128xf32, #tpu.memory_space<vmem>>, %arg5: memref<128x128xf32, #tpu.memory_space<vmem>>, %arg6: memref<2560x128xf32, #tpu.memory_space<vmem>>) attributes {dimension_semantics = [#tpu.dimension_semantics<arbitrary>], iteration_bounds = array<i64: 4>, scalar_prefetch = 0 : i64, scratch_operands = 0 : i64, tpu.core_type = #tpu.core_type<tc>, window_params = [{transform_indices = @transform_0, window_bounds = array<i64: 2, 2560, 128>}, {transform_indices = @transform_1, window_bounds = array<i64: 2560, 128>}, {transform_indices = @transform_2, window_bounds = array<i64: 2560, 1>}, {pipeline_mode = #tpu.pipeline_mode<synchronous>, transform_indices = @transform_3, window_bounds = array<i64: 1, 128>}, {pipeline_mode = #tpu.pipeline_mode<synchronous>, transform_indices = @transform_4, window_bounds = array<i64: 128, 128>}, {transform_indices = @transform_5, window_bounds = array<i64: 2560, 128>}]} {
    %get3A = arith.constant 0 : index
    %get3A_0 = arith.constant 0 : index
    %get3A_1 = arith.constant 0 : index
    %get3A_2 = vector.load %arg1[%get3A, %get3A_0, %get3A_1] : memref<2x2560x128xf32, #tpu.memory_space<vmem>>, vector<1x2560x128xf32>
    %get3A_3 = vector.shape_cast %get3A_2 : vector<1x2560x128xf32> to vector<2560x128xf32>
    %get3A_4 = arith.constant 1 : index
    %get3A_5 = arith.constant 0 : index
    %get3A_6 = arith.constant 0 : index
    %get3A_7 = vector.load %arg1[%get3A_4, %get3A_5, %get3A_6] : memref<2x2560x128xf32, #tpu.memory_space<vmem>>, vector<1x2560x128xf32>
    %get3A_8 = vector.shape_cast %get3A_7 : vector<1x2560x128xf32> to vector<2560x128xf32>
    %add3A = arith.addf %get3A_3, %get3A_8 : vector<2560x128xf32>
    %get3A_9 = arith.constant 0 : index
    %get3A_10 = arith.constant 0 : index
    %get3A_11 = vector.load %arg2[%get3A_9, %get3A_10] : memref<2560x128xf32, #tpu.memory_space<vmem>>, vector<2560x128xf32>
    %add3A_12 = arith.addf %add3A, %get3A_11 : vector<2560x128xf32>
    %get3A_13 = arith.constant 0 : index
    %get3A_14 = arith.constant 0 : index
    %get3A_15 = vector.load %arg3[%get3A_13, %get3A_14] : memref<2560x1xf32, #tpu.memory_space<vmem>>, vector<2560x1xf32>
    %mul3A = vector.broadcast %get3A_15 : vector<2560x1xf32> to vector<2560x128xf32>
    %mul3A_16 = arith.mulf %add3A_12, %mul3A : vector<2560x128xf32>
    %get3A_17 = arith.constant 0 : index
    %get3A_18 = arith.constant 0 : index
    %get3A_19 = vector.load %arg4[%get3A_17, %get3A_18] : memref<1x128xf32, #tpu.memory_space<vmem>>, vector<1x128xf32>
    %add3A_20 = vector.broadcast %get3A_19 : vector<1x128xf32> to vector<2560x128xf32>
    %add3A_21 = arith.addf %mul3A_16, %add3A_20 : vector<2560x128xf32>
    %max3A = arith.constant 0.000000e+00 : f32
    %max3A_22 = vector.broadcast %max3A : f32 to vector<2560x128xf32>
    %max3A_23 = arith.maximumf %add3A_21, %max3A_22 : vector<2560x128xf32>
    %get3A_24 = arith.constant 0 : index
    %get3A_25 = arith.constant 0 : index
    %get3A_26 = vector.load %arg5[%get3A_24, %get3A_25] : memref<128x128xf32, #tpu.memory_space<vmem>>, vector<128x128xf32>
    %convert_element_type3A = arith.truncf %max3A_23 : vector<2560x128xf32> to vector<2560x128xbf16>
    %convert_element_type3A_27 = arith.truncf %get3A_26 : vector<128x128xf32> to vector<128x128xbf16>
    %dot_general3A = arith.constant dense<0.000000e+00> : vector<2560x128xf32>
    %dot_general3A_28 = tpu.matmul %convert_element_type3A, %convert_element_type3A_27, %dot_general3A {dimension_numbers = #tpu.dot_dimension_numbers<[1], [0], [0], [1], [0, 0, 1, 1], [], []>, transpose_lhs_hint = false} : vector<2560x128xbf16>, vector<128x128xbf16>, vector<2560x128xf32> -> vector<2560x128xf32>
    %get3A_29 = arith.constant 0 : index
    %get3A_30 = arith.constant 0 : index
    %get3A_31 = vector.load %arg3[%get3A_29, %get3A_30] : memref<2560x1xf32, #tpu.memory_space<vmem>>, vector<2560x1xf32>
    %mul3A_32 = vector.broadcast %get3A_31 : vector<2560x1xf32> to vector<2560x128xf32>
    %mul3A_33 = arith.mulf %dot_general3A_28, %mul3A_32 : vector<2560x128xf32>
    %swap3A = arith.constant 0 : index
    %swap3A_34 = arith.constant 0 : index
    %swap3A_35 = vector.load %arg6[%swap3A, %swap3A_34] : memref<2560x128xf32, #tpu.memory_space<vmem>>, vector<2560x128xf32>
    tpu.vector_store %arg6[%swap3A, %swap3A_34], %mul3A_33 {strides = array<i32>} : memref<2560x128xf32, #tpu.memory_space<vmem>>, vector<2560x128xf32>,
    return
  }
  func.func @transform_0(%arg0: i32) -> (i32, i32, i32) {
    %c0_i32 = arith.constant 0 : i32
    %c0_i32_0 = arith.constant 0 : i32
    %c0_i32_1 = arith.constant 0 : i32
    return %c0_i32, %arg0, %c0_i32_0 : i32, i32, i32
  }
  func.func @transform_1(%arg0: i32) -> (i32, i32) {
    %c0_i32 = arith.constant 0 : i32
    %c0_i32_0 = arith.constant 0 : i32
    return %arg0, %c0_i32 : i32, i32
  }
  func.func @transform_2(%arg0: i32) -> (i32, i32) {
    %c0_i32 = arith.constant 0 : i32
    %c0_i32_0 = arith.constant 0 : i32
    return %arg0, %c0_i32 : i32, i32
  }
  func.func @transform_3(%arg0: i32) -> (i32, i32) {
    %c0_i32 = arith.constant 0 : i32
    %c0_i32_0 = arith.constant 0 : i32
    %c0_i32_1 = arith.constant 0 : i32
    return %c0_i32, %c0_i32_0 : i32, i32
  }
  func.func @transform_4(%arg0: i32) -> (i32, i32) {
    %c0_i32 = arith.constant 0 : i32
    %c0_i32_0 = arith.constant 0 : i32
    %c0_i32_1 = arith.constant 0 : i32
    return %c0_i32, %c0_i32_0 : i32, i32
  }
  func.func @transform_5(%arg0: i32) -> (i32, i32) {
    %c0_i32 = arith.constant 0 : i32
    %c0_i32_0 = arith.constant 0 : i32
    return %arg0, %c0_i32 : i32, i32
  }
}

module attributes {stable_mosaic.version = 14 : i64} {
  func.func @_tc_c_body(%arg0: i32, %arg1: memref<2x2560x128xf32, #tpu.memory_space<vmem>>, %arg2: memref<2560x128xf32, #tpu.memory_space<vmem>>, %arg3: memref<2560x1xf32, #tpu.memory_space<vmem>>, %arg4: memref<1x128xf32, #tpu.memory_space<vmem>>, %arg5: memref<2560x128xf32, #tpu.memory_space<vmem>>) attributes {dimension_semantics = [#tpu.dimension_semantics<arbitrary>], iteration_bounds = array<i64: 4>, scalar_prefetch = 0 : i64, scratch_operands = 0 : i64, tpu.core_type = #tpu.core_type<tc>, window_params = [{transform_indices = @transform_0, window_bounds = array<i64: 2, 2560, 128>}, {transform_indices = @transform_1, window_bounds = array<i64: 2560, 128>}, {transform_indices = @transform_2, window_bounds = array<i64: 2560, 1>}, {pipeline_mode = #tpu.pipeline_mode<synchronous>, transform_indices = @transform_3, window_bounds = array<i64: 1, 128>}, {transform_indices = @transform_4, window_bounds = array<i64: 2560, 128>}]} {
    %get3A = arith.constant 0 : index
    %get3A_0 = arith.constant 0 : index
    %get3A_1 = arith.constant 0 : index
    %get3A_2 = vector.load %arg1[%get3A, %get3A_0, %get3A_1] : memref<2x2560x128xf32, #tpu.memory_space<vmem>>, vector<1x2560x128xf32>
    %get3A_3 = vector.shape_cast %get3A_2 : vector<1x2560x128xf32> to vector<2560x128xf32>
    %get3A_4 = arith.constant 1 : index
    %get3A_5 = arith.constant 0 : index
    %get3A_6 = arith.constant 0 : index
    %get3A_7 = vector.load %arg1[%get3A_4, %get3A_5, %get3A_6] : memref<2x2560x128xf32, #tpu.memory_space<vmem>>, vector<1x2560x128xf32>
    %get3A_8 = vector.shape_cast %get3A_7 : vector<1x2560x128xf32> to vector<2560x128xf32>
    %add3A = arith.addf %get3A_3, %get3A_8 : vector<2560x128xf32>
    %get3A_9 = arith.constant 0 : index
    %get3A_10 = arith.constant 0 : index
    %get3A_11 = vector.load %arg2[%get3A_9, %get3A_10] : memref<2560x128xf32, #tpu.memory_space<vmem>>, vector<2560x128xf32>
    %add3A_12 = arith.addf %add3A, %get3A_11 : vector<2560x128xf32>
    %get3A_13 = arith.constant 0 : index
    %get3A_14 = arith.constant 0 : index
    %get3A_15 = vector.load %arg3[%get3A_13, %get3A_14] : memref<2560x1xf32, #tpu.memory_space<vmem>>, vector<2560x1xf32>
    %mul3A = vector.broadcast %get3A_15 : vector<2560x1xf32> to vector<2560x128xf32>
    %mul3A_16 = arith.mulf %add3A_12, %mul3A : vector<2560x128xf32>
    %get3A_17 = arith.constant 0 : index
    %get3A_18 = arith.constant 0 : index
    %get3A_19 = vector.load %arg4[%get3A_17, %get3A_18] : memref<1x128xf32, #tpu.memory_space<vmem>>, vector<1x128xf32>
    %add3A_20 = vector.broadcast %get3A_19 : vector<1x128xf32> to vector<2560x128xf32>
    %add3A_21 = arith.addf %mul3A_16, %add3A_20 : vector<2560x128xf32>
    %swap3A = arith.constant 0 : index
    %swap3A_22 = arith.constant 0 : index
    %swap3A_23 = vector.load %arg5[%swap3A, %swap3A_22] : memref<2560x128xf32, #tpu.memory_space<vmem>>, vector<2560x128xf32>
    tpu.vector_store %arg5[%swap3A, %swap3A_22], %add3A_21 {strides = array<i32>} : memref<2560x128xf32, #tpu.memory_space<vmem>>, vector<2560x128xf32>,
    return
  }
  func.func @transform_0(%arg0: i32) -> (i32, i32, i32) {
    %c0_i32 = arith.constant 0 : i32
    %c0_i32_0 = arith.constant 0 : i32
    %c0_i32_1 = arith.constant 0 : i32
    return %c0_i32, %arg0, %c0_i32_0 : i32, i32, i32
  }
  func.func @transform_1(%arg0: i32) -> (i32, i32) {
    %c0_i32 = arith.constant 0 : i32
    %c0_i32_0 = arith.constant 0 : i32
    return %arg0, %c0_i32 : i32, i32
  }
  func.func @transform_2(%arg0: i32) -> (i32, i32) {
    %c0_i32 = arith.constant 0 : i32
    %c0_i32_0 = arith.constant 0 : i32
    return %arg0, %c0_i32 : i32, i32
  }
  func.func @transform_3(%arg0: i32) -> (i32, i32) {
    %c0_i32 = arith.constant 0 : i32
    %c0_i32_0 = arith.constant 0 : i32
    %c0_i32_1 = arith.constant 0 : i32
    return %c0_i32, %c0_i32_0 : i32, i32
  }
  func.func @transform_4(%arg0: i32) -> (i32, i32) {
    %c0_i32 = arith.constant 0 : i32
    %c0_i32_0 = arith.constant 0 : i32
    return %arg0, %c0_i32 : i32, i32
  }
}

module attributes {stable_mosaic.version = 14 : i64} {
  func.func @_tc_e_body(%arg0: i32, %arg1: memref<8192x128xf32, #tpu.memory_space<vmem>>, %arg2: memref<128x128xf32, #tpu.memory_space<vmem>>, %arg3: memref<1x128xf32, #tpu.memory_space<vmem>>, %arg4: memref<128x1xf32, #tpu.memory_space<vmem>>, %arg5: memref<1x1xf32, #tpu.memory_space<vmem>>, %arg6: memref<8192x1xf32, #tpu.memory_space<vmem>>) attributes {dimension_semantics = [#tpu.dimension_semantics<arbitrary>], iteration_bounds = array<i64: 40>, scalar_prefetch = 0 : i64, scratch_operands = 0 : i64, tpu.core_type = #tpu.core_type<tc>, window_params = [{transform_indices = @transform_0, window_bounds = array<i64: 8192, 128>}, {pipeline_mode = #tpu.pipeline_mode<synchronous>, transform_indices = @transform_1, window_bounds = array<i64: 128, 128>}, {pipeline_mode = #tpu.pipeline_mode<synchronous>, transform_indices = @transform_2, window_bounds = array<i64: 1, 128>}, {pipeline_mode = #tpu.pipeline_mode<synchronous>, transform_indices = @transform_3, window_bounds = array<i64: 128, 1>}, {pipeline_mode = #tpu.pipeline_mode<synchronous>, transform_indices = @transform_4, window_bounds = array<i64: 1, 1>}, {transform_indices = @transform_5, window_bounds = array<i64: 8192, 1>}]} {
    %get3A = arith.constant 0 : index
    %get3A_0 = arith.constant 0 : index
    %get3A_1 = vector.load %arg1[%get3A, %get3A_0] : memref<8192x128xf32, #tpu.memory_space<vmem>>, vector<8192x128xf32>
    %get3A_2 = arith.constant 0 : index
    %get3A_3 = arith.constant 0 : index
    %get3A_4 = vector.load %arg2[%get3A_2, %get3A_3] : memref<128x128xf32, #tpu.memory_space<vmem>>, vector<128x128xf32>
    %convert_element_type3A = arith.truncf %get3A_1 : vector<8192x128xf32> to vector<8192x128xbf16>
    %convert_element_type3A_5 = arith.truncf %get3A_4 : vector<128x128xf32> to vector<128x128xbf16>
    %dot_general3A = arith.constant dense<0.000000e+00> : vector<8192x128xf32>
    %dot_general3A_6 = tpu.matmul %convert_element_type3A, %convert_element_type3A_5, %dot_general3A {dimension_numbers = #tpu.dot_dimension_numbers<[1], [0], [0], [1], [0, 0, 1, 1], [], []>, transpose_lhs_hint = false} : vector<8192x128xbf16>, vector<128x128xbf16>, vector<8192x128xf32> -> vector<8192x128xf32>
    %get3A_7 = arith.constant 0 : index
    %get3A_8 = arith.constant 0 : index
    %get3A_9 = vector.load %arg3[%get3A_7, %get3A_8] : memref<1x128xf32, #tpu.memory_space<vmem>>, vector<1x128xf32>
    %add3A = vector.broadcast %get3A_9 : vector<1x128xf32> to vector<8192x128xf32>
    %add3A_10 = arith.addf %dot_general3A_6, %add3A : vector<8192x128xf32>
    %max3A = arith.constant 0.000000e+00 : f32
    %max3A_11 = vector.broadcast %max3A : f32 to vector<8192x128xf32>
    %max3A_12 = arith.maximumf %add3A_10, %max3A_11 : vector<8192x128xf32>
    %get3A_13 = arith.constant 0 : index
    %get3A_14 = arith.constant 0 : index
    %get3A_15 = vector.load %arg4[%get3A_13, %get3A_14] : memref<128x1xf32, #tpu.memory_space<vmem>>, vector<128x1xf32>
    %convert_element_type3A_16 = arith.truncf %max3A_12 : vector<8192x128xf32> to vector<8192x128xbf16>
    %convert_element_type3A_17 = arith.truncf %get3A_15 : vector<128x1xf32> to vector<128x1xbf16>
    %dot_general3A_18 = arith.constant dense<0.000000e+00> : vector<8192x1xf32>
    %dot_general3A_19 = tpu.matmul %convert_element_type3A_16, %convert_element_type3A_17, %dot_general3A_18 {dimension_numbers = #tpu.dot_dimension_numbers<[1], [0], [0], [1], [0, 0, 1, 1], [], []>, transpose_lhs_hint = false} : vector<8192x128xbf16>, vector<128x1xbf16>, vector<8192x1xf32> -> vector<8192x1xf32>
    %get3A_20 = arith.constant 0 : index
    %get3A_21 = arith.constant 0 : index
    %get3A_22 = vector.load %arg5[%get3A_20, %get3A_21] : memref<1x1xf32, #tpu.memory_space<vmem>>, vector<1x1xf32>
    %add3A_23 = vector.broadcast %get3A_22 : vector<1x1xf32> to vector<8192x1xf32>
    %add3A_24 = arith.addf %dot_general3A_19, %add3A_23 : vector<8192x1xf32>
    %swap3A = arith.constant 0 : index
    %swap3A_25 = arith.constant 0 : index
    %swap3A_26 = vector.load %arg6[%swap3A, %swap3A_25] : memref<8192x1xf32, #tpu.memory_space<vmem>>, vector<8192x1xf32>
    tpu.vector_store %arg6[%swap3A, %swap3A_25], %add3A_24 {strides = array<i32>} : memref<8192x1xf32, #tpu.memory_space<vmem>>, vector<8192x1xf32>,
    return
  }
  func.func @transform_0(%arg0: i32) -> (i32, i32) {
    %c0_i32 = arith.constant 0 : i32
    %c0_i32_0 = arith.constant 0 : i32
    return %arg0, %c0_i32 : i32, i32
  }
  func.func @transform_1(%arg0: i32) -> (i32, i32) {
    %c0_i32 = arith.constant 0 : i32
    %c0_i32_0 = arith.constant 0 : i32
    %c0_i32_1 = arith.constant 0 : i32
    return %c0_i32, %c0_i32_0 : i32, i32
  }
  func.func @transform_2(%arg0: i32) -> (i32, i32) {
    %c0_i32 = arith.constant 0 : i32
    %c0_i32_0 = arith.constant 0 : i32
    %c0_i32_1 = arith.constant 0 : i32
    return %c0_i32, %c0_i32_0 : i32, i32
  }
  func.func @transform_3(%arg0: i32) -> (i32, i32) {
    %c0_i32 = arith.constant 0 : i32
    %c0_i32_0 = arith.constant 0 : i32
    %c0_i32_1 = arith.constant 0 : i32
    return %c0_i32, %c0_i32_0 : i32, i32
  }
  func.func @transform_4(%arg0: i32) -> (i32, i32) {
    %c0_i32 = arith.constant 0 : i32
    %c0_i32_0 = arith.constant 0 : i32
    %c0_i32_1 = arith.constant 0 : i32
    return %c0_i32, %c0_i32_0 : i32, i32
  }
  func.func @transform_5(%arg0: i32) -> (i32, i32) {
    %c0_i32 = arith.constant 0 : i32
    %c0_i32_0 = arith.constant 0 : i32
    return %arg0, %c0_i32 : i32, i32
  }
}

</mosaic_0001>

<sc_bundles>
// kernel: kernel.10.cloned.1.call-start
scs
__scs_entry_jumppad:
0x0: {  	(pc) =	sbr.rel $0x88, $3  }
0x1: {  	(tag) =	ssettag $0x0;
	lr =	simm.s32 $0x1  }
0x2: {  	[smem:$0x3F97] =	sst lr;
	_ =	strace $0xD0000000  }
0x3: {  	_ = 	snop  }
0x4: {  	_ = 	snop  }
0x5: {  	_ = 	snop  }
0x6: {  	_ = 	snop  }
0x7: {  	_ = 	snop  }
__scs_overlays_trampoline_lowered:
0x8: {  	[smem:$0x3FA6] =	sst s0  }
0x9: {  	[smem:$0x3FA7] =	sst s1  }
0xa: {  	[smem:$0x3FA8] =	sst s2  }
0xb: {  	[smem:$0x3FA9] =	sst s3  }
0xc: {  	[smem:$0x3FAA] =	sst s4  }
0xd: {  	[smem:$0x3FAB] =	sst s5  }
0xe: {  	[smem:$0x3FAC] =	sst s6  }
0xf: {  	[smem:$0x3FAD] =	sst s7  }
0x10: {  	[smem:$0x3FAE] =	sst s8  }
0x11: {  	[smem:$0x3FAF] =	sst s9;
	s0 =	simm.s32 @!p0 $0x0  }
0x12: {  	s1 =	sld [smem:$0x3F95];
	s0 =	simm.s32 @p0 $0x1  }
0x13: {  	[smem:$0x3FB0] =	sst s0;
	s0 =	simm.s32 @!p1 $0x0  }
0x14: {  	s2 =	sld [smem:$0x3F94];
	s0 =	simm.s32 @p1 $0x1  }
0x15: {  	[smem:$0x3FB1] =	sst s0;
	s0 =	simm.s32 @!p2 $0x0  }
0x16: {  	s3 =	sld [smem:$0x3FDB];
	s0 =	simm.s32 @p2 $0x1  }
0x17: {  	s4 =	simm.s32 $0x1BF5;
	[smem:$0x3FB3] =	sst s0  }
0x18: {  	s0 =	sld [smem:$0x3F96];
	_ =	swait.ge [sflag:s4], $0x0  }
0x19: {  	s7 =	sld [smem:$0x3F97]  }
0x1a: {  	s8 =	sadd.s32 $0xFFFFE003, lr  }
0x1b: {  	s9 =	sadd.s32 $0xFFFFFEF7, lr;
	s5 =	simm.s32 $0xFFFFFFFF;
	p2 =	slt.u32 s8, $0xFFFFF086  }
0x1c: {  	p1 =	slt.u32 s9, $0xF7A;
	s5 =	simm.s32 @!p2 $0x0  }
0x1d: {  	s5 =	simm.s32 @p1 $0x1;
	p0 =	seq.s32 s7, s2  }
0x1e: {  	s7 =	smul.u32 @!p0 $0xF7A, s2;
	p2 =	seq.s32 @!p0 s5, $0x0  }
0x1f: {  	s9 =	smul.u32 $0xF7A, s1;
	s8 =	simm.s32 @!p0 $0x1BF5;
	p2 =	por !p2, p0  }
0x20: {  	[sflag:s8] =	ssyncset.s32 @!p0 $0xFFFFF086;
	s6 =	sadd.s32 @!p0 s3, s7;
	s7 =	simm.s32 @!p0 $0x108  }
0x21: {  	s3 =	sadd.s32 s3, s9;
	s6 =	sadd.s32 @!p0 $0x88, s6;
	s7 =	simm.s32 @p2 $0x1082  }
0x22: {  	[simem:s7], [sflag:s8] =	dma.local @!p0 [hbm:s6], $0xF7A  }
0x23: {  	s9 =	sor.u32 $0xD0000000, s2;
	s6 =	simm.s32 $0x108;
	_ =	swait.ge @!p0 [sflag:s8], $0x0  }
0x24: {  	s3 =	sadd.s32 $0x88, s3;
	s6 =	simm.s32 @!p1 $0x1082;
	[sflag:s4] =	ssyncset.s32 $0xFFFFF086  }
0x25: {  	[simem:s6], [sflag:s4] =	dma.local [hbm:s3], $0xF7A  }
0x26: {  	[smem:$0x3F97] =	sst s1;
	(tag) =	ssettag s2;
	_ =	strace s9  }
0x27: {  	s1 =	sld [smem:$0x3FA7]  }
0x28: {  	s2 =	sld [smem:$0x3FA8]  }
0x29: {  	s4 =	sld [smem:$0x3FAA]  }
0x2a: {  	p0 =	seq.s32 s5, $0x0;
	s5 =	sld [smem:$0x3FAB]  }
0x2b: {  	s6 =	sld [smem:$0x3FAC]  }
0x2c: {  	s7 =	sld [smem:$0x3FAD]  }
0x2d: {  	s3 =	simm.s32 $0x108;
	s8 =	sld [smem:$0x3FAE]  }
0x2e: {  	s3 =	simm.s32 @!p0 $0x1082;
	s9 =	sld [smem:$0x3FAF]  }
0x2f: {  	lr =	sadd.s32 s0, s3;
	s0 =	sld [smem:$0x3FA6]  }
0x30: {  	s3 =	sld [smem:$0x3FA9]  }
0x31: {  	[smem:$0x3FB2] =	sst s10  }
0x32: {  	s10 =	sld [smem:$0x3FB0];
	_ =	sdelay $0x3  }
0x33: {  	p0 =	seq.s32 s10, $0x1;
	s10 =	sld [smem:$0x3FB2];
	_ =	sdelay $0x3  }
0x34: {  	[smem:$0x3FB2] =	sst s10  }
0x35: {  	s10 =	sld [smem:$0x3FB1];
	_ =	sdelay $0x3  }
0x36: {  	p1 =	seq.s32 s10, $0x1;
	s10 =	sld [smem:$0x3FB2];
	_ =	sdelay $0x3  }
0x37: {  	[smem:$0x3FB2] =	sst s10  }
0x38: {  	s10 =	sld [smem:$0x3FB3]  }
0x39: {  	_ = 	snop;
	(pc) =	sbr.ind lr, $3  }
0x3a: {  	_ = 	snop  }
0x3b: {  	_ = 	snop  }
0x3c: {  	p2 =	seq.s32 s10, $0x1;
	s10 =	sld [smem:$0x3FB2]  }
0x3d: {  	_ =	shalt  }
0x3e: {  	_ =	shalt  }
0x3f: {  	_ =	shalt  }
0x40: {  	_ =	shalt  }
0x41: {  	_ =	shalt  }
0x42: {  	_ =	shalt  }
0x43: {  	_ =	shalt  }
0x44: {  	_ =	shalt  }
0x45: {  	_ =	shalt  }
0x46: {  	_ =	shalt  }
0x47: {  	_ =	shalt  }
0x48: {  	_ =	shalt  }
0x49: {  	_ =	shalt  }
0x4a: {  	_ =	shalt  }
0x4b: {  	_ =	shalt  }
0x4c: {  	_ =	shalt  }
0x4d: {  	_ =	shalt  }
0x4e: {  	_ =	shalt  }
0x4f: {  	_ =	shalt  }
0x50: {  	_ =	shalt  }
0x51: {  	_ =	shalt  }
0x52: {  	_ =	shalt  }
0x53: {  	_ =	shalt  }
0x54: {  	_ =	shalt  }
0x55: {  	_ =	shalt  }
0x56: {  	_ =	shalt  }
0x57: {  	_ =	shalt  }
0x58: {  	_ =	shalt  }
0x59: {  	_ =	shalt  }
0x5a: {  	_ =	shalt  }
0x5b: {  	_ =	shalt  }
0x5c: {  	_ =	shalt  }
0x5d: {  	_ =	shalt  }
0x5e: {  	_ =	shalt  }
0x5f: {  	_ =	shalt  }
0x60: {  	_ =	shalt  }
0x61: {  	_ =	shalt  }
0x62: {  	_ =	shalt  }
0x63: {  	_ =	shalt  }
0x64: {  	_ =	shalt  }
0x65: {  	_ =	shalt  }
0x66: {  	_ =	shalt  }
0x67: {  	_ =	shalt  }
0x68: {  	_ =	shalt  }
0x69: {  	_ =	shalt  }
0x6a: {  	_ =	shalt  }
0x6b: {  	_ =	shalt  }
0x6c: {  	_ =	shalt  }
0x6d: {  	_ =	shalt  }
0x6e: {  	_ =	shalt  }
0x6f: {  	_ =	shalt  }
0x70: {  	_ =	shalt  }
0x71: {  	_ =	shalt  }
0x72: {  	_ =	shalt  }
0x73: {  	_ =	shalt  }
0x74: {  	_ =	shalt  }
0x75: {  	_ =	shalt  }
0x76: {  	_ =	shalt  }
0x77: {  	_ =	shalt  }
0x78: {  	_ =	shalt  }
0x79: {  	_ =	shalt  }
0x7a: {  	_ =	shalt  }
0x7b: {  	_ =	shalt  }
0x7c: {  	_ =	shalt  }
0x7d: {  	_ =	shalt  }
0x7e: {  	_ =	shalt  }
0x7f: {  	_ =	shalt  }
0x80: {  	_ =	shalt  }
0x81: {  	_ =	shalt  }
0x82: {  	_ =	shalt  }
0x83: {  	_ =	shalt  }
0x84: {  	_ =	shalt  }
0x85: {  	_ =	shalt  }
0x86: {  	_ =	shalt  }
0x87: {  	_ =	shalt  }
.Lfunc_end0:
.L_simem_size_0:
called_computation_lowered:
.L_overlay_start_0:
0x88: {  	s2 =	sld [smem:$0x3FD9]  }
0x89: {  	s3 =	sld [smem:$0x3FFE];
	_ =	sdelay $0x1  }
0x8a: {  	s1 =	srdreg.scid  }
0x8b: {  	s0 =	sand.u32 $0x1, s1  }
0x8c: {  	s17 =	sshll.u32 s0, $0xA;
	s2 =	sadd.s32 s3, s2  }
0x8d: {  	s2 =	sadd.s32 s2, s17  }
0x8e: {  	[smem:$0x3FBE] =	sst s2  }
0x8f: {  	_ = 	snop  }
0x90: {  	s2 =	sld [smem:$0x3FD0];
	(tm) =	ssettm $0x1  }
0x91: {  	s18 =	sld [smem:$0x3FFB];
	_ =	sdelay $0x3  }
0x92: {  	_ =	strace s18  }
0x93: {  	s3 =	sld [smem:$0x3FFC];
	_ =	sdelay $0x3  }
0x94: {  	_ =	strace s3  }
0x95: {  	s3 =	sld [smem:$0x3FFD];
	_ =	sdelay $0x3  }
0x96: {  	_ =	strace s3  }
0x97: {  	_ =	strace $0x8FFFFFFF  }
0x98: {  	s19 =	sld [smem:$0x3FDB];
	_ =	sdelay $0x1  }
0x99: {  	s4 =	simm.s32 $_scs_section_size  }
0x9a: {  	s5 =	simm.s32 $_size__tile_overlayer_lowered;
	s6 =	simm.s32 $_tile_overlayer_lowered  }
0x9b: {  	s22 =	simm.s32 $0x1BFF;
	s21 =	sshll.u32 s6, $0x1;
	s3 =	sadd.s32 s4, s19  }
0x9c: {  	s7 =	simm.s32 $0x0;
	s20 =	sshll.u32 s5, $0x1;
	s5 =	sadd.s32 s21, s3  }
0x9d: {  	[timem:s7], [sflag:s22] =	dma.local [hbm:s5], s20  }
0x9e: {  	_ =	swait.ge [sflag:s22], s20  }
0x9f: {  	s4 =	ssub.s32 $0x0, s20;
	[sflag:s22] =	ssyncset.done $0x0  }
0xa0: {  	[sflag:s22] =	ssyncadd.s32 s4;
	_ =	sdelay $0x1  }
0xa1: {  	s23 =	simm.s32 $0x1B8B  }
0xa2: {  	_ =	swait.ge [sflag:s23], $0x1  }
0xa3: {  	[sflag:s23] =	ssyncset.done $0x0  }
0xa4: {  	s25 =	simm.s32 $0x1B8E;
	s24 =	sld [smem:$0x3FFE];
	[sflag:s23] =	ssyncadd.s32 $0xFFFFFFFF  }
0xa5: {  	s26 =	simm.s32 $execute0_lowered;
	[smem:$0x3FD2] =	sst s25  }
0xa6: {  	s5 =	sshll.u32 s26, $0x1;
	_ =	strace $0x80000046;
	[dreg:$0x1] =	wrdreg $0xFFFFFFFF  }
0xa7: {  	s28 =	simm.s32 $_size_execute0_lowered;
	s3 =	sadd.s32 s3, s5;
	[dreg:$0x0] =	wrdreg $0x0  }
0xa8: {  	s5 =	sshll.u32 s28, $0x1;
	[dreg:$0x2] =	wrdreg s3  }
0xa9: {  	[dreg:$0x3] =	wrdreg s5  }
0xaa: {  	[dreg:$0x4] =	wrdreg $0xC0  }
0xab: {  	_ =	task [dreg:s7], $0x5FFFF  }
0xac: {  	[dreg:$0x1] =	wrdreg $0xFFFFFFFF  }
0xad: {  	[dreg:$0x0] =	wrdreg $0x60  }
0xae: {  	[dreg:$0x2] =	wrdreg s24  }
0xaf: {  	[dreg:$0x3] =	wrdreg s2  }
0xb0: {  	[dreg:$0x4] =	wrdreg $0x0  }
0xb1: {  	[dreg:$0x5] =	wrdreg $0x9  }
0xb2: {  	_ =	task.clear_ibuf [dreg:s7], $0x6FFFF;
	_ =	strace $0x90000046  }
0xb3: {  	s29 =	simm.s32 $0x9;
	_ =	strace $0x80000048  }
0xb4: {  	_ =	swait.ge [sflag:s29], $0x1  }
0xb5: {  	[sflag:s29] =	ssyncadd.s32 $0xFFFFFFFF  }
0xb6: {  	_ =	strace $0x90000048  }
0xb7: {  	_ =	sfence  }
0xb8: {  	s30 =	sld [smem:$0x0];
	_ =	sdelay $0x2  }
0xb9: {  	s31 =	sshll.u32 s1, $0xD;
	s1 =	sshrl.u32 s1, $0x2  }
0xba: {  	s3 =	sand.u32 $0x4000, s31;
	s1 =	sadd.s32 s1, s30  }
0xbb: {  	s0 =	sor.u32 s3, s0;
	s1 =	sshll.u32 s1, $0x11  }
0xbc: {  	s0 =	sor.u32 s1, s0  }
0xbd: {  	s0 =	sadd.s32 $0x8F2B, s0  }
0xbe: {  	[sflag:s0] =	ssyncadd.remote.s32 $0x1  }
0xbf: {  	_ =	sfence.sel $0xFFFF  }
0xc0: {  	[dreg:$0x0] =	wrdreg $0xFFFFFFFF;
	(pc) =	sbr.abs _section_cstart, $3  }
0xc1: {  	[dreg:$0x1] =	wrdreg $0xFFFFFFFF  }
0xc2: {  	_ =	task.clear_ibuf [dreg:s7], $0x2FFFF;
	_ =	strace $0x9FFFFFFF  }
0xc3: {  	(tm) =	ssettm $0x7FFFFFFF  }
tec
execute0_lowered:
.L_overlay_start_1:
0x0: {  	(tag) =	ssettag $0x1  }
0x1: {  	s4 =	rddreg [dreg:$0x0]  }
0x2: {  	s7 =	rddreg [dreg:$0x1]  }
0x3: {  	s1 =	rddreg [dreg:$0x2]  }
0x4: {  	s2 =	srdreg.scid;
	s0 =	rddreg [dreg:$0x3];
	s3 =	simm.s32 $0x0  }
0x5: {  	s12 =	simm.s32 $0x80;
	s13 =	simm.s32 $0x2A80;
	s14 =	simm.s32 $0x0  }
0x6: {  	s5 =	sand.u32 $0x1, s2;
	s2 =	stileid.u32;
	[smem:$0x7FF] =	sst s3  }
0x7: {  	s6 =	sshll.u32 s5, $0x4;
	s8 =	smul.u32 $0x280, s2;
	_ =	strace $0x80000047  }
0x8: {  	s9 =	ssub.s32 $0x2, s5;
	s5 =	smul.u32 $0x2800, s5;
	s6 =	sor.u32 s2, s6  }
0x9: {  	s31 =	sshll.u32 s2, $0x6;
	s11 =	sshrl.u32 s9, $0x1;
	s6 =	smul.u32 $0x500, s6  }
0xa: {  	s10 =	sshrl.u32 s8, $0x3;
	s9 =	ssub.s32 s9, s11;
	s30 =	sadd.s32 s8, s1  }
0xb: {  	s8 =	sadd.s32 s8, s5;
	s5 =	sor.u32 $0x1C01, s31;
	s11 =	simm.s32 $0x280  }
0xc: {  	s8 =	sshrl.u32 s8, $0x3;
	s6 =	sadd.s32 s6, s4;
	s4 =	sadd.s32 s10, s4  }
0xd: {  	s7 =	sadd.s32 s7, s8;
	s8 =	smax.u32 s9, $0x1;
	s9 =	sshrl.u32 s30, $0x3  }
0xe: {  	v0 =	vimm.f32 $1.000000000e+00;
	s10 =	simm.s32 $0x1;
	s4 =	sadd.s32 $0x16600, s4;
	s6 =	sadd.s32 $0xC600, s6  }
.LBB2_1:
0xf: {  	[spmem:s9], [sflag:s5] =	dma.local [hbm:s4], $0x50  }
0x10: {  	_ =	swait.ge [sflag:s10], $0x50  }
0x11: {  	[sflag:s10] =	ssyncset.done $0x0  }
0x12: {  	[sflag:s10] =	ssyncadd.s32 $0xFFFFFFB0  }
0x13: {  	[tilespmem:s11], [sflag:$0x1] =	stream.linear.gather [hbm4b:s6+s3], $0x2800, $0x38;
	[tilespmem:$0x2B00] =	vst v63  }
0x14: {  	_ =	swait.ge [sflag:s10], $0x2800  }
0x15: {  	[sflag:s10] =	ssyncset.done $0x0  }
0x16: {  	[sflag:s10] =	ssyncadd.s32 $0xFFFFD800  }
0x17: {  	[tilespmem:$0x2A80] =	vst v0  }
0x18: {  	[tilespmem:$0x2A90] =	vst v0  }
0x19: {  	[tilespmem:$0x2AA0] =	vst v0  }
0x1a: {  	[tilespmem:$0x2AB0] =	vst v0  }
0x1b: {  	[tilespmem:$0x2AC0] =	vst v0  }
0x1c: {  	[tilespmem:$0x2AD0] =	vst v0  }
0x1d: {  	[tilespmem:$0x2AE0] =	vst v0  }
0x1e: {  	[tilespmem:$0x2AF0] =	vst v0  }
0x1f: {  	s15 =	simm.s32 $0x280;
	[bflag:$0x0] =	sbarrier.arrive $0xFFFF  }
0x20: {  	[spmem:s1] =	stream.indirect.scatter.add.f32 [tilespmem:s13], [sflag:$0x1], $0x1, s15, s12, $0xb8;
	[tilespmem:$0x2B00] =	vst v63  }
0x21: {  	s15 =	simm.s32 $0x200;
	_ =	swait.ge [sflag:s10], $0x80  }
.LBB2_2:
0x22: {  	s16 =	sshra.s32 s15, $0x2;
	[sflag:s10] =	ssyncset.done $0x0;
	p0 =	sne.s32 s15, $0x9E00  }
.Ltmp0:
0x23: {  	s16 =	sadd.s32 $0x280, s16;
	[sflag:s10] =	ssyncadd.s32 $0xFFFFFF80;
	(pc) =	sbr.rel @p0 .LBB2_2-.Ltmp0, $3  }
0x24: {  	[spmem:s1] =	stream.indirect.scatter.add.f32 [tilespmem:s13], [sflag:$0x1], $0x1, s16, s12, $0xb8;
	[tilespmem:$0x2B00] =	vst v63  }
0x25: {  	s15 =	sadd.s32 $0x200, s15;
	_ =	sdelay $0x1  }
0x26: {  	_ =	swait.ge [sflag:s10], $0x80  }
0x27: {  	[sflag:s10] =	ssyncset.done $0x0;
	s14 =	sadd.s32 $0x1, s14  }
0x28: {  	[sflag:s10] =	ssyncadd.s32 $0xFFFFFF80;
	p0 =	sne.s32 s14, s8  }
.Ltmp1:
0x29: {  	[bflag:$0x0] =	sbarrier.arrive $0xFFFF;
	(pc) =	sbr.rel @p0 .LBB2_1-.Ltmp1, $4  }
0x2a: {  	[hbm:s7], [sflag:s5] =	dma.local [spmem:s9], $0x50  }
0x2b: {  	_ =	swait.ge [sflag:s10], $0x50  }
0x2c: {  	[sflag:s10] =	ssyncset.done $0x0  }
0x2d: {  	[sflag:s10] =	ssyncadd.s32 $0xFFFFFFB0  }
0x2e: {  	_ =	sfence.sel $0x180000  }
0x2f: {  	[bflag:$0x0] =	sbarrier.arrive $0xFFFF  }
0x30: {  	p0 =	sne.s32 s2, $0x0;
	_ =	strace $0x90000047  }
0x31: {  	s0 =	sadd.s32 @!p0 $0x100000, s0;
	[bflag:$0x2] =	sbarrier.arrive $0xFFFF  }
0x32: {  	[sflag:s0] =	ssyncadd.tile.s32 @!p0 $0x1;
	_ =	shalt  }
.Lfunc_end2:
_tile_overlayer_lowered:
.L_overlay_start_2:
0x33: {  	(tag) =	ssettag $0x2  }
0x34: {  	s0 =	rddreg [dreg:$0x0];
	s2 =	stileid.u32  }
0x35: {  	s1 =	rddreg [dreg:$0x1];
	p0 =	sne.s32 s2, $0x0  }
0x36: {  	s3 =	rddreg [dreg:$0x2];
	[bflag:$0x3] =	sbarrier.arrive $0xFFFF;
	s2 =	simm.s32 @!p0 $0x1C01  }
0x37: {  	[timem:s3], [sflag:s2] =	dma.local @!p0 [hbm:s0], s1  }
0x38: {  	s0 =	simm.s32 @!p0 $0x1  }
0x39: {  	_ =	swait.ge @!p0 [sflag:s0], s1  }
0x3a: {  	s1 =	ssub.s32 @!p0 $0x0, s1;
	[sflag:s0] =	ssyncset.done @!p0 $0x0  }
0x3b: {  	[sflag:s0] =	ssyncadd.s32 @!p0 s1  }
0x3c: {  	[bflag:$0x3] =	sbarrier.arrive $0xFFFF  }
0x3d: {  	_ =	shalt  }

// kernel: kernel.13.cloned.1.call-start
scs
__scs_entry_jumppad:
0x0: {  	(pc) =	sbr.rel $0x88, $3  }
0x1: {  	(tag) =	ssettag $0x0;
	lr =	simm.s32 $0x1  }
0x2: {  	[smem:$0x3F97] =	sst lr;
	_ =	strace $0xD0000000  }
0x3: {  	_ = 	snop  }
0x4: {  	_ = 	snop  }
0x5: {  	_ = 	snop  }
0x6: {  	_ = 	snop  }
0x7: {  	_ = 	snop  }
__scs_overlays_trampoline_lowered:
0x8: {  	[smem:$0x3FA6] =	sst s0  }
0x9: {  	[smem:$0x3FA7] =	sst s1  }
0xa: {  	[smem:$0x3FA8] =	sst s2  }
0xb: {  	[smem:$0x3FA9] =	sst s3  }
0xc: {  	[smem:$0x3FAA] =	sst s4  }
0xd: {  	[smem:$0x3FAB] =	sst s5  }
0xe: {  	[smem:$0x3FAC] =	sst s6  }
0xf: {  	[smem:$0x3FAD] =	sst s7  }
0x10: {  	[smem:$0x3FAE] =	sst s8  }
0x11: {  	[smem:$0x3FAF] =	sst s9;
	s0 =	simm.s32 @!p0 $0x0  }
0x12: {  	s1 =	sld [smem:$0x3F95];
	s0 =	simm.s32 @p0 $0x1  }
0x13: {  	[smem:$0x3FB0] =	sst s0;
	s0 =	simm.s32 @!p1 $0x0  }
0x14: {  	s2 =	sld [smem:$0x3F94];
	s0 =	simm.s32 @p1 $0x1  }
0x15: {  	[smem:$0x3FB1] =	sst s0;
	s0 =	simm.s32 @!p2 $0x0  }
0x16: {  	s3 =	sld [smem:$0x3FDB];
	s0 =	simm.s32 @p2 $0x1  }
0x17: {  	s4 =	simm.s32 $0x1BF5;
	[smem:$0x3FB3] =	sst s0  }
0x18: {  	s0 =	sld [smem:$0x3F96];
	_ =	swait.ge [sflag:s4], $0x0  }
0x19: {  	s7 =	sld [smem:$0x3F97]  }
0x1a: {  	s8 =	sadd.s32 $0xFFFFE003, lr  }
0x1b: {  	s9 =	sadd.s32 $0xFFFFFEF7, lr;
	s5 =	simm.s32 $0xFFFFFFFF;
	p2 =	slt.u32 s8, $0xFFFFF086  }
0x1c: {  	p1 =	slt.u32 s9, $0xF7A;
	s5 =	simm.s32 @!p2 $0x0  }
0x1d: {  	s5 =	simm.s32 @p1 $0x1;
	p0 =	seq.s32 s7, s2  }
0x1e: {  	s7 =	smul.u32 @!p0 $0xF7A, s2;
	p2 =	seq.s32 @!p0 s5, $0x0  }
0x1f: {  	s9 =	smul.u32 $0xF7A, s1;
	s8 =	simm.s32 @!p0 $0x1BF5;
	p2 =	por !p2, p0  }
0x20: {  	[sflag:s8] =	ssyncset.s32 @!p0 $0xFFFFF086;
	s6 =	sadd.s32 @!p0 s3, s7;
	s7 =	simm.s32 @!p0 $0x108  }
0x21: {  	s3 =	sadd.s32 s3, s9;
	s6 =	sadd.s32 @!p0 $0x88, s6;
	s7 =	simm.s32 @p2 $0x1082  }
0x22: {  	[simem:s7], [sflag:s8] =	dma.local @!p0 [hbm:s6], $0xF7A  }
0x23: {  	s9 =	sor.u32 $0xD0000000, s2;
	s6 =	simm.s32 $0x108;
	_ =	swait.ge @!p0 [sflag:s8], $0x0  }
0x24: {  	s3 =	sadd.s32 $0x88, s3;
	s6 =	simm.s32 @!p1 $0x1082;
	[sflag:s4] =	ssyncset.s32 $0xFFFFF086  }
0x25: {  	[simem:s6], [sflag:s4] =	dma.local [hbm:s3], $0xF7A  }
0x26: {  	[smem:$0x3F97] =	sst s1;
	(tag) =	ssettag s2;
	_ =	strace s9  }
0x27: {  	s1 =	sld [smem:$0x3FA7]  }
0x28: {  	s2 =	sld [smem:$0x3FA8]  }
0x29: {  	s4 =	sld [smem:$0x3FAA]  }
0x2a: {  	p0 =	seq.s32 s5, $0x0;
	s5 =	sld [smem:$0x3FAB]  }
0x2b: {  	s6 =	sld [smem:$0x3FAC]  }
0x2c: {  	s7 =	sld [smem:$0x3FAD]  }
0x2d: {  	s3 =	simm.s32 $0x108;
	s8 =	sld [smem:$0x3FAE]  }
0x2e: {  	s3 =	simm.s32 @!p0 $0x1082;
	s9 =	sld [smem:$0x3FAF]  }
0x2f: {  	lr =	sadd.s32 s0, s3;
	s0 =	sld [smem:$0x3FA6]  }
0x30: {  	s3 =	sld [smem:$0x3FA9]  }
0x31: {  	[smem:$0x3FB2] =	sst s10  }
0x32: {  	s10 =	sld [smem:$0x3FB0];
	_ =	sdelay $0x3  }
0x33: {  	p0 =	seq.s32 s10, $0x1;
	s10 =	sld [smem:$0x3FB2];
	_ =	sdelay $0x3  }
0x34: {  	[smem:$0x3FB2] =	sst s10  }
0x35: {  	s10 =	sld [smem:$0x3FB1];
	_ =	sdelay $0x3  }
0x36: {  	p1 =	seq.s32 s10, $0x1;
	s10 =	sld [smem:$0x3FB2];
	_ =	sdelay $0x3  }
0x37: {  	[smem:$0x3FB2] =	sst s10  }
0x38: {  	s10 =	sld [smem:$0x3FB3]  }
0x39: {  	_ = 	snop;
	(pc) =	sbr.ind lr, $3  }
0x3a: {  	_ = 	snop  }
0x3b: {  	_ = 	snop  }
0x3c: {  	p2 =	seq.s32 s10, $0x1;
	s10 =	sld [smem:$0x3FB2]  }
0x3d: {  	_ =	shalt  }
0x3e: {  	_ =	shalt  }
0x3f: {  	_ =	shalt  }
0x40: {  	_ =	shalt  }
0x41: {  	_ =	shalt  }
0x42: {  	_ =	shalt  }
0x43: {  	_ =	shalt  }
0x44: {  	_ =	shalt  }
0x45: {  	_ =	shalt  }
0x46: {  	_ =	shalt  }
0x47: {  	_ =	shalt  }
0x48: {  	_ =	shalt  }
0x49: {  	_ =	shalt  }
0x4a: {  	_ =	shalt  }
0x4b: {  	_ =	shalt  }
0x4c: {  	_ =	shalt  }
0x4d: {  	_ =	shalt  }
0x4e: {  	_ =	shalt  }
0x4f: {  	_ =	shalt  }
0x50: {  	_ =	shalt  }
0x51: {  	_ =	shalt  }
0x52: {  	_ =	shalt  }
0x53: {  	_ =	shalt  }
0x54: {  	_ =	shalt  }
0x55: {  	_ =	shalt  }
0x56: {  	_ =	shalt  }
0x57: {  	_ =	shalt  }
0x58: {  	_ =	shalt  }
0x59: {  	_ =	shalt  }
0x5a: {  	_ =	shalt  }
0x5b: {  	_ =	shalt  }
0x5c: {  	_ =	shalt  }
0x5d: {  	_ =	shalt  }
0x5e: {  	_ =	shalt  }
0x5f: {  	_ =	shalt  }
0x60: {  	_ =	shalt  }
0x61: {  	_ =	shalt  }
0x62: {  	_ =	shalt  }
0x63: {  	_ =	shalt  }
0x64: {  	_ =	shalt  }
0x65: {  	_ =	shalt  }
0x66: {  	_ =	shalt  }
0x67: {  	_ =	shalt  }
0x68: {  	_ =	shalt  }
0x69: {  	_ =	shalt  }
0x6a: {  	_ =	shalt  }
0x6b: {  	_ =	shalt  }
0x6c: {  	_ =	shalt  }
0x6d: {  	_ =	shalt  }
0x6e: {  	_ =	shalt  }
0x6f: {  	_ =	shalt  }
0x70: {  	_ =	shalt  }
0x71: {  	_ =	shalt  }
0x72: {  	_ =	shalt  }
0x73: {  	_ =	shalt  }
0x74: {  	_ =	shalt  }
0x75: {  	_ =	shalt  }
0x76: {  	_ =	shalt  }
0x77: {  	_ =	shalt  }
0x78: {  	_ =	shalt  }
0x79: {  	_ =	shalt  }
0x7a: {  	_ =	shalt  }
0x7b: {  	_ =	shalt  }
0x7c: {  	_ =	shalt  }
0x7d: {  	_ =	shalt  }
0x7e: {  	_ =	shalt  }
0x7f: {  	_ =	shalt  }
0x80: {  	_ =	shalt  }
0x81: {  	_ =	shalt  }
0x82: {  	_ =	shalt  }
0x83: {  	_ =	shalt  }
0x84: {  	_ =	shalt  }
0x85: {  	_ =	shalt  }
0x86: {  	_ =	shalt  }
0x87: {  	_ =	shalt  }
.Lfunc_end0:
.L_simem_size_0:
called_computation.1_lowered:
.L_overlay_start_0:
0x88: {  	s2 =	sld [smem:$0x3FD9]  }
0x89: {  	s3 =	sld [smem:$0x3FFE];
	_ =	sdelay $0x1  }
0x8a: {  	s1 =	srdreg.scid  }
0x8b: {  	s0 =	sand.u32 $0x1, s1  }
0x8c: {  	s16 =	sshll.u32 s0, $0xA;
	s2 =	sadd.s32 s3, s2  }
0x8d: {  	s2 =	sadd.s32 s2, s16  }
0x8e: {  	[smem:$0x3FBE] =	sst s2  }
0x8f: {  	_ = 	snop  }
0x90: {  	(tm) =	ssettm $0x1  }
0x91: {  	s17 =	sld [smem:$0x3FFB];
	_ =	sdelay $0x3  }
0x92: {  	_ =	strace s17  }
0x93: {  	s2 =	sld [smem:$0x3FFC];
	_ =	sdelay $0x3  }
0x94: {  	_ =	strace s2  }
0x95: {  	s2 =	sld [smem:$0x3FFD];
	_ =	sdelay $0x3  }
0x96: {  	_ =	strace s2  }
0x97: {  	_ =	strace $0x8FFFFFFF  }
0x98: {  	s18 =	sld [smem:$0x3FDB];
	_ =	sdelay $0x1  }
0x99: {  	s19 =	simm.s32 $_scs_section_size  }
0x9a: {  	s4 =	simm.s32 $_size__tile_overlayer_lowered;
	s5 =	simm.s32 $_tile_overlayer_lowered  }
0x9b: {  	s22 =	simm.s32 $0x1BFF;
	s21 =	sshll.u32 s5, $0x1;
	s2 =	sadd.s32 s19, s18  }
0x9c: {  	s6 =	simm.s32 $0x0;
	s20 =	sshll.u32 s4, $0x1;
	s4 =	sadd.s32 s21, s2  }
0x9d: {  	[timem:s6], [sflag:s22] =	dma.local [hbm:s4], s20  }
0x9e: {  	_ =	swait.ge [sflag:s22], s20  }
0x9f: {  	s3 =	ssub.s32 $0x0, s20;
	[sflag:s22] =	ssyncset.done $0x0  }
0xa0: {  	[sflag:s22] =	ssyncadd.s32 s3;
	_ =	sdelay $0x1  }
0xa1: {  	s23 =	simm.s32 $0x1B8B  }
0xa2: {  	_ =	swait.ge [sflag:s23], $0x1  }
0xa3: {  	[sflag:s23] =	ssyncset.done $0x0  }
0xa4: {  	s25 =	simm.s32 $0x1B8E;
	s24 =	sld [smem:$0x3FFE];
	[sflag:s23] =	ssyncadd.s32 $0xFFFFFFFF  }
0xa5: {  	s26 =	simm.s32 $execute0_lowered;
	[smem:$0x3FD2] =	sst s25  }
0xa6: {  	s4 =	sshll.u32 s26, $0x1;
	_ =	strace $0x80000049;
	[dreg:$0x1] =	wrdreg $0xFFFFFFFF  }
0xa7: {  	s28 =	simm.s32 $_size_execute0_lowered;
	s2 =	sadd.s32 s2, s4;
	[dreg:$0x0] =	wrdreg $0x0  }
0xa8: {  	s4 =	sshll.u32 s28, $0x1;
	[dreg:$0x2] =	wrdreg s2  }
0xa9: {  	[dreg:$0x3] =	wrdreg s4  }
0xaa: {  	[dreg:$0x4] =	wrdreg $0xC0  }
0xab: {  	_ =	task [dreg:s6], $0x5FFFF  }
0xac: {  	[dreg:$0x1] =	wrdreg $0xFFFFFFFF  }
0xad: {  	[dreg:$0x0] =	wrdreg $0x60  }
0xae: {  	[dreg:$0x2] =	wrdreg s24  }
0xaf: {  	[dreg:$0x3] =	wrdreg $0x0  }
0xb0: {  	[dreg:$0x4] =	wrdreg $0x9  }
0xb1: {  	_ =	task.clear_ibuf [dreg:s6], $0x5FFFF;
	_ =	strace $0x90000049  }
0xb2: {  	s29 =	simm.s32 $0x9;
	_ =	strace $0x8000004B  }
0xb3: {  	_ =	swait.ge [sflag:s29], $0x1  }
0xb4: {  	[sflag:s29] =	ssyncadd.s32 $0xFFFFFFFF  }
0xb5: {  	_ =	strace $0x9000004B  }
0xb6: {  	_ =	sfence  }
0xb7: {  	s30 =	sld [smem:$0x0];
	_ =	sdelay $0x2  }
0xb8: {  	s31 =	sshll.u32 s1, $0xD;
	s1 =	sshrl.u32 s1, $0x2  }
0xb9: {  	s3 =	sand.u32 $0x4000, s31;
	s1 =	sadd.s32 s1, s30  }
0xba: {  	s0 =	sor.u32 s3, s0;
	s1 =	sshll.u32 s1, $0x11  }
0xbb: {  	s0 =	sor.u32 s1, s0  }
0xbc: {  	s0 =	sadd.s32 $0x8F2B, s0  }
0xbd: {  	[sflag:s0] =	ssyncadd.remote.s32 $0x1  }
0xbe: {  	_ =	sfence.sel $0xFFFF  }
0xbf: {  	[dreg:$0x0] =	wrdreg $0xFFFFFFFF;
	(pc) =	sbr.abs _section_cstart, $3  }
0xc0: {  	[dreg:$0x1] =	wrdreg $0xFFFFFFFF  }
0xc1: {  	_ =	task.clear_ibuf [dreg:s6], $0x2FFFF;
	_ =	strace $0x9FFFFFFF  }
0xc2: {  	(tm) =	ssettm $0x7FFFFFFF  }
0xc3: {  	_ =	shalt  }
tec
execute0_lowered:
.L_overlay_start_1:
0x0: {  	(tag) =	ssettag $0x1  }
0x1: {  	s5 =	rddreg [dreg:$0x0]  }
0x2: {  	s2 =	rddreg [dreg:$0x1]  }
0x3: {  	s0 =	rddreg [dreg:$0x2]  }
0x4: {  	s3 =	simm.s32 $0x0;
	s1 =	stileid.u32;
	s4 =	srdreg.scid  }
0x5: {  	s16 =	simm.s32 $0x15400;
	s17 =	simm.s32 $0x80;
	s18 =	simm.s32 $0x16800  }
0x6: {  	s19 =	simm.s32 $0x1;
	s20 =	simm.s32 $0x1A800;
	s21 =	simm.s32 $0x2  }
0x7: {  	s22 =	simm.s32 $0x15380;
	[smem:$0x7FF] =	sst s3;
	s6 =	smul.u32 $0x2800, s1  }
0x8: {  	s7 =	sand.u32 $0x1, s4;
	s4 =	sadd.s32 $0x16600, s5;
	s9 =	sadd.s32 $0x2600, s5  }
0x9: {  	s10 =	sadd.s32 $0xC600, s5;
	s12 =	smul.u32 $0x50000, s1;
	s30 =	sshll.u32 s1, $0x6  }
0xa: {  	_ =	strace $0x8000004A;
	s8 =	smul.u32 $0x28000, s7;
	s23 =	sshll.u32 s7, $0x4  }
0xb: {  	s24 =	ssub.s32 $0x2, s7;
	s11 =	sadd.s32 s6, s5;
	s25 =	sor.u32 s1, s23  }
0xc: {  	s7 =	sshrl.u32 s24, $0x1;
	s26 =	sshrl.u32 s12, $0x2;
	s23 =	simm.s32 $0x16700  }
0xd: {  	s6 =	sadd.s32 s6, s8;
	s28 =	smul.u32 $0x2800, s25;
	s14 =	ssub.s32 s24, s7  }
0xe: {  	s15 =	sadd.s32 s26, s2;
	s29 =	smul.u32 $0x500, s25;
	s24 =	simm.s32 $0x16780  }
0xf: {  	s25 =	simm.s32 $0x0;
	s13 =	sadd.s32 s6, s5;
	s5 =	sadd.s32 $0x3E600, s11  }
0x10: {  	s6 =	sor.u32 $0x1C03, s30;
	s12 =	smax.u32 s14, $0x1;
	s31 =	sshrl.u32 s28, $0x3  }
0x11: {  	s14 =	simm.s32 $0x3;
	s7 =	sadd.s32 s9, s29;
	s11 =	sadd.s32 $0x280, s31  }
0x12: {  	s8 =	sadd.s32 s10, s29;
	s9 =	sadd.s32 s9, s11;
	s10 =	sadd.s32 s10, s11  }
0x13: {  	s11 =	sadd.s32 $0x66600, s13;
	s13 =	sshrl.u32 s15, $0x3;
	s15 =	simm.s32 $0x14000  }
.LBB2_1:
0x14: {  	[spmem:s13], [sflag:s6] =	dma.local [hbm:s5], $0x2800  }
0x15: {  	_ =	swait.ge [sflag:s14], $0x2800  }
0x16: {  	[sflag:s14] =	ssyncset.done $0x0  }
0x17: {  	[sflag:s14] =	ssyncadd.s32 $0xFFFFD800  }
0x18: {  	[bflag:$0x0] =	sbarrier.arrive $0xFFFF  }
0x19: {  	[tilespmem:s15], [sflag:$0x3] =	stream.linear.gather [hbm4b:s7+s3], $0x1400, $0x38;
	[tilespmem:$0x1E800] =	vst v63  }
0x1a: {  	_ =	swait.ge [sflag:s14], $0x1400  }
0x1b: {  	[sflag:s14] =	ssyncset.done $0x0  }
0x1c: {  	[sflag:s14] =	ssyncadd.s32 $0xFFFFEC00  }
0x1d: {  	[tilespmem:s16], [sflag:$0x3] =	stream.linear.gather [hbm4b:s8+s3], $0x1400, $0x38;
	[tilespmem:$0x1E800] =	vst v63  }
0x1e: {  	_ =	swait.ge [sflag:s14], $0x1400  }
0x1f: {  	[sflag:s14] =	ssyncset.done $0x0  }
0x20: {  	[sflag:s14] =	ssyncadd.s32 $0xFFFFEC00  }
0x21: {  	[tilespmem:s18], [sflag:$0x1] =	stream.indirect.gather [hbm4b:s4+s17], $0x80, s15, s17, $0xb8;
	[tilespmem:$0x1E800] =	vst v63  }
0x22: {  	_ =	swait.ge [sflag:s19], $0x4000  }
0x23: {  	[sflag:s19] =	ssyncset.done $0x0  }
0x24: {  	s26 =	simm.s32 $0x14080;
	[sflag:s19] =	ssyncadd.s32 $0xFFFFC000  }
0x25: {  	[tilespmem:s20], [sflag:$0x2] =	stream.indirect.gather [hbm4b:s4+s17], $0x80, s26, s17, $0xb8;
	[tilespmem:$0x1E800] =	vst v63  }
0x26: {  	s29 =	simm.s32 $0x15400  }
0x27: {  	[spmem:s2] =	stream.indirect.scatter.add.f32 [tilespmem:s18], [sflag:$0x3], $0x80, s29, s17, $0xb8;
	[tilespmem:$0x1E800] =	vst v63  }
0x28: {  	_ =	swait.ge [sflag:s14], $0x4000  }
0x29: {  	[sflag:s14] =	ssyncset.done $0x0  }
0x2a: {  	[sflag:s14] =	ssyncadd.s32 $0xFFFFC000  }
0x2b: {  	_ =	swait.ge [sflag:s21], $0x4000  }
0x2c: {  	[sflag:s21] =	ssyncset.done $0x0  }
0x2d: {  	s30 =	simm.s32 $0x14100;
	[sflag:s21] =	ssyncadd.s32 $0xFFFFC000  }
0x2e: {  	[tilespmem:s18], [sflag:$0x1] =	stream.indirect.gather [hbm4b:s4+s17], $0x80, s30, s17, $0xb8;
	[tilespmem:$0x1E800] =	vst v63  }
0x2f: {  	s31 =	simm.s32 $0x15480  }
0x30: {  	[spmem:s2] =	stream.indirect.scatter.add.f32 [tilespmem:s20], [sflag:$0x3], $0x80, s31, s17, $0xb8;
	[tilespmem:$0x1E800] =	vst v63  }
0x31: {  	_ =	swait.ge [sflag:s14], $0x4000  }
0x32: {  	s26 =	simm.s32 $0x400;
	[sflag:s14] =	ssyncset.done $0x0  }
.LBB2_2:
0x33: {  	p0 =	sne.s32 s26, $0x4800  }
0x34: {  	[sflag:s14] =	ssyncadd.s32 $0xFFFFC000;
	s28 =	smov.u32 s26;
	s26 =	sadd.s32 $0x400, s26  }
0x35: {  	_ = 	snop  }
0x36: {  	_ =	swait.ge [sflag:s19], $0x4000  }
0x37: {  	s28 =	sshra.s32 s28, $0x2;
	[sflag:s19] =	ssyncset.done $0x0  }
0x38: {  	s29 =	sadd.s32 $0x14080, s28;
	[sflag:s19] =	ssyncadd.s32 $0xFFFFC000  }
0x39: {  	[tilespmem:s20], [sflag:$0x2] =	stream.indirect.gather [hbm4b:s4+s17], $0x80, s29, s17, $0xb8;
	[tilespmem:$0x1E800] =	vst v63  }
0x3a: {  	s29 =	sadd.s32 $0x15400, s28  }
0x3b: {  	[spmem:s2] =	stream.indirect.scatter.add.f32 [tilespmem:s18], [sflag:$0x3], $0x80, s29, s17, $0xb8;
	[tilespmem:$0x1E800] =	vst v63  }
0x3c: {  	_ =	swait.ge [sflag:s14], $0x4000  }
0x3d: {  	[sflag:s14] =	ssyncset.done $0x0  }
0x3e: {  	[sflag:s14] =	ssyncadd.s32 $0xFFFFC000  }
0x3f: {  	_ =	swait.ge [sflag:s21], $0x4000  }
0x40: {  	[sflag:s21] =	ssyncset.done $0x0  }
0x41: {  	s29 =	sadd.s32 $0x14100, s28;
	[sflag:s21] =	ssyncadd.s32 $0xFFFFC000  }
0x42: {  	[tilespmem:s18], [sflag:$0x1] =	stream.indirect.gather [hbm4b:s4+s17], $0x80, s29, s17, $0xb8;
	[tilespmem:$0x1E800] =	vst v63  }
.Ltmp0:
0x43: {  	_ = 	snop;
	(pc) =	sbr.rel @p0 .LBB2_2-.Ltmp0, $4  }
0x44: {  	s28 =	sadd.s32 $0x15480, s28  }
0x45: {  	[spmem:s2] =	stream.indirect.scatter.add.f32 [tilespmem:s20], [sflag:$0x3], $0x80, s28, s17, $0xb8;
	[tilespmem:$0x1E800] =	vst v63  }
0x46: {  	_ =	swait.ge [sflag:s14], $0x4000  }
0x47: {  	[sflag:s14] =	ssyncset.done $0x0  }
0x48: {  	[sflag:s14] =	ssyncadd.s32 $0xFFFFC000  }
0x49: {  	_ =	swait.ge [sflag:s19], $0x4000  }
0x4a: {  	[sflag:s19] =	ssyncset.done $0x0  }
0x4b: {  	[sflag:s19] =	ssyncadd.s32 $0xFFFFC000  }
0x4c: {  	[tilespmem:s20], [sflag:$0x2] =	stream.indirect.gather [hbm4b:s4+s17], $0x80, s22, s17, $0xb8;
	[tilespmem:$0x1E800] =	vst v63  }
0x4d: {  	_ = 	snop  }
0x4e: {  	[spmem:s2] =	stream.indirect.scatter.add.f32 [tilespmem:s18], [sflag:$0x3], $0x80, s23, s17, $0xb8;
	[tilespmem:$0x1E800] =	vst v63  }
0x4f: {  	_ =	swait.ge [sflag:s14], $0x4000  }
0x50: {  	[sflag:s14] =	ssyncset.done $0x0  }
0x51: {  	[sflag:s14] =	ssyncadd.s32 $0xFFFFC000  }
0x52: {  	_ =	swait.ge [sflag:s21], $0x4000  }
0x53: {  	[sflag:s21] =	ssyncset.done $0x0  }
0x54: {  	[sflag:s21] =	ssyncadd.s32 $0xFFFFC000  }
0x55: {  	[tilespmem:s18], [sflag:$0x1] =	stream.indirect.gather [hbm4b:s4+s17], $0x80, s22, s17, $0xb8;
	[tilespmem:$0x1E800] =	vst v63  }
0x56: {  	_ = 	snop  }
0x57: {  	[spmem:s2] =	stream.indirect.scatter.add.f32 [tilespmem:s20], [sflag:$0x3], $0x80, s24, s17, $0xb8;
	[tilespmem:$0x1E800] =	vst v63  }
0x58: {  	_ =	swait.ge [sflag:s14], $0x4000  }
0x59: {  	[sflag:s14] =	ssyncset.done $0x0  }
0x5a: {  	[sflag:s14] =	ssyncadd.s32 $0xFFFFC000  }
0x5b: {  	_ =	swait.ge [sflag:s19], $0x4000  }
0x5c: {  	[sflag:s19] =	ssyncset.done $0x0  }
0x5d: {  	s26 =	simm.s32 $0x0;
	[sflag:s19] =	ssyncadd.s32 $0xFFFFC000  }
0x5e: {  	[tilespmem:s15], [sflag:$0x3] =	stream.linear.gather [hbm4b:s9+s26], $0x1400, $0x38;
	[tilespmem:$0x1E800] =	vst v63  }
0x5f: {  	_ =	swait.ge [sflag:s14], $0x1400  }
0x60: {  	[sflag:s14] =	ssyncset.done $0x0  }
0x61: {  	[sflag:s14] =	ssyncadd.s32 $0xFFFFEC00  }
0x62: {  	[tilespmem:s16], [sflag:$0x3] =	stream.linear.gather [hbm4b:s10+s26], $0x1400, $0x38;
	[tilespmem:$0x1E800] =	vst v63  }
0x63: {  	_ =	swait.ge [sflag:s14], $0x1400  }
0x64: {  	[sflag:s14] =	ssyncset.done $0x0  }
0x65: {  	[sflag:s14] =	ssyncadd.s32 $0xFFFFEC00  }
0x66: {  	[tilespmem:s18], [sflag:$0x1] =	stream.indirect.gather [hbm4b:s4+s17], $0x80, s15, s17, $0xb8;
	[tilespmem:$0x1E800] =	vst v63  }
0x67: {  	_ =	swait.ge [sflag:s19], $0x4000  }
0x68: {  	[sflag:s19] =	ssyncset.done $0x0  }
0x69: {  	s28 =	simm.s32 $0x14080;
	[sflag:s19] =	ssyncadd.s32 $0xFFFFC000  }
0x6a: {  	[tilespmem:s20], [sflag:$0x2] =	stream.indirect.gather [hbm4b:s4+s17], $0x80, s28, s17, $0xb8;
	[tilespmem:$0x1E800] =	vst v63  }
0x6b: {  	s29 =	simm.s32 $0x15400  }
0x6c: {  	[spmem:s2] =	stream.indirect.scatter.add.f32 [tilespmem:s18], [sflag:$0x3], $0x80, s29, s17, $0xb8;
	[tilespmem:$0x1E800] =	vst v63  }
0x6d: {  	_ =	swait.ge [sflag:s14], $0x4000  }
0x6e: {  	[sflag:s14] =	ssyncset.done $0x0  }
0x6f: {  	[sflag:s14] =	ssyncadd.s32 $0xFFFFC000  }
0x70: {  	_ =	swait.ge [sflag:s21], $0x4000  }
0x71: {  	[sflag:s21] =	ssyncset.done $0x0  }
0x72: {  	s30 =	simm.s32 $0x14100;
	[sflag:s21] =	ssyncadd.s32 $0xFFFFC000  }
0x73: {  	[tilespmem:s18], [sflag:$0x1] =	stream.indirect.gather [hbm4b:s4+s17], $0x80, s30, s17, $0xb8;
	[tilespmem:$0x1E800] =	vst v63  }
0x74: {  	s31 =	simm.s32 $0x15480  }
0x75: {  	[spmem:s2] =	stream.indirect.scatter.add.f32 [tilespmem:s20], [sflag:$0x3], $0x80, s31, s17, $0xb8;
	[tilespmem:$0x1E800] =	vst v63  }
0x76: {  	_ =	swait.ge [sflag:s14], $0x4000  }
0x77: {  	s26 =	simm.s32 $0x400;
	[sflag:s14] =	ssyncset.done $0x0  }
.LBB2_4:
0x78: {  	p0 =	sne.s32 s26, $0x4800  }
0x79: {  	[sflag:s14] =	ssyncadd.s32 $0xFFFFC000;
	s28 =	smov.u32 s26;
	s26 =	sadd.s32 $0x400, s26  }
0x7a: {  	_ = 	snop  }
0x7b: {  	_ =	swait.ge [sflag:s19], $0x4000  }
0x7c: {  	s28 =	sshra.s32 s28, $0x2;
	[sflag:s19] =	ssyncset.done $0x0  }
0x7d: {  	s29 =	sadd.s32 $0x14080, s28;
	[sflag:s19] =	ssyncadd.s32 $0xFFFFC000  }
0x7e: {  	[tilespmem:s20], [sflag:$0x2] =	stream.indirect.gather [hbm4b:s4+s17], $0x80, s29, s17, $0xb8;
	[tilespmem:$0x1E800] =	vst v63  }
0x7f: {  	s29 =	sadd.s32 $0x15400, s28  }
0x80: {  	[spmem:s2] =	stream.indirect.scatter.add.f32 [tilespmem:s18], [sflag:$0x3], $0x80, s29, s17, $0xb8;
	[tilespmem:$0x1E800] =	vst v63  }
0x81: {  	_ =	swait.ge [sflag:s14], $0x4000  }
0x82: {  	[sflag:s14] =	ssyncset.done $0x0  }
0x83: {  	[sflag:s14] =	ssyncadd.s32 $0xFFFFC000  }
0x84: {  	_ =	swait.ge [sflag:s21], $0x4000  }
0x85: {  	[sflag:s21] =	ssyncset.done $0x0  }
0x86: {  	s29 =	sadd.s32 $0x14100, s28;
	[sflag:s21] =	ssyncadd.s32 $0xFFFFC000  }
0x87: {  	[tilespmem:s18], [sflag:$0x1] =	stream.indirect.gather [hbm4b:s4+s17], $0x80, s29, s17, $0xb8;
	[tilespmem:$0x1E800] =	vst v63  }
.Ltmp1:
0x88: {  	_ = 	snop;
	(pc) =	sbr.rel @p0 .LBB2_4-.Ltmp1, $4  }
0x89: {  	s28 =	sadd.s32 $0x15480, s28  }
0x8a: {  	[spmem:s2] =	stream.indirect.scatter.add.f32 [tilespmem:s20], [sflag:$0x3], $0x80, s28, s17, $0xb8;
	[tilespmem:$0x1E800] =	vst v63  }
0x8b: {  	_ =	swait.ge [sflag:s14], $0x4000  }
0x8c: {  	[sflag:s14] =	ssyncset.done $0x0  }
0x8d: {  	[sflag:s14] =	ssyncadd.s32 $0xFFFFC000  }
0x8e: {  	_ =	swait.ge [sflag:s19], $0x4000  }
0x8f: {  	[sflag:s19] =	ssyncset.done $0x0  }
0x90: {  	[sflag:s19] =	ssyncadd.s32 $0xFFFFC000  }
0x91: {  	[tilespmem:s20], [sflag:$0x2] =	stream.indirect.gather [hbm4b:s4+s17], $0x80, s22, s17, $0xb8;
	[tilespmem:$0x1E800] =	vst v63  }
0x92: {  	_ = 	snop  }
0x93: {  	[spmem:s2] =	stream.indirect.scatter.add.f32 [tilespmem:s18], [sflag:$0x3], $0x80, s23, s17, $0xb8;
	[tilespmem:$0x1E800] =	vst v63  }
0x94: {  	_ =	swait.ge [sflag:s14], $0x4000  }
0x95: {  	[sflag:s14] =	ssyncset.done $0x0  }
0x96: {  	[sflag:s14] =	ssyncadd.s32 $0xFFFFC000  }
0x97: {  	_ =	swait.ge [sflag:s21], $0x4000  }
0x98: {  	[sflag:s21] =	ssyncset.done $0x0  }
0x99: {  	[sflag:s21] =	ssyncadd.s32 $0xFFFFC000  }
0x9a: {  	[tilespmem:s18], [sflag:$0x1] =	stream.indirect.gather [hbm4b:s4+s17], $0x80, s22, s17, $0xb8;
	[tilespmem:$0x1E800] =	vst v63  }
0x9b: {  	_ = 	snop  }
0x9c: {  	[spmem:s2] =	stream.indirect.scatter.add.f32 [tilespmem:s20], [sflag:$0x3], $0x80, s24, s17, $0xb8;
	[tilespmem:$0x1E800] =	vst v63  }
0x9d: {  	_ =	swait.ge [sflag:s14], $0x4000  }
0x9e: {  	[sflag:s14] =	ssyncset.done $0x0  }
0x9f: {  	[sflag:s14] =	ssyncadd.s32 $0xFFFFC000  }
0xa0: {  	_ =	swait.ge [sflag:s19], $0x4000  }
0xa1: {  	s25 =	sadd.s32 $0x1, s25;
	[sflag:s19] =	ssyncset.done $0x0  }
0xa2: {  	p0 =	sne.s32 s25, s12;
	[sflag:s19] =	ssyncadd.s32 $0xFFFFC000  }
.Ltmp2:
0xa3: {  	[bflag:$0x0] =	sbarrier.arrive $0xFFFF;
	(pc) =	sbr.rel @p0 .LBB2_1-.Ltmp2, $4  }
0xa4: {  	[hbm:s11], [sflag:s6] =	dma.local [spmem:s13], $0x2800  }
0xa5: {  	_ =	swait.ge [sflag:s14], $0x2800  }
0xa6: {  	[sflag:s14] =	ssyncset.done $0x0  }
0xa7: {  	[sflag:s14] =	ssyncadd.s32 $0xFFFFD800  }
0xa8: {  	_ =	sfence.sel $0x180000  }
0xa9: {  	[bflag:$0x0] =	sbarrier.arrive $0xFFFF  }
0xaa: {  	p0 =	sne.s32 s1, $0x0;
	_ =	strace $0x9000004A  }
0xab: {  	s0 =	sadd.s32 @!p0 $0x100000, s0;
	[bflag:$0x2] =	sbarrier.arrive $0xFFFF  }
0xac: {  	[sflag:s0] =	ssyncadd.tile.s32 @!p0 $0x1;
	_ =	shalt  }
.Lfunc_end2:
_tile_overlayer_lowered:
.L_overlay_start_2:
0xad: {  	(tag) =	ssettag $0x2  }
0xae: {  	s0 =	rddreg [dreg:$0x0];
	s2 =	stileid.u32  }
0xaf: {  	s1 =	rddreg [dreg:$0x1];
	p0 =	sne.s32 s2, $0x0  }
0xb0: {  	s3 =	rddreg [dreg:$0x2];
	[bflag:$0x3] =	sbarrier.arrive $0xFFFF;
	s2 =	simm.s32 @!p0 $0x1C03  }
0xb1: {  	[timem:s3], [sflag:s2] =	dma.local @!p0 [hbm:s0], s1  }
0xb2: {  	s0 =	simm.s32 @!p0 $0x3  }
0xb3: {  	_ =	swait.ge @!p0 [sflag:s0], s1  }
0xb4: {  	s1 =	ssub.s32 @!p0 $0x0, s1;
	[sflag:s0] =	ssyncset.done @!p0 $0x0  }
0xb5: {  	[sflag:s0] =	ssyncadd.s32 @!p0 s1  }
0xb6: {  	[bflag:$0x3] =	sbarrier.arrive $0xFFFF  }
0xb7: {  	_ =	shalt  }

// kernel: kernel.16.cloned.1.call-start
scs
__scs_entry_jumppad:
0x0: {  	(pc) =	sbr.rel $0x88, $3  }
0x1: {  	(tag) =	ssettag $0x0;
	lr =	simm.s32 $0x1  }
0x2: {  	[smem:$0x3F97] =	sst lr;
	_ =	strace $0xD0000000  }
0x3: {  	_ = 	snop  }
0x4: {  	_ = 	snop  }
0x5: {  	_ = 	snop  }
0x6: {  	_ = 	snop  }
0x7: {  	_ = 	snop  }
__scs_overlays_trampoline_lowered:
0x8: {  	[smem:$0x3FA6] =	sst s0  }
0x9: {  	[smem:$0x3FA7] =	sst s1  }
0xa: {  	[smem:$0x3FA8] =	sst s2  }
0xb: {  	[smem:$0x3FA9] =	sst s3  }
0xc: {  	[smem:$0x3FAA] =	sst s4  }
0xd: {  	[smem:$0x3FAB] =	sst s5  }
0xe: {  	[smem:$0x3FAC] =	sst s6  }
0xf: {  	[smem:$0x3FAD] =	sst s7  }
0x10: {  	[smem:$0x3FAE] =	sst s8  }
0x11: {  	[smem:$0x3FAF] =	sst s9;
	s0 =	simm.s32 @!p0 $0x0  }
0x12: {  	s1 =	sld [smem:$0x3F95];
	s0 =	simm.s32 @p0 $0x1  }
0x13: {  	[smem:$0x3FB0] =	sst s0;
	s0 =	simm.s32 @!p1 $0x0  }
0x14: {  	s2 =	sld [smem:$0x3F94];
	s0 =	simm.s32 @p1 $0x1  }
0x15: {  	[smem:$0x3FB1] =	sst s0;
	s0 =	simm.s32 @!p2 $0x0  }
0x16: {  	s3 =	sld [smem:$0x3FDB];
	s0 =	simm.s32 @p2 $0x1  }
0x17: {  	s4 =	simm.s32 $0x1BF5;
	[smem:$0x3FB3] =	sst s0  }
0x18: {  	s0 =	sld [smem:$0x3F96];
	_ =	swait.ge [sflag:s4], $0x0  }
0x19: {  	s7 =	sld [smem:$0x3F97]  }
0x1a: {  	s8 =	sadd.s32 $0xFFFFE003, lr  }
0x1b: {  	s9 =	sadd.s32 $0xFFFFFEF7, lr;
	s5 =	simm.s32 $0xFFFFFFFF;
	p2 =	slt.u32 s8, $0xFFFFF086  }
0x1c: {  	p1 =	slt.u32 s9, $0xF7A;
	s5 =	simm.s32 @!p2 $0x0  }
0x1d: {  	s5 =	simm.s32 @p1 $0x1;
	p0 =	seq.s32 s7, s2  }
0x1e: {  	s7 =	smul.u32 @!p0 $0xF7A, s2;
	p2 =	seq.s32 @!p0 s5, $0x0  }
0x1f: {  	s9 =	smul.u32 $0xF7A, s1;
	s8 =	simm.s32 @!p0 $0x1BF5;
	p2 =	por !p2, p0  }
0x20: {  	[sflag:s8] =	ssyncset.s32 @!p0 $0xFFFFF086;
	s6 =	sadd.s32 @!p0 s3, s7;
	s7 =	simm.s32 @!p0 $0x108  }
0x21: {  	s3 =	sadd.s32 s3, s9;
	s6 =	sadd.s32 @!p0 $0x88, s6;
	s7 =	simm.s32 @p2 $0x1082  }
0x22: {  	[simem:s7], [sflag:s8] =	dma.local @!p0 [hbm:s6], $0xF7A  }
0x23: {  	s9 =	sor.u32 $0xD0000000, s2;
	s6 =	simm.s32 $0x108;
	_ =	swait.ge @!p0 [sflag:s8], $0x0  }
0x24: {  	s3 =	sadd.s32 $0x88, s3;
	s6 =	simm.s32 @!p1 $0x1082;
	[sflag:s4] =	ssyncset.s32 $0xFFFFF086  }
0x25: {  	[simem:s6], [sflag:s4] =	dma.local [hbm:s3], $0xF7A  }
0x26: {  	[smem:$0x3F97] =	sst s1;
	(tag) =	ssettag s2;
	_ =	strace s9  }
0x27: {  	s1 =	sld [smem:$0x3FA7]  }
0x28: {  	s2 =	sld [smem:$0x3FA8]  }
0x29: {  	s4 =	sld [smem:$0x3FAA]  }
0x2a: {  	p0 =	seq.s32 s5, $0x0;
	s5 =	sld [smem:$0x3FAB]  }
0x2b: {  	s6 =	sld [smem:$0x3FAC]  }
0x2c: {  	s7 =	sld [smem:$0x3FAD]  }
0x2d: {  	s3 =	simm.s32 $0x108;
	s8 =	sld [smem:$0x3FAE]  }
0x2e: {  	s3 =	simm.s32 @!p0 $0x1082;
	s9 =	sld [smem:$0x3FAF]  }
0x2f: {  	lr =	sadd.s32 s0, s3;
	s0 =	sld [smem:$0x3FA6]  }
0x30: {  	s3 =	sld [smem:$0x3FA9]  }
0x31: {  	[smem:$0x3FB2] =	sst s10  }
0x32: {  	s10 =	sld [smem:$0x3FB0];
	_ =	sdelay $0x3  }
0x33: {  	p0 =	seq.s32 s10, $0x1;
	s10 =	sld [smem:$0x3FB2];
	_ =	sdelay $0x3  }
0x34: {  	[smem:$0x3FB2] =	sst s10  }
0x35: {  	s10 =	sld [smem:$0x3FB1];
	_ =	sdelay $0x3  }
0x36: {  	p1 =	seq.s32 s10, $0x1;
	s10 =	sld [smem:$0x3FB2];
	_ =	sdelay $0x3  }
0x37: {  	[smem:$0x3FB2] =	sst s10  }
0x38: {  	s10 =	sld [smem:$0x3FB3]  }
0x39: {  	_ = 	snop;
	(pc) =	sbr.ind lr, $3  }
0x3a: {  	_ = 	snop  }
0x3b: {  	_ = 	snop  }
0x3c: {  	p2 =	seq.s32 s10, $0x1;
	s10 =	sld [smem:$0x3FB2]  }
0x3d: {  	_ =	shalt  }
0x3e: {  	_ =	shalt  }
0x3f: {  	_ =	shalt  }
0x40: {  	_ =	shalt  }
0x41: {  	_ =	shalt  }
0x42: {  	_ =	shalt  }
0x43: {  	_ =	shalt  }
0x44: {  	_ =	shalt  }
0x45: {  	_ =	shalt  }
0x46: {  	_ =	shalt  }
0x47: {  	_ =	shalt  }
0x48: {  	_ =	shalt  }
0x49: {  	_ =	shalt  }
0x4a: {  	_ =	shalt  }
0x4b: {  	_ =	shalt  }
0x4c: {  	_ =	shalt  }
0x4d: {  	_ =	shalt  }
0x4e: {  	_ =	shalt  }
0x4f: {  	_ =	shalt  }
0x50: {  	_ =	shalt  }
0x51: {  	_ =	shalt  }
0x52: {  	_ =	shalt  }
0x53: {  	_ =	shalt  }
0x54: {  	_ =	shalt  }
0x55: {  	_ =	shalt  }
0x56: {  	_ =	shalt  }
0x57: {  	_ =	shalt  }
0x58: {  	_ =	shalt  }
0x59: {  	_ =	shalt  }
0x5a: {  	_ =	shalt  }
0x5b: {  	_ =	shalt  }
0x5c: {  	_ =	shalt  }
0x5d: {  	_ =	shalt  }
0x5e: {  	_ =	shalt  }
0x5f: {  	_ =	shalt  }
0x60: {  	_ =	shalt  }
0x61: {  	_ =	shalt  }
0x62: {  	_ =	shalt  }
0x63: {  	_ =	shalt  }
0x64: {  	_ =	shalt  }
0x65: {  	_ =	shalt  }
0x66: {  	_ =	shalt  }
0x67: {  	_ =	shalt  }
0x68: {  	_ =	shalt  }
0x69: {  	_ =	shalt  }
0x6a: {  	_ =	shalt  }
0x6b: {  	_ =	shalt  }
0x6c: {  	_ =	shalt  }
0x6d: {  	_ =	shalt  }
0x6e: {  	_ =	shalt  }
0x6f: {  	_ =	shalt  }
0x70: {  	_ =	shalt  }
0x71: {  	_ =	shalt  }
0x72: {  	_ =	shalt  }
0x73: {  	_ =	shalt  }
0x74: {  	_ =	shalt  }
0x75: {  	_ =	shalt  }
0x76: {  	_ =	shalt  }
0x77: {  	_ =	shalt  }
0x78: {  	_ =	shalt  }
0x79: {  	_ =	shalt  }
0x7a: {  	_ =	shalt  }
0x7b: {  	_ =	shalt  }
0x7c: {  	_ =	shalt  }
0x7d: {  	_ =	shalt  }
0x7e: {  	_ =	shalt  }
0x7f: {  	_ =	shalt  }
0x80: {  	_ =	shalt  }
0x81: {  	_ =	shalt  }
0x82: {  	_ =	shalt  }
0x83: {  	_ =	shalt  }
0x84: {  	_ =	shalt  }
0x85: {  	_ =	shalt  }
0x86: {  	_ =	shalt  }
0x87: {  	_ =	shalt  }
.Lfunc_end0:
.L_simem_size_0:
called_computation.2_lowered:
.L_overlay_start_0:
0x88: {  	s2 =	sld [smem:$0x3FD9]  }
0x89: {  	s3 =	sld [smem:$0x3FFE];
	_ =	sdelay $0x1  }
0x8a: {  	s1 =	srdreg.scid  }
0x8b: {  	s0 =	sand.u32 $0x1, s1  }
0x8c: {  	s16 =	sshll.u32 s0, $0xA;
	s2 =	sadd.s32 s3, s2  }
0x8d: {  	s2 =	sadd.s32 s2, s16  }
0x8e: {  	[smem:$0x3FBE] =	sst s2  }
0x8f: {  	_ = 	snop  }
0x90: {  	(tm) =	ssettm $0x1  }
0x91: {  	s17 =	sld [smem:$0x3FFB];
	_ =	sdelay $0x3  }
0x92: {  	_ =	strace s17  }
0x93: {  	s2 =	sld [smem:$0x3FFC];
	_ =	sdelay $0x3  }
0x94: {  	_ =	strace s2  }
0x95: {  	s2 =	sld [smem:$0x3FFD];
	_ =	sdelay $0x3  }
0x96: {  	_ =	strace s2  }
0x97: {  	_ =	strace $0x8FFFFFFF  }
0x98: {  	s18 =	sld [smem:$0x3FDB];
	_ =	sdelay $0x1  }
0x99: {  	s19 =	simm.s32 $_scs_section_size  }
0x9a: {  	s4 =	simm.s32 $_size__tile_overlayer_lowered;
	s5 =	simm.s32 $_tile_overlayer_lowered  }
0x9b: {  	s22 =	simm.s32 $0x1BFF;
	s21 =	sshll.u32 s5, $0x1;
	s2 =	sadd.s32 s19, s18  }
0x9c: {  	s6 =	simm.s32 $0x0;
	s20 =	sshll.u32 s4, $0x1;
	s4 =	sadd.s32 s21, s2  }
0x9d: {  	[timem:s6], [sflag:s22] =	dma.local [hbm:s4], s20  }
0x9e: {  	_ =	swait.ge [sflag:s22], s20  }
0x9f: {  	s3 =	ssub.s32 $0x0, s20;
	[sflag:s22] =	ssyncset.done $0x0  }
0xa0: {  	[sflag:s22] =	ssyncadd.s32 s3;
	_ =	sdelay $0x1  }
0xa1: {  	s23 =	simm.s32 $0x1B8B  }
0xa2: {  	_ =	swait.ge [sflag:s23], $0x1  }
0xa3: {  	[sflag:s23] =	ssyncset.done $0x0  }
0xa4: {  	s25 =	simm.s32 $0x1B8E;
	s24 =	sld [smem:$0x3FFE];
	[sflag:s23] =	ssyncadd.s32 $0xFFFFFFFF  }
0xa5: {  	s26 =	simm.s32 $execute0_lowered;
	[smem:$0x3FD2] =	sst s25  }
0xa6: {  	s4 =	sshll.u32 s26, $0x1;
	_ =	strace $0x8000004C;
	[dreg:$0x1] =	wrdreg $0xFFFFFFFF  }
0xa7: {  	s28 =	simm.s32 $_size_execute0_lowered;
	s2 =	sadd.s32 s2, s4;
	[dreg:$0x0] =	wrdreg $0x0  }
0xa8: {  	s4 =	sshll.u32 s28, $0x1;
	[dreg:$0x2] =	wrdreg s2  }
0xa9: {  	[dreg:$0x3] =	wrdreg s4  }
0xaa: {  	[dreg:$0x4] =	wrdreg $0xC0  }
0xab: {  	_ =	task [dreg:s6], $0x5FFFF  }
0xac: {  	[dreg:$0x1] =	wrdreg $0xFFFFFFFF  }
0xad: {  	[dreg:$0x0] =	wrdreg $0x60  }
0xae: {  	[dreg:$0x2] =	wrdreg s24  }
0xaf: {  	[dreg:$0x3] =	wrdreg $0x0  }
0xb0: {  	[dreg:$0x4] =	wrdreg $0x9  }
0xb1: {  	_ =	task.clear_ibuf [dreg:s6], $0x5FFFF;
	_ =	strace $0x9000004C  }
0xb2: {  	s29 =	simm.s32 $0x9;
	_ =	strace $0x8000004E  }
0xb3: {  	_ =	swait.ge [sflag:s29], $0x1  }
0xb4: {  	[sflag:s29] =	ssyncadd.s32 $0xFFFFFFFF  }
0xb5: {  	_ =	strace $0x9000004E  }
0xb6: {  	_ =	sfence  }
0xb7: {  	s30 =	sld [smem:$0x0];
	_ =	sdelay $0x2  }
0xb8: {  	s31 =	sshll.u32 s1, $0xD;
	s1 =	sshrl.u32 s1, $0x2  }
0xb9: {  	s3 =	sand.u32 $0x4000, s31;
	s1 =	sadd.s32 s1, s30  }
0xba: {  	s0 =	sor.u32 s3, s0;
	s1 =	sshll.u32 s1, $0x11  }
0xbb: {  	s0 =	sor.u32 s1, s0  }
0xbc: {  	s0 =	sadd.s32 $0x8F2B, s0  }
0xbd: {  	[sflag:s0] =	ssyncadd.remote.s32 $0x1  }
0xbe: {  	_ =	sfence.sel $0xFFFF  }
0xbf: {  	[dreg:$0x0] =	wrdreg $0xFFFFFFFF;
	(pc) =	sbr.abs _section_cstart, $3  }
0xc0: {  	[dreg:$0x1] =	wrdreg $0xFFFFFFFF  }
0xc1: {  	_ =	task.clear_ibuf [dreg:s6], $0x2FFFF;
	_ =	strace $0x9FFFFFFF  }
0xc2: {  	(tm) =	ssettm $0x7FFFFFFF  }
0xc3: {  	_ =	shalt  }
tec
execute0_lowered:
.L_overlay_start_1:
0x0: {  	(tag) =	ssettag $0x1  }
0x1: {  	s5 =	rddreg [dreg:$0x0]  }
0x2: {  	s2 =	rddreg [dreg:$0x1]  }
0x3: {  	s0 =	rddreg [dreg:$0x2]  }
0x4: {  	s3 =	simm.s32 $0x0;
	s1 =	stileid.u32;
	s4 =	srdreg.scid  }
0x5: {  	s16 =	simm.s32 $0x15400;
	s17 =	simm.s32 $0x80;
	s18 =	simm.s32 $0x16800  }
0x6: {  	s19 =	simm.s32 $0x1;
	s20 =	simm.s32 $0x1A800;
	s21 =	simm.s32 $0x2  }
0x7: {  	s22 =	simm.s32 $0x15380;
	[smem:$0x7FF] =	sst s3;
	s6 =	smul.u32 $0x2800, s1  }
0x8: {  	s7 =	sand.u32 $0x1, s4;
	s4 =	sadd.s32 $0x16600, s5;
	s9 =	sadd.s32 $0x2600, s5  }
0x9: {  	s10 =	sadd.s32 $0xC600, s5;
	s12 =	smul.u32 $0x50000, s1;
	s30 =	sshll.u32 s1, $0x6  }
0xa: {  	_ =	strace $0x8000004D;
	s8 =	smul.u32 $0x28000, s7;
	s23 =	sshll.u32 s7, $0x4  }
0xb: {  	s24 =	ssub.s32 $0x2, s7;
	s11 =	sadd.s32 s6, s5;
	s25 =	sor.u32 s1, s23  }
0xc: {  	s7 =	sshrl.u32 s24, $0x1;
	s26 =	sshrl.u32 s12, $0x2;
	s23 =	simm.s32 $0x16700  }
0xd: {  	s6 =	sadd.s32 s6, s8;
	s28 =	smul.u32 $0x2800, s25;
	s14 =	ssub.s32 s24, s7  }
0xe: {  	s15 =	sadd.s32 s26, s2;
	s29 =	smul.u32 $0x500, s25;
	s24 =	simm.s32 $0x16780  }
0xf: {  	s25 =	simm.s32 $0x0;
	s13 =	sadd.s32 s6, s5;
	s5 =	sadd.s32 $0x3E600, s11  }
0x10: {  	s6 =	sor.u32 $0x1C03, s30;
	s12 =	smax.u32 s14, $0x1;
	s31 =	sshrl.u32 s28, $0x3  }
0x11: {  	s14 =	simm.s32 $0x3;
	s7 =	sadd.s32 s9, s29;
	s11 =	sadd.s32 $0x280, s31  }
0x12: {  	s8 =	sadd.s32 s10, s29;
	s9 =	sadd.s32 s9, s11;
	s10 =	sadd.s32 s10, s11  }
0x13: {  	s11 =	sadd.s32 $0x66600, s13;
	s13 =	sshrl.u32 s15, $0x3;
	s15 =	simm.s32 $0x14000  }
.LBB2_1:
0x14: {  	[spmem:s13], [sflag:s6] =	dma.local [hbm:s5], $0x2800  }
0x15: {  	_ =	swait.ge [sflag:s14], $0x2800  }
0x16: {  	[sflag:s14] =	ssyncset.done $0x0  }
0x17: {  	[sflag:s14] =	ssyncadd.s32 $0xFFFFD800  }
0x18: {  	[bflag:$0x0] =	sbarrier.arrive $0xFFFF  }
0x19: {  	[tilespmem:s15], [sflag:$0x3] =	stream.linear.gather [hbm4b:s7+s3], $0x1400, $0x38;
	[tilespmem:$0x1E800] =	vst v63  }
0x1a: {  	_ =	swait.ge [sflag:s14], $0x1400  }
0x1b: {  	[sflag:s14] =	ssyncset.done $0x0  }
0x1c: {  	[sflag:s14] =	ssyncadd.s32 $0xFFFFEC00  }
0x1d: {  	[tilespmem:s16], [sflag:$0x3] =	stream.linear.gather [hbm4b:s8+s3], $0x1400, $0x38;
	[tilespmem:$0x1E800] =	vst v63  }
0x1e: {  	_ =	swait.ge [sflag:s14], $0x1400  }
0x1f: {  	[sflag:s14] =	ssyncset.done $0x0  }
0x20: {  	[sflag:s14] =	ssyncadd.s32 $0xFFFFEC00  }
0x21: {  	[tilespmem:s18], [sflag:$0x1] =	stream.indirect.gather [hbm4b:s4+s17], $0x80, s15, s17, $0xb8;
	[tilespmem:$0x1E800] =	vst v63  }
0x22: {  	_ =	swait.ge [sflag:s19], $0x4000  }
0x23: {  	[sflag:s19] =	ssyncset.done $0x0  }
0x24: {  	s26 =	simm.s32 $0x14080;
	[sflag:s19] =	ssyncadd.s32 $0xFFFFC000  }
0x25: {  	[tilespmem:s20], [sflag:$0x2] =	stream.indirect.gather [hbm4b:s4+s17], $0x80, s26, s17, $0xb8;
	[tilespmem:$0x1E800] =	vst v63  }
0x26: {  	s29 =	simm.s32 $0x15400  }
0x27: {  	[spmem:s2] =	stream.indirect.scatter.add.f32 [tilespmem:s18], [sflag:$0x3], $0x80, s29, s17, $0xb8;
	[tilespmem:$0x1E800] =	vst v63  }
0x28: {  	_ =	swait.ge [sflag:s14], $0x4000  }
0x29: {  	[sflag:s14] =	ssyncset.done $0x0  }
0x2a: {  	[sflag:s14] =	ssyncadd.s32 $0xFFFFC000  }
0x2b: {  	_ =	swait.ge [sflag:s21], $0x4000  }
0x2c: {  	[sflag:s21] =	ssyncset.done $0x0  }
0x2d: {  	s30 =	simm.s32 $0x14100;
	[sflag:s21] =	ssyncadd.s32 $0xFFFFC000  }
0x2e: {  	[tilespmem:s18], [sflag:$0x1] =	stream.indirect.gather [hbm4b:s4+s17], $0x80, s30, s17, $0xb8;
	[tilespmem:$0x1E800] =	vst v63  }
0x2f: {  	s31 =	simm.s32 $0x15480  }
0x30: {  	[spmem:s2] =	stream.indirect.scatter.add.f32 [tilespmem:s20], [sflag:$0x3], $0x80, s31, s17, $0xb8;
	[tilespmem:$0x1E800] =	vst v63  }
0x31: {  	_ =	swait.ge [sflag:s14], $0x4000  }
0x32: {  	s26 =	simm.s32 $0x400;
	[sflag:s14] =	ssyncset.done $0x0  }
.LBB2_2:
0x33: {  	p0 =	sne.s32 s26, $0x4800  }
0x34: {  	[sflag:s14] =	ssyncadd.s32 $0xFFFFC000;
	s28 =	smov.u32 s26;
	s26 =	sadd.s32 $0x400, s26  }
0x35: {  	_ = 	snop  }
0x36: {  	_ =	swait.ge [sflag:s19], $0x4000  }
0x37: {  	s28 =	sshra.s32 s28, $0x2;
	[sflag:s19] =	ssyncset.done $0x0  }
0x38: {  	s29 =	sadd.s32 $0x14080, s28;
	[sflag:s19] =	ssyncadd.s32 $0xFFFFC000  }
0x39: {  	[tilespmem:s20], [sflag:$0x2] =	stream.indirect.gather [hbm4b:s4+s17], $0x80, s29, s17, $0xb8;
	[tilespmem:$0x1E800] =	vst v63  }
0x3a: {  	s29 =	sadd.s32 $0x15400, s28  }
0x3b: {  	[spmem:s2] =	stream.indirect.scatter.add.f32 [tilespmem:s18], [sflag:$0x3], $0x80, s29, s17, $0xb8;
	[tilespmem:$0x1E800] =	vst v63  }
0x3c: {  	_ =	swait.ge [sflag:s14], $0x4000  }
0x3d: {  	[sflag:s14] =	ssyncset.done $0x0  }
0x3e: {  	[sflag:s14] =	ssyncadd.s32 $0xFFFFC000  }
0x3f: {  	_ =	swait.ge [sflag:s21], $0x4000  }
0x40: {  	[sflag:s21] =	ssyncset.done $0x0  }
0x41: {  	s29 =	sadd.s32 $0x14100, s28;
	[sflag:s21] =	ssyncadd.s32 $0xFFFFC000  }
0x42: {  	[tilespmem:s18], [sflag:$0x1] =	stream.indirect.gather [hbm4b:s4+s17], $0x80, s29, s17, $0xb8;
	[tilespmem:$0x1E800] =	vst v63  }
.Ltmp0:
0x43: {  	_ = 	snop;
	(pc) =	sbr.rel @p0 .LBB2_2-.Ltmp0, $4  }
0x44: {  	s28 =	sadd.s32 $0x15480, s28  }
0x45: {  	[spmem:s2] =	stream.indirect.scatter.add.f32 [tilespmem:s20], [sflag:$0x3], $0x80, s28, s17, $0xb8;
	[tilespmem:$0x1E800] =	vst v63  }
0x46: {  	_ =	swait.ge [sflag:s14], $0x4000  }
0x47: {  	[sflag:s14] =	ssyncset.done $0x0  }
0x48: {  	[sflag:s14] =	ssyncadd.s32 $0xFFFFC000  }
0x49: {  	_ =	swait.ge [sflag:s19], $0x4000  }
0x4a: {  	[sflag:s19] =	ssyncset.done $0x0  }
0x4b: {  	[sflag:s19] =	ssyncadd.s32 $0xFFFFC000  }
0x4c: {  	[tilespmem:s20], [sflag:$0x2] =	stream.indirect.gather [hbm4b:s4+s17], $0x80, s22, s17, $0xb8;
	[tilespmem:$0x1E800] =	vst v63  }
0x4d: {  	_ = 	snop  }
0x4e: {  	[spmem:s2] =	stream.indirect.scatter.add.f32 [tilespmem:s18], [sflag:$0x3], $0x80, s23, s17, $0xb8;
	[tilespmem:$0x1E800] =	vst v63  }
0x4f: {  	_ =	swait.ge [sflag:s14], $0x4000  }
0x50: {  	[sflag:s14] =	ssyncset.done $0x0  }
0x51: {  	[sflag:s14] =	ssyncadd.s32 $0xFFFFC000  }
0x52: {  	_ =	swait.ge [sflag:s21], $0x4000  }
0x53: {  	[sflag:s21] =	ssyncset.done $0x0  }
0x54: {  	[sflag:s21] =	ssyncadd.s32 $0xFFFFC000  }
0x55: {  	[tilespmem:s18], [sflag:$0x1] =	stream.indirect.gather [hbm4b:s4+s17], $0x80, s22, s17, $0xb8;
	[tilespmem:$0x1E800] =	vst v63  }
0x56: {  	_ = 	snop  }
0x57: {  	[spmem:s2] =	stream.indirect.scatter.add.f32 [tilespmem:s20], [sflag:$0x3], $0x80, s24, s17, $0xb8;
	[tilespmem:$0x1E800] =	vst v63  }
0x58: {  	_ =	swait.ge [sflag:s14], $0x4000  }
0x59: {  	[sflag:s14] =	ssyncset.done $0x0  }
0x5a: {  	[sflag:s14] =	ssyncadd.s32 $0xFFFFC000  }
0x5b: {  	_ =	swait.ge [sflag:s19], $0x4000  }
0x5c: {  	[sflag:s19] =	ssyncset.done $0x0  }
0x5d: {  	s26 =	simm.s32 $0x0;
	[sflag:s19] =	ssyncadd.s32 $0xFFFFC000  }
0x5e: {  	[tilespmem:s15], [sflag:$0x3] =	stream.linear.gather [hbm4b:s9+s26], $0x1400, $0x38;
	[tilespmem:$0x1E800] =	vst v63  }
0x5f: {  	_ =	swait.ge [sflag:s14], $0x1400  }
0x60: {  	[sflag:s14] =	ssyncset.done $0x0  }
0x61: {  	[sflag:s14] =	ssyncadd.s32 $0xFFFFEC00  }
0x62: {  	[tilespmem:s16], [sflag:$0x3] =	stream.linear.gather [hbm4b:s10+s26], $0x1400, $0x38;
	[tilespmem:$0x1E800] =	vst v63  }
0x63: {  	_ =	swait.ge [sflag:s14], $0x1400  }
0x64: {  	[sflag:s14] =	ssyncset.done $0x0  }
0x65: {  	[sflag:s14] =	ssyncadd.s32 $0xFFFFEC00  }
0x66: {  	[tilespmem:s18], [sflag:$0x1] =	stream.indirect.gather [hbm4b:s4+s17], $0x80, s15, s17, $0xb8;
	[tilespmem:$0x1E800] =	vst v63  }
0x67: {  	_ =	swait.ge [sflag:s19], $0x4000  }
0x68: {  	[sflag:s19] =	ssyncset.done $0x0  }
0x69: {  	s28 =	simm.s32 $0x14080;
	[sflag:s19] =	ssyncadd.s32 $0xFFFFC000  }
0x6a: {  	[tilespmem:s20], [sflag:$0x2] =	stream.indirect.gather [hbm4b:s4+s17], $0x80, s28, s17, $0xb8;
	[tilespmem:$0x1E800] =	vst v63  }
0x6b: {  	s29 =	simm.s32 $0x15400  }
0x6c: {  	[spmem:s2] =	stream.indirect.scatter.add.f32 [tilespmem:s18], [sflag:$0x3], $0x80, s29, s17, $0xb8;
	[tilespmem:$0x1E800] =	vst v63  }
0x6d: {  	_ =	swait.ge [sflag:s14], $0x4000  }
0x6e: {  	[sflag:s14] =	ssyncset.done $0x0  }
0x6f: {  	[sflag:s14] =	ssyncadd.s32 $0xFFFFC000  }
0x70: {  	_ =	swait.ge [sflag:s21], $0x4000  }
0x71: {  	[sflag:s21] =	ssyncset.done $0x0  }
0x72: {  	s30 =	simm.s32 $0x14100;
	[sflag:s21] =	ssyncadd.s32 $0xFFFFC000  }
0x73: {  	[tilespmem:s18], [sflag:$0x1] =	stream.indirect.gather [hbm4b:s4+s17], $0x80, s30, s17, $0xb8;
	[tilespmem:$0x1E800] =	vst v63  }
0x74: {  	s31 =	simm.s32 $0x15480  }
0x75: {  	[spmem:s2] =	stream.indirect.scatter.add.f32 [tilespmem:s20], [sflag:$0x3], $0x80, s31, s17, $0xb8;
	[tilespmem:$0x1E800] =	vst v63  }
0x76: {  	_ =	swait.ge [sflag:s14], $0x4000  }
0x77: {  	s26 =	simm.s32 $0x400;
	[sflag:s14] =	ssyncset.done $0x0  }
.LBB2_4:
0x78: {  	p0 =	sne.s32 s26, $0x4800  }
0x79: {  	[sflag:s14] =	ssyncadd.s32 $0xFFFFC000;
	s28 =	smov.u32 s26;
	s26 =	sadd.s32 $0x400, s26  }
0x7a: {  	_ = 	snop  }
0x7b: {  	_ =	swait.ge [sflag:s19], $0x4000  }
0x7c: {  	s28 =	sshra.s32 s28, $0x2;
	[sflag:s19] =	ssyncset.done $0x0  }
0x7d: {  	s29 =	sadd.s32 $0x14080, s28;
	[sflag:s19] =	ssyncadd.s32 $0xFFFFC000  }
0x7e: {  	[tilespmem:s20], [sflag:$0x2] =	stream.indirect.gather [hbm4b:s4+s17], $0x80, s29, s17, $0xb8;
	[tilespmem:$0x1E800] =	vst v63  }
0x7f: {  	s29 =	sadd.s32 $0x15400, s28  }
0x80: {  	[spmem:s2] =	stream.indirect.scatter.add.f32 [tilespmem:s18], [sflag:$0x3], $0x80, s29, s17, $0xb8;
	[tilespmem:$0x1E800] =	vst v63  }
0x81: {  	_ =	swait.ge [sflag:s14], $0x4000  }
0x82: {  	[sflag:s14] =	ssyncset.done $0x0  }
0x83: {  	[sflag:s14] =	ssyncadd.s32 $0xFFFFC000  }
0x84: {  	_ =	swait.ge [sflag:s21], $0x4000  }
0x85: {  	[sflag:s21] =	ssyncset.done $0x0  }
0x86: {  	s29 =	sadd.s32 $0x14100, s28;
	[sflag:s21] =	ssyncadd.s32 $0xFFFFC000  }
0x87: {  	[tilespmem:s18], [sflag:$0x1] =	stream.indirect.gather [hbm4b:s4+s17], $0x80, s29, s17, $0xb8;
	[tilespmem:$0x1E800] =	vst v63  }
.Ltmp1:
0x88: {  	_ = 	snop;
	(pc) =	sbr.rel @p0 .LBB2_4-.Ltmp1, $4  }
0x89: {  	s28 =	sadd.s32 $0x15480, s28  }
0x8a: {  	[spmem:s2] =	stream.indirect.scatter.add.f32 [tilespmem:s20], [sflag:$0x3], $0x80, s28, s17, $0xb8;
	[tilespmem:$0x1E800] =	vst v63  }
0x8b: {  	_ =	swait.ge [sflag:s14], $0x4000  }
0x8c: {  	[sflag:s14] =	ssyncset.done $0x0  }
0x8d: {  	[sflag:s14] =	ssyncadd.s32 $0xFFFFC000  }
0x8e: {  	_ =	swait.ge [sflag:s19], $0x4000  }
0x8f: {  	[sflag:s19] =	ssyncset.done $0x0  }
0x90: {  	[sflag:s19] =	ssyncadd.s32 $0xFFFFC000  }
0x91: {  	[tilespmem:s20], [sflag:$0x2] =	stream.indirect.gather [hbm4b:s4+s17], $0x80, s22, s17, $0xb8;
	[tilespmem:$0x1E800] =	vst v63  }
0x92: {  	_ = 	snop  }
0x93: {  	[spmem:s2] =	stream.indirect.scatter.add.f32 [tilespmem:s18], [sflag:$0x3], $0x80, s23, s17, $0xb8;
	[tilespmem:$0x1E800] =	vst v63  }
0x94: {  	_ =	swait.ge [sflag:s14], $0x4000  }
0x95: {  	[sflag:s14] =	ssyncset.done $0x0  }
0x96: {  	[sflag:s14] =	ssyncadd.s32 $0xFFFFC000  }
0x97: {  	_ =	swait.ge [sflag:s21], $0x4000  }
0x98: {  	[sflag:s21] =	ssyncset.done $0x0  }
0x99: {  	[sflag:s21] =	ssyncadd.s32 $0xFFFFC000  }
0x9a: {  	[tilespmem:s18], [sflag:$0x1] =	stream.indirect.gather [hbm4b:s4+s17], $0x80, s22, s17, $0xb8;
	[tilespmem:$0x1E800] =	vst v63  }
0x9b: {  	_ = 	snop  }
0x9c: {  	[spmem:s2] =	stream.indirect.scatter.add.f32 [tilespmem:s20], [sflag:$0x3], $0x80, s24, s17, $0xb8;
	[tilespmem:$0x1E800] =	vst v63  }
0x9d: {  	_ =	swait.ge [sflag:s14], $0x4000  }
0x9e: {  	[sflag:s14] =	ssyncset.done $0x0  }
0x9f: {  	[sflag:s14] =	ssyncadd.s32 $0xFFFFC000  }
0xa0: {  	_ =	swait.ge [sflag:s19], $0x4000  }
0xa1: {  	s25 =	sadd.s32 $0x1, s25;
	[sflag:s19] =	ssyncset.done $0x0  }
0xa2: {  	p0 =	sne.s32 s25, s12;
	[sflag:s19] =	ssyncadd.s32 $0xFFFFC000  }
.Ltmp2:
0xa3: {  	[bflag:$0x0] =	sbarrier.arrive $0xFFFF;
	(pc) =	sbr.rel @p0 .LBB2_1-.Ltmp2, $4  }
0xa4: {  	[hbm:s11], [sflag:s6] =	dma.local [spmem:s13], $0x2800  }
0xa5: {  	_ =	swait.ge [sflag:s14], $0x2800  }
0xa6: {  	[sflag:s14] =	ssyncset.done $0x0  }
0xa7: {  	[sflag:s14] =	ssyncadd.s32 $0xFFFFD800  }
0xa8: {  	_ =	sfence.sel $0x180000  }
0xa9: {  	[bflag:$0x0] =	sbarrier.arrive $0xFFFF  }
0xaa: {  	p0 =	sne.s32 s1, $0x0;
	_ =	strace $0x9000004D  }
0xab: {  	s0 =	sadd.s32 @!p0 $0x100000, s0;
	[bflag:$0x2] =	sbarrier.arrive $0xFFFF  }
0xac: {  	[sflag:s0] =	ssyncadd.tile.s32 @!p0 $0x1;
	_ =	shalt  }
.Lfunc_end2:
_tile_overlayer_lowered:
.L_overlay_start_2:
0xad: {  	(tag) =	ssettag $0x2  }
0xae: {  	s0 =	rddreg [dreg:$0x0];
	s2 =	stileid.u32  }
0xaf: {  	s1 =	rddreg [dreg:$0x1];
	p0 =	sne.s32 s2, $0x0  }
0xb0: {  	s3 =	rddreg [dreg:$0x2];
	[bflag:$0x3] =	sbarrier.arrive $0xFFFF;
	s2 =	simm.s32 @!p0 $0x1C03  }
0xb1: {  	[timem:s3], [sflag:s2] =	dma.local @!p0 [hbm:s0], s1  }
0xb2: {  	s0 =	simm.s32 @!p0 $0x3  }
0xb3: {  	_ =	swait.ge @!p0 [sflag:s0], s1  }
0xb4: {  	s1 =	ssub.s32 @!p0 $0x0, s1;
	[sflag:s0] =	ssyncset.done @!p0 $0x0  }
0xb5: {  	[sflag:s0] =	ssyncadd.s32 @!p0 s1  }
0xb6: {  	[bflag:$0x3] =	sbarrier.arrive $0xFFFF  }
0xb7: {  	_ =	shalt  }

// kernel: kernel.19.cloned.1.call-start
scs
__scs_entry_jumppad:
0x0: {  	(pc) =	sbr.rel $0x88, $3  }
0x1: {  	(tag) =	ssettag $0x0;
	lr =	simm.s32 $0x1  }
0x2: {  	[smem:$0x3F97] =	sst lr;
	_ =	strace $0xD0000000  }
0x3: {  	_ = 	snop  }
0x4: {  	_ = 	snop  }
0x5: {  	_ = 	snop  }
0x6: {  	_ = 	snop  }
0x7: {  	_ = 	snop  }
__scs_overlays_trampoline_lowered:
0x8: {  	[smem:$0x3FA6] =	sst s0  }
0x9: {  	[smem:$0x3FA7] =	sst s1  }
0xa: {  	[smem:$0x3FA8] =	sst s2  }
0xb: {  	[smem:$0x3FA9] =	sst s3  }
0xc: {  	[smem:$0x3FAA] =	sst s4  }
0xd: {  	[smem:$0x3FAB] =	sst s5  }
0xe: {  	[smem:$0x3FAC] =	sst s6  }
0xf: {  	[smem:$0x3FAD] =	sst s7  }
0x10: {  	[smem:$0x3FAE] =	sst s8  }
0x11: {  	[smem:$0x3FAF] =	sst s9;
	s0 =	simm.s32 @!p0 $0x0  }
0x12: {  	s1 =	sld [smem:$0x3F95];
	s0 =	simm.s32 @p0 $0x1  }
0x13: {  	[smem:$0x3FB0] =	sst s0;
	s0 =	simm.s32 @!p1 $0x0  }
0x14: {  	s2 =	sld [smem:$0x3F94];
	s0 =	simm.s32 @p1 $0x1  }
0x15: {  	[smem:$0x3FB1] =	sst s0;
	s0 =	simm.s32 @!p2 $0x0  }
0x16: {  	s3 =	sld [smem:$0x3FDB];
	s0 =	simm.s32 @p2 $0x1  }
0x17: {  	s4 =	simm.s32 $0x1BF5;
	[smem:$0x3FB3] =	sst s0  }
0x18: {  	s0 =	sld [smem:$0x3F96];
	_ =	swait.ge [sflag:s4], $0x0  }
0x19: {  	s7 =	sld [smem:$0x3F97]  }
0x1a: {  	s8 =	sadd.s32 $0xFFFFE003, lr  }
0x1b: {  	s9 =	sadd.s32 $0xFFFFFEF7, lr;
	s5 =	simm.s32 $0xFFFFFFFF;
	p2 =	slt.u32 s8, $0xFFFFF086  }
0x1c: {  	p1 =	slt.u32 s9, $0xF7A;
	s5 =	simm.s32 @!p2 $0x0  }
0x1d: {  	s5 =	simm.s32 @p1 $0x1;
	p0 =	seq.s32 s7, s2  }
0x1e: {  	s7 =	smul.u32 @!p0 $0xF7A, s2;
	p2 =	seq.s32 @!p0 s5, $0x0  }
0x1f: {  	s9 =	smul.u32 $0xF7A, s1;
	s8 =	simm.s32 @!p0 $0x1BF5;
	p2 =	por !p2, p0  }
0x20: {  	[sflag:s8] =	ssyncset.s32 @!p0 $0xFFFFF086;
	s6 =	sadd.s32 @!p0 s3, s7;
	s7 =	simm.s32 @!p0 $0x108  }
0x21: {  	s3 =	sadd.s32 s3, s9;
	s6 =	sadd.s32 @!p0 $0x88, s6;
	s7 =	simm.s32 @p2 $0x1082  }
0x22: {  	[simem:s7], [sflag:s8] =	dma.local @!p0 [hbm:s6], $0xF7A  }
0x23: {  	s9 =	sor.u32 $0xD0000000, s2;
	s6 =	simm.s32 $0x108;
	_ =	swait.ge @!p0 [sflag:s8], $0x0  }
0x24: {  	s3 =	sadd.s32 $0x88, s3;
	s6 =	simm.s32 @!p1 $0x1082;
	[sflag:s4] =	ssyncset.s32 $0xFFFFF086  }
0x25: {  	[simem:s6], [sflag:s4] =	dma.local [hbm:s3], $0xF7A  }
0x26: {  	[smem:$0x3F97] =	sst s1;
	(tag) =	ssettag s2;
	_ =	strace s9  }
0x27: {  	s1 =	sld [smem:$0x3FA7]  }
0x28: {  	s2 =	sld [smem:$0x3FA8]  }
0x29: {  	s4 =	sld [smem:$0x3FAA]  }
0x2a: {  	p0 =	seq.s32 s5, $0x0;
	s5 =	sld [smem:$0x3FAB]  }
0x2b: {  	s6 =	sld [smem:$0x3FAC]  }
0x2c: {  	s7 =	sld [smem:$0x3FAD]  }
0x2d: {  	s3 =	simm.s32 $0x108;
	s8 =	sld [smem:$0x3FAE]  }
0x2e: {  	s3 =	simm.s32 @!p0 $0x1082;
	s9 =	sld [smem:$0x3FAF]  }
0x2f: {  	lr =	sadd.s32 s0, s3;
	s0 =	sld [smem:$0x3FA6]  }
0x30: {  	s3 =	sld [smem:$0x3FA9]  }
0x31: {  	[smem:$0x3FB2] =	sst s10  }
0x32: {  	s10 =	sld [smem:$0x3FB0];
	_ =	sdelay $0x3  }
0x33: {  	p0 =	seq.s32 s10, $0x1;
	s10 =	sld [smem:$0x3FB2];
	_ =	sdelay $0x3  }
0x34: {  	[smem:$0x3FB2] =	sst s10  }
0x35: {  	s10 =	sld [smem:$0x3FB1];
	_ =	sdelay $0x3  }
0x36: {  	p1 =	seq.s32 s10, $0x1;
	s10 =	sld [smem:$0x3FB2];
	_ =	sdelay $0x3  }
0x37: {  	[smem:$0x3FB2] =	sst s10  }
0x38: {  	s10 =	sld [smem:$0x3FB3]  }
0x39: {  	_ = 	snop;
	(pc) =	sbr.ind lr, $3  }
0x3a: {  	_ = 	snop  }
0x3b: {  	_ = 	snop  }
0x3c: {  	p2 =	seq.s32 s10, $0x1;
	s10 =	sld [smem:$0x3FB2]  }
0x3d: {  	_ =	shalt  }
0x3e: {  	_ =	shalt  }
0x3f: {  	_ =	shalt  }
0x40: {  	_ =	shalt  }
0x41: {  	_ =	shalt  }
0x42: {  	_ =	shalt  }
0x43: {  	_ =	shalt  }
0x44: {  	_ =	shalt  }
0x45: {  	_ =	shalt  }
0x46: {  	_ =	shalt  }
0x47: {  	_ =	shalt  }
0x48: {  	_ =	shalt  }
0x49: {  	_ =	shalt  }
0x4a: {  	_ =	shalt  }
0x4b: {  	_ =	shalt  }
0x4c: {  	_ =	shalt  }
0x4d: {  	_ =	shalt  }
0x4e: {  	_ =	shalt  }
0x4f: {  	_ =	shalt  }
0x50: {  	_ =	shalt  }
0x51: {  	_ =	shalt  }
0x52: {  	_ =	shalt  }
0x53: {  	_ =	shalt  }
0x54: {  	_ =	shalt  }
0x55: {  	_ =	shalt  }
0x56: {  	_ =	shalt  }
0x57: {  	_ =	shalt  }
0x58: {  	_ =	shalt  }
0x59: {  	_ =	shalt  }
0x5a: {  	_ =	shalt  }
0x5b: {  	_ =	shalt  }
0x5c: {  	_ =	shalt  }
0x5d: {  	_ =	shalt  }
0x5e: {  	_ =	shalt  }
0x5f: {  	_ =	shalt  }
0x60: {  	_ =	shalt  }
0x61: {  	_ =	shalt  }
0x62: {  	_ =	shalt  }
0x63: {  	_ =	shalt  }
0x64: {  	_ =	shalt  }
0x65: {  	_ =	shalt  }
0x66: {  	_ =	shalt  }
0x67: {  	_ =	shalt  }
0x68: {  	_ =	shalt  }
0x69: {  	_ =	shalt  }
0x6a: {  	_ =	shalt  }
0x6b: {  	_ =	shalt  }
0x6c: {  	_ =	shalt  }
0x6d: {  	_ =	shalt  }
0x6e: {  	_ =	shalt  }
0x6f: {  	_ =	shalt  }
0x70: {  	_ =	shalt  }
0x71: {  	_ =	shalt  }
0x72: {  	_ =	shalt  }
0x73: {  	_ =	shalt  }
0x74: {  	_ =	shalt  }
0x75: {  	_ =	shalt  }
0x76: {  	_ =	shalt  }
0x77: {  	_ =	shalt  }
0x78: {  	_ =	shalt  }
0x79: {  	_ =	shalt  }
0x7a: {  	_ =	shalt  }
0x7b: {  	_ =	shalt  }
0x7c: {  	_ =	shalt  }
0x7d: {  	_ =	shalt  }
0x7e: {  	_ =	shalt  }
0x7f: {  	_ =	shalt  }
0x80: {  	_ =	shalt  }
0x81: {  	_ =	shalt  }
0x82: {  	_ =	shalt  }
0x83: {  	_ =	shalt  }
0x84: {  	_ =	shalt  }
0x85: {  	_ =	shalt  }
0x86: {  	_ =	shalt  }
0x87: {  	_ =	shalt  }
.Lfunc_end0:
.L_simem_size_0:
called_computation.3_lowered:
.L_overlay_start_0:
0x88: {  	s2 =	sld [smem:$0x3FD9]  }
0x89: {  	s3 =	sld [smem:$0x3FFE];
	_ =	sdelay $0x1  }
0x8a: {  	s1 =	srdreg.scid  }
0x8b: {  	s0 =	sand.u32 $0x1, s1  }
0x8c: {  	s16 =	sshll.u32 s0, $0xA;
	s2 =	sadd.s32 s3, s2  }
0x8d: {  	s2 =	sadd.s32 s2, s16  }
0x8e: {  	[smem:$0x3FBE] =	sst s2  }
0x8f: {  	_ = 	snop  }
0x90: {  	(tm) =	ssettm $0x1  }
0x91: {  	s17 =	sld [smem:$0x3FFB];
	_ =	sdelay $0x3  }
0x92: {  	_ =	strace s17  }
0x93: {  	s2 =	sld [smem:$0x3FFC];
	_ =	sdelay $0x3  }
0x94: {  	_ =	strace s2  }
0x95: {  	s2 =	sld [smem:$0x3FFD];
	_ =	sdelay $0x3  }
0x96: {  	_ =	strace s2  }
0x97: {  	_ =	strace $0x8FFFFFFF  }
0x98: {  	s18 =	sld [smem:$0x3FDB];
	_ =	sdelay $0x1  }
0x99: {  	s19 =	simm.s32 $_scs_section_size  }
0x9a: {  	s4 =	simm.s32 $_size__tile_overlayer_lowered;
	s5 =	simm.s32 $_tile_overlayer_lowered  }
0x9b: {  	s22 =	simm.s32 $0x1BFF;
	s21 =	sshll.u32 s5, $0x1;
	s2 =	sadd.s32 s19, s18  }
0x9c: {  	s6 =	simm.s32 $0x0;
	s20 =	sshll.u32 s4, $0x1;
	s4 =	sadd.s32 s21, s2  }
0x9d: {  	[timem:s6], [sflag:s22] =	dma.local [hbm:s4], s20  }
0x9e: {  	_ =	swait.ge [sflag:s22], s20  }
0x9f: {  	s3 =	ssub.s32 $0x0, s20;
	[sflag:s22] =	ssyncset.done $0x0  }
0xa0: {  	[sflag:s22] =	ssyncadd.s32 s3;
	_ =	sdelay $0x1  }
0xa1: {  	s23 =	simm.s32 $0x1B8B  }
0xa2: {  	_ =	swait.ge [sflag:s23], $0x1  }
0xa3: {  	[sflag:s23] =	ssyncset.done $0x0  }
0xa4: {  	s25 =	simm.s32 $0x1B8E;
	s24 =	sld [smem:$0x3FFE];
	[sflag:s23] =	ssyncadd.s32 $0xFFFFFFFF  }
0xa5: {  	s26 =	simm.s32 $execute0_lowered;
	[smem:$0x3FD2] =	sst s25  }
0xa6: {  	s4 =	sshll.u32 s26, $0x1;
	_ =	strace $0x8000004F;
	[dreg:$0x1] =	wrdreg $0xFFFFFFFF  }
0xa7: {  	s28 =	simm.s32 $_size_execute0_lowered;
	s2 =	sadd.s32 s2, s4;
	[dreg:$0x0] =	wrdreg $0x0  }
0xa8: {  	s4 =	sshll.u32 s28, $0x1;
	[dreg:$0x2] =	wrdreg s2  }
0xa9: {  	[dreg:$0x3] =	wrdreg s4  }
0xaa: {  	[dreg:$0x4] =	wrdreg $0xC0  }
0xab: {  	_ =	task [dreg:s6], $0x5FFFF  }
0xac: {  	[dreg:$0x1] =	wrdreg $0xFFFFFFFF  }
0xad: {  	[dreg:$0x0] =	wrdreg $0x60  }
0xae: {  	[dreg:$0x2] =	wrdreg s24  }
0xaf: {  	[dreg:$0x3] =	wrdreg $0x9  }
0xb0: {  	_ =	task.clear_ibuf [dreg:s6], $0x4FFFF;
	_ =	strace $0x9000004F  }
0xb1: {  	s29 =	simm.s32 $0x9;
	_ =	strace $0x80000051  }
0xb2: {  	_ =	swait.ge [sflag:s29], $0x1  }
0xb3: {  	[sflag:s29] =	ssyncadd.s32 $0xFFFFFFFF  }
0xb4: {  	_ =	strace $0x90000051  }
0xb5: {  	_ =	sfence  }
0xb6: {  	s30 =	sld [smem:$0x0];
	_ =	sdelay $0x2  }
0xb7: {  	s31 =	sshll.u32 s1, $0xD;
	s1 =	sshrl.u32 s1, $0x2  }
0xb8: {  	s3 =	sand.u32 $0x4000, s31;
	s1 =	sadd.s32 s1, s30  }
0xb9: {  	s0 =	sor.u32 s3, s0;
	s1 =	sshll.u32 s1, $0x11  }
0xba: {  	s0 =	sor.u32 s1, s0  }
0xbb: {  	s0 =	sadd.s32 $0x8F2B, s0  }
0xbc: {  	[sflag:s0] =	ssyncadd.remote.s32 $0x1  }
0xbd: {  	_ =	sfence.sel $0xFFFF  }
0xbe: {  	[dreg:$0x0] =	wrdreg $0xFFFFFFFF;
	(pc) =	sbr.abs _section_cstart, $3  }
0xbf: {  	[dreg:$0x1] =	wrdreg $0xFFFFFFFF  }
0xc0: {  	_ =	task.clear_ibuf [dreg:s6], $0x2FFFF;
	_ =	strace $0x9FFFFFFF  }
0xc1: {  	(tm) =	ssettm $0x7FFFFFFF  }
tec
execute0_lowered:
.L_overlay_start_1:
0x0: {  	(tag) =	ssettag $0x1  }
0x1: {  	s0 =	srdreg.scid  }
0x2: {  	s4 =	rddreg [dreg:$0x0];
	s1 =	stileid.u32  }
0x3: {  	s2 =	simm.s32 $0x0;
	s10 =	simm.s32 $0x5;
	s11 =	simm.s32 $0x2800  }
0x4: {  	s12 =	simm.s32 $0x80;
	s13 =	simm.s32 $0x5000;
	s14 =	simm.s32 $0x9000  }
0x5: {  	s15 =	simm.s32 $0x1;
	s16 =	simm.s32 $0xD000;
	s17 =	simm.s32 $0x11000  }
0x6: {  	s18 =	simm.s32 $0x15000;
	s19 =	simm.s32 $0x2;
	s20 =	simm.s32 $0x19000  }
0x7: {  	s21 =	simm.s32 $0x3;
	s22 =	simm.s32 $0x4;
	s3 =	sand.u32 $0x1, s0  }
0x8: {  	s23 =	simm.s32 $0x0;
	s5 =	sshll.u32 s3, $0x4;
	s6 =	ssub.s32 $0x2, s3  }
0x9: {  	s0 =	rddreg [dreg:$0x1];
	s8 =	sor.u32 s1, s5;
	s31 =	sshrl.u32 s6, $0x1  }
0xa: {  	[smem:$0x7FF] =	sst s2;
	s5 =	smul.u32 $0x500, s8;
	s9 =	ssub.s32 s6, s31  }
0xb: {  	_ =	strace $0x80000050;
	s3 =	sadd.s32 $0x16600, s4;
	s9 =	smax.u32 s9, $0x1  }
0xc: {  	s7 =	sadd.s32 s5, s4;
	s4 =	sadd.s32 $0x3E600, s4;
	s5 =	smul.u32 $0x2800, s8  }
0xd: {  	s8 =	smul.u32 $0x140000, s8;
	s6 =	sadd.s32 $0x2600, s7;
	s7 =	sadd.s32 $0xC600, s7  }
.LBB2_1:
0xe: {  	[tilespmem:s2], [sflag:$0x5] =	stream.linear.gather [hbm4b:s6+s2], $0x2800, $0x38;
	[tilespmem:$0x1D000] =	vst v63  }
0xf: {  	_ =	swait.ge [sflag:s10], $0x2800  }
0x10: {  	[sflag:s10] =	ssyncset.done $0x0  }
0x11: {  	[sflag:s10] =	ssyncadd.s32 $0xFFFFD800  }
0x12: {  	[tilespmem:s11], [sflag:$0x5] =	stream.linear.gather [hbm4b:s7+s2], $0x2800, $0x38;
	[tilespmem:$0x1D000] =	vst v63  }
0x13: {  	_ =	swait.ge [sflag:s10], $0x2800  }
0x14: {  	[sflag:s10] =	ssyncset.done $0x0  }
0x15: {  	[sflag:s10] =	ssyncadd.s32 $0xFFFFD800  }
0x16: {  	[tilespmem:s13], [sflag:$0x1] =	stream.indirect.gather [hbm4b:s3+s12], $0x80, s2, s12, $0xb8;
	[tilespmem:$0x1D000] =	vst v63  }
0x17: {  	s24 =	simm.s32 $0x0  }
0x18: {  	[tilespmem:s14], [sflag:$0x1] =	stream.indirect.gather [hbm4b:s3+s12], $0x80, s11, s12, $0xb8;
	[tilespmem:$0x1D000] =	vst v63  }
.LBB2_2:
0x19: {  	_ =	swait.ge [sflag:s15], $0x4000  }
0x1a: {  	[sflag:s15] =	ssyncset.done $0x0  }
0x1b: {  	[sflag:s15] =	ssyncadd.s32 $0xFFFFC000  }
0x1c: {  	_ =	swait.ge [sflag:s15], $0x4000  }
0x1d: {  	s26 =	sshll.u32 s24, $0x8;
	[sflag:s15] =	ssyncset.done $0x0  }
0x1e: {  	s25 =	sor.u32 $0x80, s26;
	[sflag:s15] =	ssyncadd.s32 $0xFFFFC000  }
0x1f: {  	[tilespmem:s16], [sflag:$0x2] =	stream.indirect.gather [hbm4b:s3+s12], $0x80, s25, s12, $0xb8;
	[tilespmem:$0x1D000] =	vst v63  }
0x20: {  	p0 =	seq.s32 s24, $0x0;
	s26 =	sadd.s32 $0x2880, s26  }
0x21: {  	[tilespmem:s17], [sflag:$0x2] =	stream.indirect.gather [hbm4b:s3+s12], $0x80, s26, s12, $0xb8;
	[tilespmem:$0x1D000] =	vst v63  }
0x22: {  	s26 =	simm.s32 @!p0 $0x3  }
0x23: {  	_ =	swait.ge @!p0 [sflag:s26], $0x4000  }
0x24: {  	[sflag:s26] =	ssyncset.done @!p0 $0x0  }
0x25: {  	s28 =	simm.s32 $0x0;
	[sflag:s26] =	ssyncadd.s32 @!p0 $0xFFFFC000  }
0x26: {  	v0 =	vld [tilespmem:s28+$0x5070]  }
0x27: {  	v1 =	vld [tilespmem:s28+$0x9070]  }
0x28: {  	v2 =	vld [tilespmem:s28+$0x5000]  }
0x29: {  	v3 =	vld [tilespmem:s28+$0x9000]  }
0x2a: {  	v4 =	vld [tilespmem:s28+$0x5010]  }
0x2b: {  	v5 =	vld [tilespmem:s28+$0x9010]  }
0x2c: {  	v6 =	vld [tilespmem:s28+$0x5020]  }
0x2d: {  	v7 =	vld [tilespmem:s28+$0x9020];
	v0 =	vadd.f32 v1, v0  }
0x2e: {  	v8 =	vld [tilespmem:s28+$0x5030]  }
0x2f: {  	v1 =	vadd.f32 v3, v2;
	v2 =	vld [tilespmem:s28+$0x9030];
	v0 =	vmul.f32 $5.000000000e-01, v0  }
0x30: {  	v9 =	vld [tilespmem:s28+$0x5040]  }
0x31: {  	v10 =	vld [tilespmem:s28+$0x9040];
	v1 =	vmul.f32 $5.000000000e-01, v1;
	[tilespmem:s28+$0x15070] =	vst v0;
	v0 =	vadd.f32 v5, v4  }
0x32: {  	v3 =	vld [tilespmem:s28+$0x9050];
	v4 =	vadd.f32 v7, v6  }
0x33: {  	[tilespmem:s28+$0x15000] =	vst v1;
	v1 =	vld [tilespmem:s28+$0x5050];
	v0 =	vmul.f32 $5.000000000e-01, v0  }
0x34: {  	v6 =	vadd.f32 v2, v8;
	v5 =	vmul.f32 $5.000000000e-01, v4;
	v4 =	vld [tilespmem:s28+$0x9060]  }
0x35: {  	s29 =	simm.s32 $0x80;
	s31 =	sshll.u32 s24, $0x1;
	[tilespmem:s28+$0x15010] =	vst v0;
	v0 =	vld [tilespmem:s28+$0x5060]  }
0x36: {  	s30 =	simm.s32 $0x400;
	s26 =	smin.u32 s31, $0x4D;
	v2 =	vld [tilespmem:s29+$0x5070];
	[tilespmem:s28+$0x15020] =	vst v5;
	v5 =	vmul.f32 $5.000000000e-01, v6;
	v6 =	vadd.f32 v10, v9  }
.LBB2_3:
0x37: {  	p1 =	sne.s32 s30, $0xFE00;
	v7 =	vld [tilespmem:s29+$0x9070]  }
0x38: {  	v8 =	vld [tilespmem:s29+$0x5000];
	[tilespmem:s28+$0x15030] =	vst v5;
	v5 =	vmul.f32 $5.000000000e-01, v6;
	v1 =	vadd.f32 v3, v1  }
0x39: {  	v3 =	vld [tilespmem:s29+$0x9000]  }
0x3a: {  	v6 =	vld [tilespmem:s29+$0x5010];
	[tilespmem:s28+$0x15040] =	vst v5;
	v1 =	vmul.f32 $5.000000000e-01, v1;
	v0 =	vadd.f32 v4, v0  }
0x3b: {  	v4 =	vld [tilespmem:s29+$0x9010]  }
0x3c: {  	v5 =	vld [tilespmem:s29+$0x5020];
	v2 =	vadd.f32 v7, v2;
	[tilespmem:s28+$0x15050] =	vst v1;
	v0 =	vmul.f32 $5.000000000e-01, v0  }
0x3d: {  	v1 =	vld [tilespmem:s29+$0x9020]  }
0x3e: {  	v3 =	vadd.f32 v3, v8;
	v7 =	vld [tilespmem:s29+$0x5030];
	v2 =	vmul.f32 $5.000000000e-01, v2;
	[tilespmem:s28+$0x15060] =	vst v0;
	s28 =	smov.u32 s29  }
0x3f: {  	v0 =	vld [tilespmem:s28+$0x9030]  }
0x40: {  	v3 =	vmul.f32 $5.000000000e-01, v3;
	v4 =	vadd.f32 v4, v6;
	v6 =	vld [tilespmem:s28+$0x5040];
	[tilespmem:s28+$0x15070] =	vst v2  }
0x41: {  	v8 =	vld [tilespmem:s28+$0x9040]  }
.Ltmp0:
0x42: {  	[tilespmem:s28+$0x15000] =	vst v3;
	v2 =	vmul.f32 $5.000000000e-01, v4;
	v4 =	vadd.f32 v1, v5;
	v1 =	vld [tilespmem:s28+$0x5050];
	(pc) =	sbr.rel @p1 .LBB2_3-.Ltmp0, $4  }
0x43: {  	v3 =	vld [tilespmem:s28+$0x9050]  }
0x44: {  	[tilespmem:s28+$0x15010] =	vst v2;
	v5 =	vmul.f32 $5.000000000e-01, v4;
	v7 =	vadd.f32 v0, v7;
	v0 =	vld [tilespmem:s28+$0x5060]  }
0x45: {  	s29 =	sshra.s32 s30, $0x2;
	v4 =	vld [tilespmem:s28+$0x9060]  }
0x46: {  	s30 =	sadd.s32 $0x200, s30;
	v2 =	vld [tilespmem:s29+$0x5070];
	[tilespmem:s28+$0x15020] =	vst v5;
	v5 =	vmul.f32 $5.000000000e-01, v7;
	v6 =	vadd.f32 v8, v6  }
0x47: {  	v7 =	vld [tilespmem:s29+$0x9070]  }
0x48: {  	v8 =	vld [tilespmem:s29+$0x5000];
	[tilespmem:s28+$0x15030] =	vst v5;
	v5 =	vmul.f32 $5.000000000e-01, v6;
	v1 =	vadd.f32 v3, v1  }
0x49: {  	v6 =	vld [tilespmem:s29+$0x9000]  }
0x4a: {  	v3 =	vld [tilespmem:s29+$0x5010];
	[tilespmem:s28+$0x15040] =	vst v5;
	v1 =	vmul.f32 $5.000000000e-01, v1;
	v0 =	vadd.f32 v4, v0  }
0x4b: {  	v5 =	vld [tilespmem:s29+$0x9010]  }
0x4c: {  	v4 =	vld [tilespmem:s29+$0x5020];
	[tilespmem:s28+$0x15050] =	vst v1;
	v0 =	vmul.f32 $5.000000000e-01, v0  }
0x4d: {  	v2 =	vadd.f32 v7, v2;
	v1 =	vld [tilespmem:s29+$0x9020]  }
0x4e: {  	v7 =	vld [tilespmem:s29+$0x5030];
	[tilespmem:s28+$0x15060] =	vst v0  }
0x4f: {  	v0 =	vadd.f32 v6, v8;
	v2 =	vmul.f32 $5.000000000e-01, v2;
	v6 =	vld [tilespmem:s29+$0x9030]  }
0x50: {  	v8 =	vld [tilespmem:s29+$0x5040]  }
0x51: {  	v9 =	vld [tilespmem:s29+$0x9060];
	v0 =	vmul.f32 $5.000000000e-01, v0;
	[tilespmem:s29+$0x15070] =	vst v2;
	v2 =	vadd.f32 v5, v3  }
0x52: {  	v3 =	vld [tilespmem:s29+$0x9040]  }
0x53: {  	v5 =	vld [tilespmem:s29+$0x9050];
	[tilespmem:s29+$0x15000] =	vst v0;
	v0 =	vmul.f32 $5.000000000e-01, v2  }
0x54: {  	v2 =	vld [tilespmem:s29+$0x5050]  }
0x55: {  	[tilespmem:s29+$0x15010] =	vst v0;
	v0 =	vld [tilespmem:s29+$0x5060]  }
0x56: {  	v1 =	vadd.f32 v1, v4  }
0x57: {  	v4 =	vadd.f32 v6, v7  }
0x58: {  	v1 =	vmul.f32 $5.000000000e-01, v1;
	v3 =	vadd.f32 v3, v8  }
0x59: {  	v4 =	vmul.f32 $5.000000000e-01, v4;
	v2 =	vadd.f32 v5, v2  }
0x5a: {  	[tilespmem:s29+$0x15020] =	vst v1;
	v1 =	vmul.f32 $5.000000000e-01, v3;
	v0 =	vadd.f32 v9, v0  }
0x5b: {  	s28 =	sshll.u32 s24, $0xF;
	[tilespmem:s29+$0x15030] =	vst v4;
	v2 =	vmul.f32 $5.000000000e-01, v2  }
0x5c: {  	s28 =	sadd.s32 s8, s28;
	[tilespmem:s29+$0x15040] =	vst v1;
	v0 =	vmul.f32 $5.000000000e-01, v0  }
0x5d: {  	s28 =	sshrl.u32 s28, $0x3;
	[tilespmem:s29+$0x15050] =	vst v2  }
0x5e: {  	s28 =	sadd.s32 s4, s28;
	[tilespmem:s29+$0x15060] =	vst v0  }
0x5f: {  	[hbm4b:s28+s2] =	stream.linear.scatter [tilespmem:s18], [sflag:$0x3], $0x4000, $0x38;
	[tilespmem:$0x1D000] =	vst v63  }
0x60: {  	_ =	swait.ge [sflag:s19], $0x4000  }
0x61: {  	[sflag:s19] =	ssyncset.done $0x0  }
0x62: {  	[sflag:s19] =	ssyncadd.s32 $0xFFFFC000  }
0x63: {  	_ =	swait.ge [sflag:s19], $0x4000  }
0x64: {  	s26 =	sshll.u32 s26, $0x7;
	[sflag:s19] =	ssyncset.done $0x0  }
0x65: {  	s28 =	sadd.s32 $0x100, s26;
	[sflag:s19] =	ssyncadd.s32 $0xFFFFC000  }
0x66: {  	[tilespmem:s13], [sflag:$0x1] =	stream.indirect.gather [hbm4b:s3+s12], $0x80, s28, s12, $0xb8;
	[tilespmem:$0x1D000] =	vst v63  }
0x67: {  	s26 =	sadd.s32 $0x2900, s26  }
0x68: {  	[tilespmem:s14], [sflag:$0x1] =	stream.indirect.gather [hbm4b:s3+s12], $0x80, s26, s12, $0xb8;
	[tilespmem:$0x1D000] =	vst v63  }
0x69: {  	s26 =	simm.s32 @!p0 $0x4  }
0x6a: {  	_ =	swait.ge @!p0 [sflag:s26], $0x4000  }
0x6b: {  	[sflag:s26] =	ssyncset.done @!p0 $0x0  }
0x6c: {  	[sflag:s26] =	ssyncadd.s32 @!p0 $0xFFFFC000;
	s26 =	simm.s32 $0x0  }
0x6d: {  	v0 =	vld [tilespmem:s26+$0xD070]  }
0x6e: {  	v1 =	vld [tilespmem:s26+$0x11070]  }
0x6f: {  	v2 =	vld [tilespmem:s26+$0xD000]  }
0x70: {  	v3 =	vld [tilespmem:s26+$0x11000]  }
0x71: {  	v4 =	vld [tilespmem:s26+$0xD010]  }
0x72: {  	v5 =	vld [tilespmem:s26+$0x11010]  }
0x73: {  	v6 =	vld [tilespmem:s26+$0xD020]  }
0x74: {  	v0 =	vadd.f32 v1, v0;
	v1 =	vld [tilespmem:s26+$0x11020]  }
0x75: {  	v7 =	vld [tilespmem:s26+$0xD030]  }
0x76: {  	v8 =	vld [tilespmem:s26+$0x11030];
	v2 =	vadd.f32 v3, v2;
	v0 =	vmul.f32 $5.000000000e-01, v0  }
0x77: {  	v63 =	vld [tilespmem:s26+$0xD040]  }
0x78: {  	v10 =	vld [tilespmem:s26+$0x11040];
	v2 =	vmul.f32 $5.000000000e-01, v2;
	[tilespmem:s26+$0x19070] =	vst v0;
	v0 =	vadd.f32 v5, v4  }
0x79: {  	v3 =	vld [tilespmem:s26+$0x11050];
	v1 =	vadd.f32 v1, v6  }
0x7a: {  	[tilespmem:s26+$0x19000] =	vst v2;
	v2 =	vld [tilespmem:s26+$0xD050];
	v0 =	vmul.f32 $5.000000000e-01, v0  }
0x7b: {  	v4 =	vld [tilespmem:s26+$0x11060];
	v6 =	vadd.f32 v8, v7;
	v5 =	vmul.f32 $5.000000000e-01, v1  }
0x7c: {  	s28 =	simm.s32 $0x80;
	[tilespmem:s26+$0x19010] =	vst v0;
	v0 =	vld [tilespmem:s26+$0xD060]  }
0x7d: {  	s29 =	simm.s32 $0x400;
	v1 =	vld [tilespmem:s28+$0xD070];
	[tilespmem:s26+$0x19020] =	vst v5;
	v5 =	vmul.f32 $5.000000000e-01, v6;
	v6 =	vadd.f32 v10, v63  }
.LBB2_5:
0x7e: {  	p0 =	sne.s32 s29, $0xFE00;
	v7 =	vld [tilespmem:s28+$0x11070]  }
0x7f: {  	v8 =	vld [tilespmem:s28+$0xD000];
	[tilespmem:s26+$0x19030] =	vst v5;
	v5 =	vmul.f32 $5.000000000e-01, v6;
	v2 =	vadd.f32 v3, v2  }
0x80: {  	v3 =	vld [tilespmem:s28+$0x11000]  }
0x81: {  	v6 =	vld [tilespmem:s28+$0xD010];
	[tilespmem:s26+$0x19040] =	vst v5;
	v2 =	vmul.f32 $5.000000000e-01, v2;
	v0 =	vadd.f32 v4, v0  }
0x82: {  	v4 =	vld [tilespmem:s28+$0x11010]  }
0x83: {  	v5 =	vld [tilespmem:s28+$0xD020];
	v1 =	vadd.f32 v7, v1;
	[tilespmem:s26+$0x19050] =	vst v2;
	v0 =	vmul.f32 $5.000000000e-01, v0  }
0x84: {  	v2 =	vld [tilespmem:s28+$0x11020]  }
0x85: {  	v3 =	vadd.f32 v3, v8;
	v7 =	vld [tilespmem:s28+$0xD030];
	v1 =	vmul.f32 $5.000000000e-01, v1;
	[tilespmem:s26+$0x19060] =	vst v0;
	s26 =	smov.u32 s28  }
0x86: {  	v0 =	vld [tilespmem:s26+$0x11030]  }
0x87: {  	v3 =	vmul.f32 $5.000000000e-01, v3;
	v4 =	vadd.f32 v4, v6;
	v6 =	vld [tilespmem:s26+$0xD040];
	[tilespmem:s26+$0x19070] =	vst v1  }
0x88: {  	v8 =	vld [tilespmem:s26+$0x11040]  }
.Ltmp1:
0x89: {  	[tilespmem:s26+$0x19000] =	vst v3;
	v1 =	vmul.f32 $5.000000000e-01, v4;
	v4 =	vadd.f32 v2, v5;
	v2 =	vld [tilespmem:s26+$0xD050];
	(pc) =	sbr.rel @p0 .LBB2_5-.Ltmp1, $4  }
0x8a: {  	v3 =	vld [tilespmem:s26+$0x11050]  }
0x8b: {  	[tilespmem:s26+$0x19010] =	vst v1;
	v5 =	vmul.f32 $5.000000000e-01, v4;
	v7 =	vadd.f32 v0, v7;
	v0 =	vld [tilespmem:s26+$0xD060]  }
0x8c: {  	s28 =	sshra.s32 s29, $0x2;
	v4 =	vld [tilespmem:s26+$0x11060]  }
0x8d: {  	s29 =	sadd.s32 $0x200, s29;
	v1 =	vld [tilespmem:s28+$0xD070];
	[tilespmem:s26+$0x19020] =	vst v5;
	v5 =	vmul.f32 $5.000000000e-01, v7;
	v6 =	vadd.f32 v8, v6  }
0x8e: {  	v7 =	vld [tilespmem:s28+$0x11070]  }
0x8f: {  	v8 =	vld [tilespmem:s28+$0xD000];
	[tilespmem:s26+$0x19030] =	vst v5;
	v48 =	vmul.f32 $5.000000000e-01, v6;
	v2 =	vadd.f32 v3, v2  }
0x90: {  	v49 =	vld [tilespmem:s28+$0x11000]  }
0x91: {  	v50 =	vld [tilespmem:s28+$0xD010];
	[tilespmem:s26+$0x19040] =	vst v48;
	v2 =	vmul.f32 $5.000000000e-01, v2;
	v0 =	vadd.f32 v4, v0  }
0x92: {  	v5 =	vld [tilespmem:s28+$0x11010]  }
0x93: {  	v51 =	vld [tilespmem:s28+$0xD020];
	[tilespmem:s26+$0x19050] =	vst v2;
	v0 =	vmul.f32 $5.000000000e-01, v0  }
0x94: {  	v2 =	vld [tilespmem:s28+$0x11020]  }
0x95: {  	v52 =	vld [tilespmem:s28+$0xD030];
	[tilespmem:s26+$0x19060] =	vst v0  }
0x96: {  	v54 =	vld [tilespmem:s28+$0x11030]  }
0x97: {  	v55 =	vld [tilespmem:s28+$0xD040]  }
0x98: {  	v57 =	vld [tilespmem:s28+$0x11040]  }
0x99: {  	v59 =	vld [tilespmem:s28+$0xD050]  }
0x9a: {  	v1 =	vadd.f32 v7, v1;
	v60 =	vld [tilespmem:s28+$0x11050]  }
0x9b: {  	v53 =	vadd.f32 v49, v8;
	v61 =	vld [tilespmem:s28+$0xD060]  }
0x9c: {  	v1 =	vmul.f32 $5.000000000e-01, v1;
	v9 =	vld [tilespmem:s28+$0x11060];
	v56 =	vadd.f32 v5, v50  }
0x9d: {  	v0 =	vmul.f32 $5.000000000e-01, v53;
	v2 =	vadd.f32 v2, v51  }
0x9e: {  	[tilespmem:s28+$0x19070] =	vst v1;
	v58 =	vmul.f32 $5.000000000e-01, v56;
	v62 =	vadd.f32 v54, v52  }
0x9f: {  	[tilespmem:s28+$0x19000] =	vst v0;
	v2 =	vmul.f32 $5.000000000e-01, v2;
	v3 =	vadd.f32 v57, v55  }
0xa0: {  	s24 =	sadd.s32 $0x1, s24;
	[tilespmem:s28+$0x19010] =	vst v58;
	v1 =	vadd.f32 v60, v59;
	v4 =	vmul.f32 $5.000000000e-01, v62  }
0xa1: {  	p0 =	sne.s32 s24, $0x28;
	v0 =	vadd.f32 v9, v61;
	[tilespmem:s28+$0x19020] =	vst v2;
	v63 =	vmul.f32 $5.000000000e-01, v3  }
.Ltmp2:
0xa2: {  	v1 =	vmul.f32 $5.000000000e-01, v1;
	[tilespmem:s28+$0x19030] =	vst v4;
	(pc) =	sbr.rel @p0 .LBB2_2-.Ltmp2, $4  }
0xa3: {  	s25 =	sadd.s32 s5, s25;
	v0 =	vmul.f32 $5.000000000e-01, v0;
	[tilespmem:s28+$0x19040] =	vst v63  }
0xa4: {  	s25 =	sshll.u32 s25, $0x4;
	[tilespmem:s28+$0x19050] =	vst v1  }
0xa5: {  	s25 =	sadd.s32 s4, s25;
	[tilespmem:s28+$0x19060] =	vst v0  }
0xa6: {  	[hbm4b:s25+s2] =	stream.linear.scatter [tilespmem:s20], [sflag:$0x4], $0x4000, $0x38;
	[tilespmem:$0x1D000] =	vst v63  }
0xa7: {  	_ =	swait.ge [sflag:s15], $0x4000  }
0xa8: {  	[sflag:s15] =	ssyncset.done $0x0  }
0xa9: {  	[sflag:s15] =	ssyncadd.s32 $0xFFFFC000  }
0xaa: {  	_ =	swait.ge [sflag:s15], $0x4000  }
0xab: {  	[sflag:s15] =	ssyncset.done $0x0  }
0xac: {  	s23 =	sadd.s32 $0x1, s23;
	[sflag:s15] =	ssyncadd.s32 $0xFFFFC000  }
0xad: {  	p0 =	sne.s32 s23, s9;
	_ =	swait.ge [sflag:s21], $0x4000  }
.Ltmp3:
0xae: {  	[sflag:s21] =	ssyncset.done $0x0;
	(pc) =	sbr.rel @p0 .LBB2_1-.Ltmp3, $4  }
0xaf: {  	[sflag:s21] =	ssyncadd.s32 $0xFFFFC000  }
0xb0: {  	_ =	swait.ge [sflag:s22], $0x4000  }
0xb1: {  	[sflag:s22] =	ssyncset.done $0x0  }
0xb2: {  	[sflag:s22] =	ssyncadd.s32 $0xFFFFC000  }
0xb3: {  	_ =	sfence.sel $0x180000  }
0xb4: {  	[bflag:$0x0] =	sbarrier.arrive $0xFFFF  }
0xb5: {  	p0 =	sne.s32 s1, $0x0;
	_ =	strace $0x90000050  }
0xb6: {  	s0 =	sadd.s32 @!p0 $0x100000, s0;
	[bflag:$0x2] =	sbarrier.arrive $0xFFFF  }
0xb7: {  	[sflag:s0] =	ssyncadd.tile.s32 @!p0 $0x1;
	_ =	shalt  }
.Lfunc_end2:
_tile_overlayer_lowered:
.L_overlay_start_2:
0xb8: {  	(tag) =	ssettag $0x2  }
0xb9: {  	s0 =	rddreg [dreg:$0x0];
	s2 =	stileid.u32  }
0xba: {  	s1 =	rddreg [dreg:$0x1];
	p0 =	sne.s32 s2, $0x0  }
0xbb: {  	s3 =	rddreg [dreg:$0x2];
	[bflag:$0x3] =	sbarrier.arrive $0xFFFF;
	s2 =	simm.s32 @!p0 $0x1C05  }
0xbc: {  	[timem:s3], [sflag:s2] =	dma.local @!p0 [hbm:s0], s1  }
0xbd: {  	s0 =	simm.s32 @!p0 $0x5  }
0xbe: {  	_ =	swait.ge @!p0 [sflag:s0], s1  }
0xbf: {  	s1 =	ssub.s32 @!p0 $0x0, s1;
	[sflag:s0] =	ssyncset.done @!p0 $0x0  }
0xc0: {  	[sflag:s0] =	ssyncadd.s32 @!p0 s1  }
0xc1: {  	[bflag:$0x3] =	sbarrier.arrive $0xFFFF  }
0xc2: {  	_ =	shalt  }

</sc_bundles>
